<compile_context>
chip_gen: v7x
topology: tpu7x:2x2x1
jax: 0.10.2.dev20260603
libtpu: 0.0.44.dev20260713+nightly
codegen_flags: <defaults>
</compile_context>

<pallas_src>
import jax
import jax.numpy as jnp
from jax import lax
from jax.experimental import pallas as pl
from jax.experimental.pallas import tpu as pltpu
from jax.experimental.pallas import tpu_sc as plsc

_NC = 2
_NS = 16
_NW = _NC * _NS
_L = 16
_N = 16384
_D = 1024
_F = 4096
_RPW = (_N - _F) // _NW
_G = 16
_DUMP = _RPW + _L
_TC_ROWS = 512


def _sc_body(x_hbm, p_hbm, m_hbm, sums_hbm,
             mask_v, idx_v, xb0, pb0, xb1, pb1, xb2, pb2, accb,
             sem0, sem1, sem2):
    wid = lax.axis_index("s") * _NC + lax.axis_index("c")
    base = _F + wid * _RPW

    pltpu.sync_copy(m_hbm.at[pl.ds(base, _RPW)], mask_v)

    lane = lax.iota(jnp.int32, _L)

    def _compact(i, cnt):
        m = mask_v[pl.ds(i * _L, _L)]
        s = m
        for k in (1, 2, 4, 8):
            sh = s.at[jnp.maximum(lane - k, 0)].get(mode="promise_in_bounds")
            s = s + jnp.where(lane >= k, sh, 0)
        pos = jnp.where(m > 0, cnt + s - m, _DUMP + lane)
        plsc.store_scatter(idx_v, [pos], (base + i * _L) + lane)
        return cnt + s[_L - 1]

    cnt = lax.fori_loop(0, _RPW // _L, _compact, jnp.int32(0))

    idx_v[pl.ds(cnt, _L)] = jnp.full((_L,), base, jnp.int32)

    accb[...] = jnp.zeros((_L,), jnp.float32)
    nchunks = (cnt + (_G - 1)) // _G

    def start(ci, xb, pb, sem):
        isl = idx_v.at[pl.ds(ci * _G, _G)]
        pltpu.async_copy(x_hbm.at[isl], xb, sem)
        pltpu.async_copy(p_hbm.at[isl], pb, sem)

    def waitfor(xb, pb, sem):
        pltpu.make_async_copy(x_hbm.at[pl.ds(0, _G)], xb, sem).wait()
        pltpu.make_async_copy(p_hbm.at[pl.ds(0, _G)], pb, sem).wait()

    def compute(ci, xb, pb):
        vrows = jnp.minimum(cnt - ci * _G, _G)

        def row(j, accs):
            def kb(k, ac):
                a0, a1 = ac
                for u in range(8):
                    off = (k * 8 + u) * _L
                    d = pb[j, pl.ds(off, _L)] - xb[j, pl.ds(off, _L)]
                    if u % 2 == 0:
                        a0 = a0 + d * d
                    else:
                        a1 = a1 + d * d
                return (a0, a1)

            return lax.fori_loop(0, _D // _L // 8, kb, accs)

        z = jnp.zeros((_L,), jnp.float32)
        a0, a1 = lax.fori_loop(0, vrows, row, (z, z))
        accb[...] = accb[...] + a0 + a1

    slots = ((xb0, pb0, sem0), (xb1, pb1, sem1), (xb2, pb2, sem2))
    nbuf = len(slots)

    for b in range(nbuf):
        @pl.when(b < nchunks)
        def _prime(b=b):
            start(b, *slots[b])

    def chunk_group(h, carry):
        c0 = h * nbuf
        for b in range(nbuf):
            xb, pb, sem = slots[b]

            @pl.when(c0 + b < nchunks)
            def _go(b=b, xb=xb, pb=pb, sem=sem):
                waitfor(xb, pb, sem)
                compute(c0 + b, xb, pb)

                @pl.when(c0 + b + nbuf < nchunks)
                def _next():
                    start(c0 + b + nbuf, xb, pb, sem)

        return carry

    lax.fori_loop(0, (nchunks + nbuf - 1) // nbuf, chunk_group, jnp.int32(0))

    pltpu.sync_copy(accb, sums_hbm.at[wid])


def _tc_block(x_ref, p_ref, m_ref, msc_ref, sum_ref, cnt_ref):
    i = pl.program_id(0)

    @pl.when(i == 0)
    def _init():
        sum_ref[0, 0] = 0.0
        cnt_ref[0, 0] = 0.0

    m = m_ref[0]
    d = p_ref[...] - x_ref[...]
    masked = jax.lax.dot_general(
        m, d * d, (((1,), (0,)), ((), ())),
        preferred_element_type=jnp.float32,
    )
    sum_ref[0, 0] += jnp.sum(masked)

    @pl.when(i == 0)
    def _count_all():
        cnt_ref[0, 0] += jnp.sum(msc_ref[...])


@jax.jit
def _masked_mse(xf, pf, mask):
    mi = mask.astype(jnp.int32)
    mf3 = mask.astype(jnp.float32).reshape(_N // _TC_ROWS, 1, _TC_ROWS)

    mesh = plsc.VectorSubcoreMesh(core_axis_name="c", subcore_axis_name="s")
    sc_sums = pl.kernel(
        _sc_body,
        out_type=jax.ShapeDtypeStruct((_NW, _L), jnp.float32),
        mesh=mesh,
        compiler_params=pltpu.CompilerParams(
            needs_layout_passes=False, skip_device_barrier=True
        ),
        scratch_types=[
            pltpu.VMEM((_RPW,), jnp.int32),
            pltpu.VMEM((_RPW + 2 * _L,), jnp.int32),
            pltpu.VMEM((_G, _D), jnp.float32),
            pltpu.VMEM((_G, _D), jnp.float32),
            pltpu.VMEM((_G, _D), jnp.float32),
            pltpu.VMEM((_G, _D), jnp.float32),
            pltpu.VMEM((_G, _D), jnp.float32),
            pltpu.VMEM((_G, _D), jnp.float32),
            pltpu.VMEM((_L,), jnp.float32),
            pltpu.SemaphoreType.DMA,
            pltpu.SemaphoreType.DMA,
            pltpu.SemaphoreType.DMA,
        ],
    )(xf, pf, mi)

    tc_sum, tc_cnt = pl.pallas_call(
        _tc_block,
        grid=(_F // _TC_ROWS,),
        in_specs=[
            pl.BlockSpec((_TC_ROWS, _D), lambda i: (i, 0)),
            pl.BlockSpec((_TC_ROWS, _D), lambda i: (i, 0)),
            pl.BlockSpec((1, 1, _TC_ROWS), lambda i: (i, 0, 0)),
            pl.BlockSpec(
                (_N // _TC_ROWS, 1, _TC_ROWS), lambda i: (0, 0, 0)
            ),
        ],
        out_specs=[
            pl.BlockSpec(memory_space=pltpu.SMEM),
            pl.BlockSpec(memory_space=pltpu.SMEM),
        ],
        out_shape=[
            jax.ShapeDtypeStruct((1, 1), jnp.float32),
            jax.ShapeDtypeStruct((1, 1), jnp.float32),
        ],
    )(xf, pf, mf3, mf3)

    total = tc_sum[0, 0] + jnp.sum(sc_sums)
    cnt = tc_cnt[0, 0] * _D
    loss = total / jnp.maximum(cnt, 1.0)
    return jnp.where(cnt == 0, jnp.asarray(0.0, dtype=xf.dtype), loss)


def kernel(x, predictions, mask):
    b, s, d = x.shape
    n = b * s
    xf = x.reshape(n, d)
    pf = predictions.reshape(n, d)
    return _masked_mse(xf, pf, mask.reshape(n))

# --- scband reference (transcript-rebuilt; emitter-appended) ---
"""Pipeline reference for scband-masked-signal-modeling-84258668413049 (READ-ONLY COPY).

The authoritative reference and input builder live on the scoring server;
editing this copy changes nothing except your own understanding.
"""

import jax, jax.numpy as jnp
import numpy as np


def setup_inputs(seed: int = 0) -> dict:
    key = jax.random.key(seed)
    k1, k2, k3 = jax.random.split(key, 3)
    x = jax.random.normal(k1, (4, 4096, 1024), dtype=jnp.float32)
    predictions = jax.random.normal(k2, (4, 4096, 1024), dtype=jnp.float32)
    mask = jax.random.randint(k3, (4, 4096), 0, 2).astype(jnp.bool_)
    return {"x": x, "predictions": predictions, "mask": mask}


def reference(x, predictions, mask):
    # expand mask over feature dim: (B, S) -> (B, S, D)
    mask_expanded = jnp.broadcast_to(mask[..., None], x.shape)
    mask_f = mask_expanded.astype(x.dtype)
    # MSE over masked positions only: mean of (pred - target)^2 on masked elems
    diff2 = (predictions - x) ** 2
    total = jnp.sum(diff2 * mask_f)
    count = jnp.sum(mask_f)
    loss = total / jnp.maximum(count, 1.0)
    # if no masked elements, loss is 0.0 (matches torch branch)
    return jnp.where(count == 0, jnp.asarray(0.0, dtype=x.dtype), loss)

if __name__ == "__main__":
    import jax
    _d = setup_inputs()
    print(jax.jit(kernel)(*tuple(_d.values())))

</pallas_src>

<mosaic_0001>
#map = affine_map<(d0, d1) -> (0, 0)>
#map1 = affine_map<(d0, d1) -> (0)>
module attributes {stable_mosaic.version = 14 : i64} {
  func.func @_sc_body(%arg0: i32, %arg1: i32, %arg2: memref<16384x1024xf32, #tpu.memory_space<hbm>>, %arg3: memref<16384x1024xf32, #tpu.memory_space<hbm>>, %arg4: memref<16384xi32, #tpu.memory_space<hbm>>, %arg5: memref<32x16xf32, #tpu.memory_space<hbm>>, %arg6: memref<384xi32, #tpu.memory_space<vmem>>, %arg7: memref<416xi32, #tpu.memory_space<vmem>>, %arg8: memref<16x1024xf32, #tpu.memory_space<vmem>>, %arg9: memref<16x1024xf32, #tpu.memory_space<vmem>>, %arg10: memref<16x1024xf32, #tpu.memory_space<vmem>>, %arg11: memref<16x1024xf32, #tpu.memory_space<vmem>>, %arg12: memref<16x1024xf32, #tpu.memory_space<vmem>>, %arg13: memref<16x1024xf32, #tpu.memory_space<vmem>>, %arg14: memref<16xf32, #tpu.memory_space<vmem>>, %arg15: memref<!tpu.dma_semaphore, #tpu.memory_space<semaphore_mem>>, %arg16: memref<!tpu.dma_semaphore, #tpu.memory_space<semaphore_mem>>, %arg17: memref<!tpu.dma_semaphore, #tpu.memory_space<semaphore_mem>>) attributes {dimension_semantics = [#tpu.dimension_semantics<core_parallel>, #tpu.dimension_semantics<subcore_parallel>], iteration_bounds = array<i64: 2, 16>, scalar_prefetch = 0 : i64, scratch_operands = 12 : i64, tpu.core_type = #tpu.core_type<sc_vector_subcore>, window_params = [{transform_indices = #map}, {transform_indices = #map}, {transform_indices = #map1}, {transform_indices = #map}]} {
    %mul3A = arith.constant 2 : i32
    %mul3A_0 = arith.muli %arg1, %mul3A : i32
    %add3A = arith.addi %mul3A_0, %arg0 : i32
    %mul3A_1 = arith.constant 384 : i32
    %mul3A_2 = arith.muli %add3A, %mul3A_1 : i32
    %add3A_3 = arith.constant 4096 : i32
    %add3A_4 = arith.addi %add3A_3, %mul3A_2 : i32
    "tpu.region"() ({
      %run_scoped3A = tpu.sem_alloc : memref<!tpu.dma_semaphore, #tpu.memory_space<semaphore_mem>>
      %dma_start3A = tpu.memref_slice %arg4[%add3A_4] : memref<16384xi32, #tpu.memory_space<hbm>> -> memref<384xi32, #tpu.memory_space<hbm>>
      %dma_start3A_83 = tpu.memref_slice %arg4[%add3A_4] : memref<16384xi32, #tpu.memory_space<hbm>> -> memref<384xi32, #tpu.memory_space<hbm>>
      tpu.enqueue_dma source(%dma_start3A_83 : memref<384xi32, #tpu.memory_space<hbm>>) target(%arg6 : memref<384xi32, #tpu.memory_space<vmem>>) target_semaphore(%run_scoped3A : memref<!tpu.dma_semaphore, #tpu.memory_space<semaphore_mem>>)
      %dma_wait3A = tpu.memref_slice %arg4[%add3A_4] : memref<16384xi32, #tpu.memory_space<hbm>> -> memref<384xi32, #tpu.memory_space<hbm>>
      %dma_wait3A_84 = tpu.memref_slice %arg4[%add3A_4] : memref<16384xi32, #tpu.memory_space<hbm>> -> memref<384xi32, #tpu.memory_space<hbm>>
      tpu.wait_dma2 semaphore(%run_scoped3A : memref<!tpu.dma_semaphore, #tpu.memory_space<semaphore_mem>>) src(%dma_wait3A_84 : memref<384xi32, #tpu.memory_space<hbm>>) dst(%arg6 : memref<384xi32, #tpu.memory_space<vmem>>)
      tpu.yield
    }) : () -> ()
    %iota3A = tpu.iota {dimensions = array<i32: 0>} : vector<16xi32>
    %scan3A = arith.constant 0 : i32
    %scan3A_5 = arith.constant 0 : i32
    %scan3A_6 = arith.constant 24 : i32
    %scan3A_7 = arith.addi %scan3A_5, %scan3A_6 : i32
    %scan3A_8 = arith.constant 1 : i32
    %scan3A_9 = scf.for %scan3A_83 = %scan3A_5 to %scan3A_7 step %scan3A_8 iter_args(%scan3A_84 = %scan3A) -> (i32)  : i32 {
      %mul3A_85 = arith.constant 16 : i32
      %mul3A_86 = arith.muli %scan3A_83, %mul3A_85 : i32
      %get3A = arith.index_cast %mul3A_86 : i32 to index
      %get3A_87 = tpu.vector_load %arg6[%get3A] {strides = array<i32>} : memref<384xi32, #tpu.memory_space<vmem>>, vector<16xi32>,
      %sub3A_88 = arith.constant 1 : i32
      %sub3A_89 = vector.broadcast %sub3A_88 : i32 to vector<16xi32>
      %sub3A_90 = arith.subi %iota3A, %sub3A_89 : vector<16xi32>
      %max3A = arith.constant 0 : i32
      %max3A_91 = vector.broadcast %max3A : i32 to vector<16xi32>
      %max3A_92 = arith.maxsi %sub3A_90, %max3A_91 : vector<16xi32>
      %lt3A = arith.constant 0 : i32
      %lt3A_93 = vector.broadcast %lt3A : i32 to vector<16xi32>
      %lt3A_94 = arith.cmpi slt, %max3A_92, %lt3A_93 : vector<16xi32>
      %add3A_95 = arith.constant 16 : i32
      %add3A_96 = vector.broadcast %add3A_95 : i32 to vector<16xi32>
      %add3A_97 = arith.addi %max3A_92, %add3A_96 : vector<16xi32>
      %select_n3A_98 = arith.select %lt3A_94, %add3A_97, %max3A_92 : vector<16xi1>, vector<16xi32>
      %broadcast_in_dim3A_99 = vector.shape_cast %select_n3A_98 : vector<16xi32> to vector<16x1xi32>
      %gather3A = vector.shape_cast %broadcast_in_dim3A_99 : vector<16x1xi32> to vector<16xi32>
      %gather3A_100 = tpu.dynamic_gather %get3A_87[%gather3A] in [0] : vector<16xi32>, vector<16xi32> -> vector<16xi32>
      %ge3A = arith.constant 1 : i32
      %ge3A_101 = vector.broadcast %ge3A : i32 to vector<16xi32>
      %ge3A_102 = arith.cmpi sge, %iota3A, %ge3A_101 : vector<16xi32>
      %jit3A_103 = arith.constant 0 : i32
      %broadcast_in_dim3A_104 = vector.broadcast %jit3A_103 : i32 to vector<16xi32>
      %select_n3A_105 = arith.select %ge3A_102, %gather3A_100, %broadcast_in_dim3A_104 : vector<16xi1>, vector<16xi32>
      %add3A_106 = arith.addi %get3A_87, %select_n3A_105 : vector<16xi32>
      %sub3A_107 = arith.constant 2 : i32
      %sub3A_108 = vector.broadcast %sub3A_107 : i32 to vector<16xi32>
      %sub3A_109 = arith.subi %iota3A, %sub3A_108 : vector<16xi32>
      %max3A_110 = arith.constant 0 : i32
      %max3A_111 = vector.broadcast %max3A_110 : i32 to vector<16xi32>
      %max3A_112 = arith.maxsi %sub3A_109, %max3A_111 : vector<16xi32>
      %lt3A_113 = arith.constant 0 : i32
      %lt3A_114 = vector.broadcast %lt3A_113 : i32 to vector<16xi32>
      %lt3A_115 = arith.cmpi slt, %max3A_112, %lt3A_114 : vector<16xi32>
      %add3A_116 = arith.constant 16 : i32
      %add3A_117 = vector.broadcast %add3A_116 : i32 to vector<16xi32>
      %add3A_118 = arith.addi %max3A_112, %add3A_117 : vector<16xi32>
      %select_n3A_119 = arith.select %lt3A_115, %add3A_118, %max3A_112 : vector<16xi1>, vector<16xi32>
      %broadcast_in_dim3A_120 = vector.shape_cast %select_n3A_119 : vector<16xi32> to vector<16x1xi32>
      %gather3A_121 = vector.shape_cast %broadcast_in_dim3A_120 : vector<16x1xi32> to vector<16xi32>
      %gather3A_122 = tpu.dynamic_gather %add3A_106[%gather3A_121] in [0] : vector<16xi32>, vector<16xi32> -> vector<16xi32>
      %ge3A_123 = arith.constant 2 : i32
      %ge3A_124 = vector.broadcast %ge3A_123 : i32 to vector<16xi32>
      %ge3A_125 = arith.cmpi sge, %iota3A, %ge3A_124 : vector<16xi32>
      %jit3A_126 = arith.constant 0 : i32
      %broadcast_in_dim3A_127 = vector.broadcast %jit3A_126 : i32 to vector<16xi32>
      %select_n3A_128 = arith.select %ge3A_125, %gather3A_122, %broadcast_in_dim3A_127 : vector<16xi1>, vector<16xi32>
      %add3A_129 = arith.addi %add3A_106, %select_n3A_128 : vector<16xi32>
      %sub3A_130 = arith.constant 4 : i32
      %sub3A_131 = vector.broadcast %sub3A_130 : i32 to vector<16xi32>
      %sub3A_132 = arith.subi %iota3A, %sub3A_131 : vector<16xi32>
      %max3A_133 = arith.constant 0 : i32
      %max3A_134 = vector.broadcast %max3A_133 : i32 to vector<16xi32>
      %max3A_135 = arith.maxsi %sub3A_132, %max3A_134 : vector<16xi32>
      %lt3A_136 = arith.constant 0 : i32
      %lt3A_137 = vector.broadcast %lt3A_136 : i32 to vector<16xi32>
      %lt3A_138 = arith.cmpi slt, %max3A_135, %lt3A_137 : vector<16xi32>
      %add3A_139 = arith.constant 16 : i32
      %add3A_140 = vector.broadcast %add3A_139 : i32 to vector<16xi32>
      %add3A_141 = arith.addi %max3A_135, %add3A_140 : vector<16xi32>
      %select_n3A_142 = arith.select %lt3A_138, %add3A_141, %max3A_135 : vector<16xi1>, vector<16xi32>
      %broadcast_in_dim3A_143 = vector.shape_cast %select_n3A_142 : vector<16xi32> to vector<16x1xi32>
      %gather3A_144 = vector.shape_cast %broadcast_in_dim3A_143 : vector<16x1xi32> to vector<16xi32>
      %gather3A_145 = tpu.dynamic_gather %add3A_129[%gather3A_144] in [0] : vector<16xi32>, vector<16xi32> -> vector<16xi32>
      %ge3A_146 = arith.constant 4 : i32
      %ge3A_147 = vector.broadcast %ge3A_146 : i32 to vector<16xi32>
      %ge3A_148 = arith.cmpi sge, %iota3A, %ge3A_147 : vector<16xi32>
      %jit3A_149 = arith.constant 0 : i32
      %broadcast_in_dim3A_150 = vector.broadcast %jit3A_149 : i32 to vector<16xi32>
      %select_n3A_151 = arith.select %ge3A_148, %gather3A_145, %broadcast_in_dim3A_150 : vector<16xi1>, vector<16xi32>
      %add3A_152 = arith.addi %add3A_129, %select_n3A_151 : vector<16xi32>
      %sub3A_153 = arith.constant 8 : i32
      %sub3A_154 = vector.broadcast %sub3A_153 : i32 to vector<16xi32>
      %sub3A_155 = arith.subi %iota3A, %sub3A_154 : vector<16xi32>
      %max3A_156 = arith.constant 0 : i32
      %max3A_157 = vector.broadcast %max3A_156 : i32 to vector<16xi32>
      %max3A_158 = arith.maxsi %sub3A_155, %max3A_157 : vector<16xi32>
      %lt3A_159 = arith.constant 0 : i32
      %lt3A_160 = vector.broadcast %lt3A_159 : i32 to vector<16xi32>
      %lt3A_161 = arith.cmpi slt, %max3A_158, %lt3A_160 : vector<16xi32>
      %add3A_162 = arith.constant 16 : i32
      %add3A_163 = vector.broadcast %add3A_162 : i32 to vector<16xi32>
      %add3A_164 = arith.addi %max3A_158, %add3A_163 : vector<16xi32>
      %select_n3A_165 = arith.select %lt3A_161, %add3A_164, %max3A_158 : vector<16xi1>, vector<16xi32>
      %broadcast_in_dim3A_166 = vector.shape_cast %select_n3A_165 : vector<16xi32> to vector<16x1xi32>
      %gather3A_167 = vector.shape_cast %broadcast_in_dim3A_166 : vector<16x1xi32> to vector<16xi32>
      %gather3A_168 = tpu.dynamic_gather %add3A_152[%gather3A_167] in [0] : vector<16xi32>, vector<16xi32> -> vector<16xi32>
      %ge3A_169 = arith.constant 8 : i32
      %ge3A_170 = vector.broadcast %ge3A_169 : i32 to vector<16xi32>
      %ge3A_171 = arith.cmpi sge, %iota3A, %ge3A_170 : vector<16xi32>
      %jit3A_172 = arith.constant 0 : i32
      %broadcast_in_dim3A_173 = vector.broadcast %jit3A_172 : i32 to vector<16xi32>
      %select_n3A_174 = arith.select %ge3A_171, %gather3A_168, %broadcast_in_dim3A_173 : vector<16xi1>, vector<16xi32>
      %add3A_175 = arith.addi %add3A_152, %select_n3A_174 : vector<16xi32>
      %gt3A_176 = arith.constant 0 : i32
      %gt3A_177 = vector.broadcast %gt3A_176 : i32 to vector<16xi32>
      %gt3A_178 = arith.cmpi sgt, %get3A_87, %gt3A_177 : vector<16xi32>
      %add3A_179 = vector.broadcast %scan3A_84 : i32 to vector<16xi32>
      %add3A_180 = arith.addi %add3A_179, %add3A_175 : vector<16xi32>
      %sub3A_181 = arith.subi %add3A_180, %get3A_87 : vector<16xi32>
      %add3A_182 = arith.constant 400 : i32
      %add3A_183 = vector.broadcast %add3A_182 : i32 to vector<16xi32>
      %add3A_184 = arith.addi %add3A_183, %iota3A : vector<16xi32>
      %select_n3A_185 = arith.select %gt3A_178, %sub3A_181, %add3A_184 : vector<16xi1>, vector<16xi32>
      %mul3A_186 = arith.constant 16 : i32
      %mul3A_187 = arith.muli %scan3A_83, %mul3A_186 : i32
      %add3A_188 = arith.addi %add3A_4, %mul3A_187 : i32
      %add3A_189 = vector.broadcast %add3A_188 : i32 to vector<16xi32>
      %add3A_190 = arith.addi %add3A_189, %iota3A : vector<16xi32>
      tpu.vector_store_idx %arg7[%select_n3A_185], %add3A_190 : memref<416xi32, #tpu.memory_space<vmem>>[vector<16xi32>], vector<16xi32>,
      %slice3A = vector.extract_strided_slice %add3A_175 {offsets = [15], sizes = [1], strides = [1]} : vector<16xi32> to vector<1xi32>
      %squeeze3A = vector.extract %slice3A[0] : i32 from vector<1xi32>
      %add3A_191 = arith.addi %scan3A_84, %squeeze3A : i32
      scf.yield %add3A_191 : i32
    }
    %scan3A_10 = arith.constant 24 : i32
    %broadcast_in_dim3A = vector.broadcast %add3A_4 : i32 to vector<16xi32>
    %swap3A = arith.index_cast %scan3A_9 : i32 to index
    %swap3A_11 = tpu.vector_load %arg7[%swap3A] {strides = array<i32>} : memref<416xi32, #tpu.memory_space<vmem>>, vector<16xi32>,
    tpu.vector_store %arg7[%swap3A], %broadcast_in_dim3A {strides = array<i32>} : memref<416xi32, #tpu.memory_space<vmem>>, vector<16xi32>,
    %broadcast_in_dim3A_12 = arith.constant 0.000000e+00 : f32
    %broadcast_in_dim3A_13 = vector.broadcast %broadcast_in_dim3A_12 : f32 to vector<16xf32>
    %swap3A_14 = arith.constant 0 : index
    %swap3A_15 = tpu.vector_load %arg14[%swap3A_14] {strides = array<i32>} : memref<16xf32, #tpu.memory_space<vmem>>, vector<16xf32>,
    tpu.vector_store %arg14[%swap3A_14], %broadcast_in_dim3A_13 {strides = array<i32>} : memref<16xf32, #tpu.memory_space<vmem>>, vector<16xf32>,
    %add3A_16 = arith.constant 15 : i32
    %add3A_17 = arith.addi %scan3A_9, %add3A_16 : i32
    %jit3A = arith.constant 16 : i32
    %div3A = arith.divsi %add3A_17, %jit3A : i32
    %sign3A = arith.constant 0 : i32
    %sign3A_18 = arith.cmpi sgt, %add3A_17, %sign3A : i32
    %sign3A_19 = arith.extui %sign3A_18 : i1 to i32
    %sign3A_20 = arith.constant 0 : i32
    %sign3A_21 = arith.cmpi slt, %add3A_17, %sign3A_20 : i32
    %sign3A_22 = arith.extui %sign3A_21 : i1 to i32
    %sign3A_23 = arith.subi %sign3A_19, %sign3A_22 : i32
    %sign3A_24 = arith.constant 0 : i32
    %sign3A_25 = arith.cmpi sgt, %jit3A, %sign3A_24 : i32
    %sign3A_26 = arith.extui %sign3A_25 : i1 to i32
    %sign3A_27 = arith.constant 0 : i32
    %sign3A_28 = arith.cmpi slt, %jit3A, %sign3A_27 : i32
    %sign3A_29 = arith.extui %sign3A_28 : i1 to i32
    %sign3A_30 = arith.subi %sign3A_26, %sign3A_29 : i32
    %ne3A = arith.cmpi ne, %sign3A_23, %sign3A_30 : i32
    %rem3A = arith.remsi %add3A_17, %jit3A : i32
    %ne3A_31 = arith.constant 0 : i32
    %ne3A_32 = arith.cmpi ne, %rem3A, %ne3A_31 : i32
    %and3A = arith.andi %ne3A, %ne3A_32 : i1
    %sub3A = arith.constant 1 : i32
    %sub3A_33 = arith.subi %div3A, %sub3A : i32
    %select_n3A = arith.select %and3A, %sub3A_33, %div3A : i32
    %gt3A = arith.constant 0 : i32
    %gt3A_34 = arith.cmpi sgt, %select_n3A, %gt3A : i32
    %convert_element_type3A = arith.extui %gt3A_34 : i1 to i32
    %cond3A = arith.constant 0 : i32
    %cond3A_35 = arith.cmpi ne, %convert_element_type3A, %cond3A : i32
    scf.if %cond3A_35 {
      %dma_start3A = arith.constant 0 : i32
      %dma_start3A_83 = tpu.memref_slice %arg7[%dma_start3A] : memref<416xi32, #tpu.memory_space<vmem>> -> memref<16xi32, #tpu.memory_space<vmem>>
      %dma_start3A_84 = arith.constant 0 : i32
      %dma_start3A_85 = arith.constant 0 : i32
      %dma_start3A_86 = tpu.memref_slice %arg2[%dma_start3A_84, %dma_start3A_85] : memref<16384x1024xf32, #tpu.memory_space<hbm>> -> memref<16384x1024xf32, #tpu.memory_space<hbm>>
      tpu.enqueue_indirect_dma source(%dma_start3A_86 : memref<16384x1024xf32, #tpu.memory_space<hbm>>) target(%arg8 : memref<16x1024xf32, #tpu.memory_space<vmem>>) offsets(%dma_start3A_83 : memref<16xi32, #tpu.memory_space<vmem>>) semaphore(%arg15 : memref<!tpu.dma_semaphore, #tpu.memory_space<semaphore_mem>>)
      %dma_start3A_87 = arith.constant 0 : i32
      %dma_start3A_88 = tpu.memref_slice %arg7[%dma_start3A_87] : memref<416xi32, #tpu.memory_space<vmem>> -> memref<16xi32, #tpu.memory_space<vmem>>
      %dma_start3A_89 = arith.constant 0 : i32
      %dma_start3A_90 = arith.constant 0 : i32
      %dma_start3A_91 = tpu.memref_slice %arg3[%dma_start3A_89, %dma_start3A_90] : memref<16384x1024xf32, #tpu.memory_space<hbm>> -> memref<16384x1024xf32, #tpu.memory_space<hbm>>
      tpu.enqueue_indirect_dma source(%dma_start3A_91 : memref<16384x1024xf32, #tpu.memory_space<hbm>>) target(%arg9 : memref<16x1024xf32, #tpu.memory_space<vmem>>) offsets(%dma_start3A_88 : memref<16xi32, #tpu.memory_space<vmem>>) semaphore(%arg15 : memref<!tpu.dma_semaphore, #tpu.memory_space<semaphore_mem>>)
    } else {
    }
    %gt3A_36 = arith.constant 1 : i32
    %gt3A_37 = arith.cmpi sgt, %select_n3A, %gt3A_36 : i32
    %convert_element_type3A_38 = arith.extui %gt3A_37 : i1 to i32
    %cond3A_39 = arith.constant 0 : i32
    %cond3A_40 = arith.cmpi ne, %convert_element_type3A_38, %cond3A_39 : i32
    scf.if %cond3A_40 {
      %dma_start3A = arith.constant 16 : i32
      %dma_start3A_83 = tpu.memref_slice %arg7[%dma_start3A] : memref<416xi32, #tpu.memory_space<vmem>> -> memref<16xi32, #tpu.memory_space<vmem>>
      %dma_start3A_84 = arith.constant 0 : i32
      %dma_start3A_85 = arith.constant 0 : i32
      %dma_start3A_86 = tpu.memref_slice %arg2[%dma_start3A_84, %dma_start3A_85] : memref<16384x1024xf32, #tpu.memory_space<hbm>> -> memref<16384x1024xf32, #tpu.memory_space<hbm>>
      tpu.enqueue_indirect_dma source(%dma_start3A_86 : memref<16384x1024xf32, #tpu.memory_space<hbm>>) target(%arg10 : memref<16x1024xf32, #tpu.memory_space<vmem>>) offsets(%dma_start3A_83 : memref<16xi32, #tpu.memory_space<vmem>>) semaphore(%arg16 : memref<!tpu.dma_semaphore, #tpu.memory_space<semaphore_mem>>)
      %dma_start3A_87 = arith.constant 16 : i32
      %dma_start3A_88 = tpu.memref_slice %arg7[%dma_start3A_87] : memref<416xi32, #tpu.memory_space<vmem>> -> memref<16xi32, #tpu.memory_space<vmem>>
      %dma_start3A_89 = arith.constant 0 : i32
      %dma_start3A_90 = arith.constant 0 : i32
      %dma_start3A_91 = tpu.memref_slice %arg3[%dma_start3A_89, %dma_start3A_90] : memref<16384x1024xf32, #tpu.memory_space<hbm>> -> memref<16384x1024xf32, #tpu.memory_space<hbm>>
      tpu.enqueue_indirect_dma source(%dma_start3A_91 : memref<16384x1024xf32, #tpu.memory_space<hbm>>) target(%arg11 : memref<16x1024xf32, #tpu.memory_space<vmem>>) offsets(%dma_start3A_88 : memref<16xi32, #tpu.memory_space<vmem>>) semaphore(%arg16 : memref<!tpu.dma_semaphore, #tpu.memory_space<semaphore_mem>>)
    } else {
    }
    %gt3A_41 = arith.constant 2 : i32
    %gt3A_42 = arith.cmpi sgt, %select_n3A, %gt3A_41 : i32
    %convert_element_type3A_43 = arith.extui %gt3A_42 : i1 to i32
    %cond3A_44 = arith.constant 0 : i32
    %cond3A_45 = arith.cmpi ne, %convert_element_type3A_43, %cond3A_44 : i32
    scf.if %cond3A_45 {
      %dma_start3A = arith.constant 32 : i32
      %dma_start3A_83 = tpu.memref_slice %arg7[%dma_start3A] : memref<416xi32, #tpu.memory_space<vmem>> -> memref<16xi32, #tpu.memory_space<vmem>>
      %dma_start3A_84 = arith.constant 0 : i32
      %dma_start3A_85 = arith.constant 0 : i32
      %dma_start3A_86 = tpu.memref_slice %arg2[%dma_start3A_84, %dma_start3A_85] : memref<16384x1024xf32, #tpu.memory_space<hbm>> -> memref<16384x1024xf32, #tpu.memory_space<hbm>>
      tpu.enqueue_indirect_dma source(%dma_start3A_86 : memref<16384x1024xf32, #tpu.memory_space<hbm>>) target(%arg12 : memref<16x1024xf32, #tpu.memory_space<vmem>>) offsets(%dma_start3A_83 : memref<16xi32, #tpu.memory_space<vmem>>) semaphore(%arg17 : memref<!tpu.dma_semaphore, #tpu.memory_space<semaphore_mem>>)
      %dma_start3A_87 = arith.constant 32 : i32
      %dma_start3A_88 = tpu.memref_slice %arg7[%dma_start3A_87] : memref<416xi32, #tpu.memory_space<vmem>> -> memref<16xi32, #tpu.memory_space<vmem>>
      %dma_start3A_89 = arith.constant 0 : i32
      %dma_start3A_90 = arith.constant 0 : i32
      %dma_start3A_91 = tpu.memref_slice %arg3[%dma_start3A_89, %dma_start3A_90] : memref<16384x1024xf32, #tpu.memory_space<hbm>> -> memref<16384x1024xf32, #tpu.memory_space<hbm>>
      tpu.enqueue_indirect_dma source(%dma_start3A_91 : memref<16384x1024xf32, #tpu.memory_space<hbm>>) target(%arg13 : memref<16x1024xf32, #tpu.memory_space<vmem>>) offsets(%dma_start3A_88 : memref<16xi32, #tpu.memory_space<vmem>>) semaphore(%arg17 : memref<!tpu.dma_semaphore, #tpu.memory_space<semaphore_mem>>)
    } else {
    }
    %add3A_46 = arith.constant 3 : i32
    %add3A_47 = arith.addi %select_n3A, %add3A_46 : i32
    %sub3A_48 = arith.constant 1 : i32
    %sub3A_49 = arith.subi %add3A_47, %sub3A_48 : i32
    %jit3A_50 = arith.constant 3 : i32
    %div3A_51 = arith.divsi %sub3A_49, %jit3A_50 : i32
    %sign3A_52 = arith.constant 0 : i32
    %sign3A_53 = arith.cmpi sgt, %sub3A_49, %sign3A_52 : i32
    %sign3A_54 = arith.extui %sign3A_53 : i1 to i32
    %sign3A_55 = arith.constant 0 : i32
    %sign3A_56 = arith.cmpi slt, %sub3A_49, %sign3A_55 : i32
    %sign3A_57 = arith.extui %sign3A_56 : i1 to i32
    %sign3A_58 = arith.subi %sign3A_54, %sign3A_57 : i32
    %sign3A_59 = arith.constant 0 : i32
    %sign3A_60 = arith.cmpi sgt, %jit3A_50, %sign3A_59 : i32
    %sign3A_61 = arith.extui %sign3A_60 : i1 to i32
    %sign3A_62 = arith.constant 0 : i32
    %sign3A_63 = arith.cmpi slt, %jit3A_50, %sign3A_62 : i32
    %sign3A_64 = arith.extui %sign3A_63 : i1 to i32
    %sign3A_65 = arith.subi %sign3A_61, %sign3A_64 : i32
    %ne3A_66 = arith.cmpi ne, %sign3A_58, %sign3A_65 : i32
    %rem3A_67 = arith.remsi %sub3A_49, %jit3A_50 : i32
    %ne3A_68 = arith.constant 0 : i32
    %ne3A_69 = arith.cmpi ne, %rem3A_67, %ne3A_68 : i32
    %and3A_70 = arith.andi %ne3A_66, %ne3A_69 : i1
    %sub3A_71 = arith.constant 1 : i32
    %sub3A_72 = arith.subi %div3A_51, %sub3A_71 : i32
    %select_n3A_73 = arith.select %and3A_70, %sub3A_72, %div3A_51 : i32
    %while3A = arith.constant 0 : i32
    %while3A_74 = arith.constant 0 : i32
    %while3A_75 = arith.subi %select_n3A_73, %while3A_74 : i32
    %while3A_76 = arith.addi %while3A_74, %while3A_75 : i32
    %while3A_77 = arith.constant 1 : i32
    %while3A_78 = arith.divsi %while3A_75, %while3A_77 : i32
    %while3A_79 = arith.muli %while3A_78, %while3A_77 : i32
    %while3A_80 = arith.addi %while3A_74, %while3A_79 : i32
    %while3A_81 = arith.constant 1 : i32
    scf.for %while3A_83 = %while3A_74 to %while3A_80 step %while3A_81  : i32 {
      %mul3A_84 = arith.constant 3 : i32
      %mul3A_85 = arith.muli %while3A_83, %mul3A_84 : i32
      %add3A_86 = arith.constant 0 : i32
      %add3A_87 = arith.addi %mul3A_85, %add3A_86 : i32
      %lt3A = arith.cmpi slt, %add3A_87, %select_n3A : i32
      %convert_element_type3A_88 = arith.extui %lt3A : i1 to i32
      %cond3A_89 = arith.constant 0 : i32
      %cond3A_90 = arith.cmpi ne, %convert_element_type3A_88, %cond3A_89 : i32
      scf.if %cond3A_90 {
        %dma_wait3A = arith.constant 0 : i32
        %dma_wait3A_103 = arith.constant 0 : i32
        %dma_wait3A_104 = tpu.memref_slice %arg2[%dma_wait3A, %dma_wait3A_103] : memref<16384x1024xf32, #tpu.memory_space<hbm>> -> memref<16x1024xf32, #tpu.memory_space<hbm>>
        %dma_wait3A_105 = arith.constant 0 : i32
        %dma_wait3A_106 = arith.constant 0 : i32
        %dma_wait3A_107 = tpu.memref_slice %arg2[%dma_wait3A_105, %dma_wait3A_106] : memref<16384x1024xf32, #tpu.memory_space<hbm>> -> memref<16x1024xf32, #tpu.memory_space<hbm>>
        tpu.wait_dma2 semaphore(%arg15 : memref<!tpu.dma_semaphore, #tpu.memory_space<semaphore_mem>>) src(%dma_wait3A_107 : memref<16x1024xf32, #tpu.memory_space<hbm>>) dst(%arg8 : memref<16x1024xf32, #tpu.memory_space<vmem>>)
        %dma_wait3A_108 = arith.constant 0 : i32
        %dma_wait3A_109 = arith.constant 0 : i32
        %dma_wait3A_110 = tpu.memref_slice %arg3[%dma_wait3A_108, %dma_wait3A_109] : memref<16384x1024xf32, #tpu.memory_space<hbm>> -> memref<16x1024xf32, #tpu.memory_space<hbm>>
        %dma_wait3A_111 = arith.constant 0 : i32
        %dma_wait3A_112 = arith.constant 0 : i32
        %dma_wait3A_113 = tpu.memref_slice %arg3[%dma_wait3A_111, %dma_wait3A_112] : memref<16384x1024xf32, #tpu.memory_space<hbm>> -> memref<16x1024xf32, #tpu.memory_space<hbm>>
        tpu.wait_dma2 semaphore(%arg15 : memref<!tpu.dma_semaphore, #tpu.memory_space<semaphore_mem>>) src(%dma_wait3A_113 : memref<16x1024xf32, #tpu.memory_space<hbm>>) dst(%arg9 : memref<16x1024xf32, #tpu.memory_space<vmem>>)
        %add3A_114 = arith.constant 0 : i32
        %add3A_115 = arith.addi %mul3A_85, %add3A_114 : i32
        %mul3A_116 = arith.constant 16 : i32
        %mul3A_117 = arith.muli %add3A_115, %mul3A_116 : i32
        %sub3A_118 = arith.subi %scan3A_9, %mul3A_117 : i32
        %min3A = arith.constant 16 : i32
        %min3A_119 = arith.minsi %sub3A_118, %min3A : i32
        %broadcast_in_dim3A_120 = arith.constant 0.000000e+00 : f32
        %broadcast_in_dim3A_121 = vector.broadcast %broadcast_in_dim3A_120 : f32 to vector<16xf32>
        %while3A_122 = arith.constant 0 : i32
        %while3A_123 = arith.subi %min3A_119, %while3A_122 : i32
        %while3A_124 = arith.addi %while3A_122, %while3A_123 : i32
        %while3A_125 = arith.constant 1 : i32
        %while3A_126 = arith.divsi %while3A_123, %while3A_125 : i32
        %while3A_127 = arith.muli %while3A_126, %while3A_125 : i32
        %while3A_128 = arith.addi %while3A_122, %while3A_127 : i32
        %while3A_129 = arith.constant 1 : i32
        %while3A_130:2 = scf.for %while3A_146 = %while3A_122 to %while3A_128 step %while3A_129 iter_args(%while3A_147 = %broadcast_in_dim3A_121, %while3A_148 = %broadcast_in_dim3A_121) -> (vector<16xf32>, vector<16xf32>)  : i32 {
          %scan3A_149 = arith.constant 0 : i32
          %scan3A_150 = arith.constant 8 : i32
          %scan3A_151 = arith.addi %scan3A_149, %scan3A_150 : i32
          %scan3A_152 = arith.constant 1 : i32
          %scan3A_153:2 = scf.for %scan3A_155 = %scan3A_149 to %scan3A_151 step %scan3A_152 iter_args(%scan3A_156 = %while3A_147, %scan3A_157 = %while3A_148) -> (vector<16xf32>, vector<16xf32>)  : i32 {
            %mul3A_158 = arith.constant 8 : i32
            %mul3A_159 = arith.muli %scan3A_155, %mul3A_158 : i32
            %add3A_160 = arith.constant 0 : i32
            %add3A_161 = arith.addi %mul3A_159, %add3A_160 : i32
            %mul3A_162 = arith.constant 16 : i32
            %mul3A_163 = arith.muli %add3A_161, %mul3A_162 : i32
            %get3A_164 = arith.index_cast %while3A_146 : i32 to index
            %get3A_165 = arith.index_cast %mul3A_163 : i32 to index
            %get3A_166 = tpu.vector_load %arg9[%get3A_164, %get3A_165] {strides = array<i32>} : memref<16x1024xf32, #tpu.memory_space<vmem>>, vector<16xf32>,
            %get3A_167 = arith.index_cast %while3A_146 : i32 to index
            %get3A_168 = arith.index_cast %mul3A_163 : i32 to index
            %get3A_169 = tpu.vector_load %arg8[%get3A_167, %get3A_168] {strides = array<i32>} : memref<16x1024xf32, #tpu.memory_space<vmem>>, vector<16xf32>,
            %sub3A_170 = arith.subf %get3A_166, %get3A_169 : vector<16xf32>
            %mul3A_171 = arith.mulf %sub3A_170, %sub3A_170 : vector<16xf32>
            %add3A_172 = arith.addf %scan3A_156, %mul3A_171 : vector<16xf32>
            %mul3A_173 = arith.constant 8 : i32
            %mul3A_174 = arith.muli %scan3A_155, %mul3A_173 : i32
            %add3A_175 = arith.constant 1 : i32
            %add3A_176 = arith.addi %mul3A_174, %add3A_175 : i32
            %mul3A_177 = arith.constant 16 : i32
            %mul3A_178 = arith.muli %add3A_176, %mul3A_177 : i32
            %get3A_179 = arith.index_cast %while3A_146 : i32 to index
            %get3A_180 = arith.index_cast %mul3A_178 : i32 to index
            %get3A_181 = tpu.vector_load %arg9[%get3A_179, %get3A_180] {strides = array<i32>} : memref<16x1024xf32, #tpu.memory_space<vmem>>, vector<16xf32>,
            %get3A_182 = arith.index_cast %while3A_146 : i32 to index
            %get3A_183 = arith.index_cast %mul3A_178 : i32 to index
            %get3A_184 = tpu.vector_load %arg8[%get3A_182, %get3A_183] {strides = array<i32>} : memref<16x1024xf32, #tpu.memory_space<vmem>>, vector<16xf32>,
            %sub3A_185 = arith.subf %get3A_181, %get3A_184 : vector<16xf32>
            %mul3A_186 = arith.mulf %sub3A_185, %sub3A_185 : vector<16xf32>
            %add3A_187 = arith.addf %scan3A_157, %mul3A_186 : vector<16xf32>
            %mul3A_188 = arith.constant 8 : i32
            %mul3A_189 = arith.muli %scan3A_155, %mul3A_188 : i32
            %add3A_190 = arith.constant 2 : i32
            %add3A_191 = arith.addi %mul3A_189, %add3A_190 : i32
            %mul3A_192 = arith.constant 16 : i32
            %mul3A_193 = arith.muli %add3A_191, %mul3A_192 : i32
            %get3A_194 = arith.index_cast %while3A_146 : i32 to index
            %get3A_195 = arith.index_cast %mul3A_193 : i32 to index
            %get3A_196 = tpu.vector_load %arg9[%get3A_194, %get3A_195] {strides = array<i32>} : memref<16x1024xf32, #tpu.memory_space<vmem>>, vector<16xf32>,
            %get3A_197 = arith.index_cast %while3A_146 : i32 to index
            %get3A_198 = arith.index_cast %mul3A_193 : i32 to index
            %get3A_199 = tpu.vector_load %arg8[%get3A_197, %get3A_198] {strides = array<i32>} : memref<16x1024xf32, #tpu.memory_space<vmem>>, vector<16xf32>,
            %sub3A_200 = arith.subf %get3A_196, %get3A_199 : vector<16xf32>
            %mul3A_201 = arith.mulf %sub3A_200, %sub3A_200 : vector<16xf32>
            %add3A_202 = arith.addf %add3A_172, %mul3A_201 : vector<16xf32>
            %mul3A_203 = arith.constant 8 : i32
            %mul3A_204 = arith.muli %scan3A_155, %mul3A_203 : i32
            %add3A_205 = arith.constant 3 : i32
            %add3A_206 = arith.addi %mul3A_204, %add3A_205 : i32
            %mul3A_207 = arith.constant 16 : i32
            %mul3A_208 = arith.muli %add3A_206, %mul3A_207 : i32
            %get3A_209 = arith.index_cast %while3A_146 : i32 to index
            %get3A_210 = arith.index_cast %mul3A_208 : i32 to index
            %get3A_211 = tpu.vector_load %arg9[%get3A_209, %get3A_210] {strides = array<i32>} : memref<16x1024xf32, #tpu.memory_space<vmem>>, vector<16xf32>,
            %get3A_212 = arith.index_cast %while3A_146 : i32 to index
            %get3A_213 = arith.index_cast %mul3A_208 : i32 to index
            %get3A_214 = tpu.vector_load %arg8[%get3A_212, %get3A_213] {strides = array<i32>} : memref<16x1024xf32, #tpu.memory_space<vmem>>, vector<16xf32>,
            %sub3A_215 = arith.subf %get3A_211, %get3A_214 : vector<16xf32>
            %mul3A_216 = arith.mulf %sub3A_215, %sub3A_215 : vector<16xf32>
            %add3A_217 = arith.addf %add3A_187, %mul3A_216 : vector<16xf32>
            %mul3A_218 = arith.constant 8 : i32
            %mul3A_219 = arith.muli %scan3A_155, %mul3A_218 : i32
            %add3A_220 = arith.constant 4 : i32
            %add3A_221 = arith.addi %mul3A_219, %add3A_220 : i32
            %mul3A_222 = arith.constant 16 : i32
            %mul3A_223 = arith.muli %add3A_221, %mul3A_222 : i32
            %get3A_224 = arith.index_cast %while3A_146 : i32 to index
            %get3A_225 = arith.index_cast %mul3A_223 : i32 to index
            %get3A_226 = tpu.vector_load %arg9[%get3A_224, %get3A_225] {strides = array<i32>} : memref<16x1024xf32, #tpu.memory_space<vmem>>, vector<16xf32>,
            %get3A_227 = arith.index_cast %while3A_146 : i32 to index
            %get3A_228 = arith.index_cast %mul3A_223 : i32 to index
            %get3A_229 = tpu.vector_load %arg8[%get3A_227, %get3A_228] {strides = array<i32>} : memref<16x1024xf32, #tpu.memory_space<vmem>>, vector<16xf32>,
            %sub3A_230 = arith.subf %get3A_226, %get3A_229 : vector<16xf32>
            %mul3A_231 = arith.mulf %sub3A_230, %sub3A_230 : vector<16xf32>
            %add3A_232 = arith.addf %add3A_202, %mul3A_231 : vector<16xf32>
            %mul3A_233 = arith.constant 8 : i32
            %mul3A_234 = arith.muli %scan3A_155, %mul3A_233 : i32
            %add3A_235 = arith.constant 5 : i32
            %add3A_236 = arith.addi %mul3A_234, %add3A_235 : i32
            %mul3A_237 = arith.constant 16 : i32
            %mul3A_238 = arith.muli %add3A_236, %mul3A_237 : i32
            %get3A_239 = arith.index_cast %while3A_146 : i32 to index
            %get3A_240 = arith.index_cast %mul3A_238 : i32 to index
            %get3A_241 = tpu.vector_load %arg9[%get3A_239, %get3A_240] {strides = array<i32>} : memref<16x1024xf32, #tpu.memory_space<vmem>>, vector<16xf32>,
            %get3A_242 = arith.index_cast %while3A_146 : i32 to index
            %get3A_243 = arith.index_cast %mul3A_238 : i32 to index
            %get3A_244 = tpu.vector_load %arg8[%get3A_242, %get3A_243] {strides = array<i32>} : memref<16x1024xf32, #tpu.memory_space<vmem>>, vector<16xf32>,
            %sub3A_245 = arith.subf %get3A_241, %get3A_244 : vector<16xf32>
            %mul3A_246 = arith.mulf %sub3A_245, %sub3A_245 : vector<16xf32>
            %add3A_247 = arith.addf %add3A_217, %mul3A_246 : vector<16xf32>
            %mul3A_248 = arith.constant 8 : i32
            %mul3A_249 = arith.muli %scan3A_155, %mul3A_248 : i32
            %add3A_250 = arith.constant 6 : i32
            %add3A_251 = arith.addi %mul3A_249, %add3A_250 : i32
            %mul3A_252 = arith.constant 16 : i32
            %mul3A_253 = arith.muli %add3A_251, %mul3A_252 : i32
            %get3A_254 = arith.index_cast %while3A_146 : i32 to index
            %get3A_255 = arith.index_cast %mul3A_253 : i32 to index
            %get3A_256 = tpu.vector_load %arg9[%get3A_254, %get3A_255] {strides = array<i32>} : memref<16x1024xf32, #tpu.memory_space<vmem>>, vector<16xf32>,
            %get3A_257 = arith.index_cast %while3A_146 : i32 to index
            %get3A_258 = arith.index_cast %mul3A_253 : i32 to index
            %get3A_259 = tpu.vector_load %arg8[%get3A_257, %get3A_258] {strides = array<i32>} : memref<16x1024xf32, #tpu.memory_space<vmem>>, vector<16xf32>,
            %sub3A_260 = arith.subf %get3A_256, %get3A_259 : vector<16xf32>
            %mul3A_261 = arith.mulf %sub3A_260, %sub3A_260 : vector<16xf32>
            %add3A_262 = arith.addf %add3A_232, %mul3A_261 : vector<16xf32>
            %mul3A_263 = arith.constant 8 : i32
            %mul3A_264 = arith.muli %scan3A_155, %mul3A_263 : i32
            %add3A_265 = arith.constant 7 : i32
            %add3A_266 = arith.addi %mul3A_264, %add3A_265 : i32
            %mul3A_267 = arith.constant 16 : i32
            %mul3A_268 = arith.muli %add3A_266, %mul3A_267 : i32
            %get3A_269 = arith.index_cast %while3A_146 : i32 to index
            %get3A_270 = arith.index_cast %mul3A_268 : i32 to index
            %get3A_271 = tpu.vector_load %arg9[%get3A_269, %get3A_270] {strides = array<i32>} : memref<16x1024xf32, #tpu.memory_space<vmem>>, vector<16xf32>,
            %get3A_272 = arith.index_cast %while3A_146 : i32 to index
            %get3A_273 = arith.index_cast %mul3A_268 : i32 to index
            %get3A_274 = tpu.vector_load %arg8[%get3A_272, %get3A_273] {strides = array<i32>} : memref<16x1024xf32, #tpu.memory_space<vmem>>, vector<16xf32>,
            %sub3A_275 = arith.subf %get3A_271, %get3A_274 : vector<16xf32>
            %mul3A_276 = arith.mulf %sub3A_275, %sub3A_275 : vector<16xf32>
            %add3A_277 = arith.addf %add3A_247, %mul3A_276 : vector<16xf32>
            scf.yield %add3A_262, %add3A_277 : vector<16xf32>, vector<16xf32>
          }
          %scan3A_154 = arith.constant 8 : i32
          scf.yield %scan3A_153#0, %scan3A_153#1 : vector<16xf32>, vector<16xf32>
        }
        %while3A_131 = arith.constant 1 : i32
        %while3A_132:2 = scf.for %while3A_146 = %while3A_128 to %while3A_124 step %while3A_131 iter_args(%while3A_147 = %while3A_130#0, %while3A_148 = %while3A_130#1) -> (vector<16xf32>, vector<16xf32>)  : i32 {
          %scan3A_149 = arith.constant 0 : i32
          %scan3A_150 = arith.constant 8 : i32
          %scan3A_151 = arith.addi %scan3A_149, %scan3A_150 : i32
          %scan3A_152 = arith.constant 1 : i32
          %scan3A_153:2 = scf.for %scan3A_155 = %scan3A_149 to %scan3A_151 step %scan3A_152 iter_args(%scan3A_156 = %while3A_147, %scan3A_157 = %while3A_148) -> (vector<16xf32>, vector<16xf32>)  : i32 {
            %mul3A_158 = arith.constant 8 : i32
            %mul3A_159 = arith.muli %scan3A_155, %mul3A_158 : i32
            %add3A_160 = arith.constant 0 : i32
            %add3A_161 = arith.addi %mul3A_159, %add3A_160 : i32
            %mul3A_162 = arith.constant 16 : i32
            %mul3A_163 = arith.muli %add3A_161, %mul3A_162 : i32
            %get3A_164 = arith.index_cast %while3A_146 : i32 to index
            %get3A_165 = arith.index_cast %mul3A_163 : i32 to index
            %get3A_166 = tpu.vector_load %arg9[%get3A_164, %get3A_165] {strides = array<i32>} : memref<16x1024xf32, #tpu.memory_space<vmem>>, vector<16xf32>,
            %get3A_167 = arith.index_cast %while3A_146 : i32 to index
            %get3A_168 = arith.index_cast %mul3A_163 : i32 to index
            %get3A_169 = tpu.vector_load %arg8[%get3A_167, %get3A_168] {strides = array<i32>} : memref<16x1024xf32, #tpu.memory_space<vmem>>, vector<16xf32>,
            %sub3A_170 = arith.subf %get3A_166, %get3A_169 : vector<16xf32>
            %mul3A_171 = arith.mulf %sub3A_170, %sub3A_170 : vector<16xf32>
            %add3A_172 = arith.addf %scan3A_156, %mul3A_171 : vector<16xf32>
            %mul3A_173 = arith.constant 8 : i32
            %mul3A_174 = arith.muli %scan3A_155, %mul3A_173 : i32
            %add3A_175 = arith.constant 1 : i32
            %add3A_176 = arith.addi %mul3A_174, %add3A_175 : i32
            %mul3A_177 = arith.constant 16 : i32
            %mul3A_178 = arith.muli %add3A_176, %mul3A_177 : i32
            %get3A_179 = arith.index_cast %while3A_146 : i32 to index
            %get3A_180 = arith.index_cast %mul3A_178 : i32 to index
            %get3A_181 = tpu.vector_load %arg9[%get3A_179, %get3A_180] {strides = array<i32>} : memref<16x1024xf32, #tpu.memory_space<vmem>>, vector<16xf32>,
            %get3A_182 = arith.index_cast %while3A_146 : i32 to index
            %get3A_183 = arith.index_cast %mul3A_178 : i32 to index
            %get3A_184 = tpu.vector_load %arg8[%get3A_182, %get3A_183] {strides = array<i32>} : memref<16x1024xf32, #tpu.memory_space<vmem>>, vector<16xf32>,
            %sub3A_185 = arith.subf %get3A_181, %get3A_184 : vector<16xf32>
            %mul3A_186 = arith.mulf %sub3A_185, %sub3A_185 : vector<16xf32>
            %add3A_187 = arith.addf %scan3A_157, %mul3A_186 : vector<16xf32>
            %mul3A_188 = arith.constant 8 : i32
            %mul3A_189 = arith.muli %scan3A_155, %mul3A_188 : i32
            %add3A_190 = arith.constant 2 : i32
            %add3A_191 = arith.addi %mul3A_189, %add3A_190 : i32
            %mul3A_192 = arith.constant 16 : i32
            %mul3A_193 = arith.muli %add3A_191, %mul3A_192 : i32
            %get3A_194 = arith.index_cast %while3A_146 : i32 to index
            %get3A_195 = arith.index_cast %mul3A_193 : i32 to index
            %get3A_196 = tpu.vector_load %arg9[%get3A_194, %get3A_195] {strides = array<i32>} : memref<16x1024xf32, #tpu.memory_space<vmem>>, vector<16xf32>,
            %get3A_197 = arith.index_cast %while3A_146 : i32 to index
            %get3A_198 = arith.index_cast %mul3A_193 : i32 to index
            %get3A_199 = tpu.vector_load %arg8[%get3A_197, %get3A_198] {strides = array<i32>} : memref<16x1024xf32, #tpu.memory_space<vmem>>, vector<16xf32>,
            %sub3A_200 = arith.subf %get3A_196, %get3A_199 : vector<16xf32>
            %mul3A_201 = arith.mulf %sub3A_200, %sub3A_200 : vector<16xf32>
            %add3A_202 = arith.addf %add3A_172, %mul3A_201 : vector<16xf32>
            %mul3A_203 = arith.constant 8 : i32
            %mul3A_204 = arith.muli %scan3A_155, %mul3A_203 : i32
            %add3A_205 = arith.constant 3 : i32
            %add3A_206 = arith.addi %mul3A_204, %add3A_205 : i32
            %mul3A_207 = arith.constant 16 : i32
            %mul3A_208 = arith.muli %add3A_206, %mul3A_207 : i32
            %get3A_209 = arith.index_cast %while3A_146 : i32 to index
            %get3A_210 = arith.index_cast %mul3A_208 : i32 to index
            %get3A_211 = tpu.vector_load %arg9[%get3A_209, %get3A_210] {strides = array<i32>} : memref<16x1024xf32, #tpu.memory_space<vmem>>, vector<16xf32>,
            %get3A_212 = arith.index_cast %while3A_146 : i32 to index
            %get3A_213 = arith.index_cast %mul3A_208 : i32 to index
            %get3A_214 = tpu.vector_load %arg8[%get3A_212, %get3A_213] {strides = array<i32>} : memref<16x1024xf32, #tpu.memory_space<vmem>>, vector<16xf32>,
            %sub3A_215 = arith.subf %get3A_211, %get3A_214 : vector<16xf32>
            %mul3A_216 = arith.mulf %sub3A_215, %sub3A_215 : vector<16xf32>
            %add3A_217 = arith.addf %add3A_187, %mul3A_216 : vector<16xf32>
            %mul3A_218 = arith.constant 8 : i32
            %mul3A_219 = arith.muli %scan3A_155, %mul3A_218 : i32
            %add3A_220 = arith.constant 4 : i32
            %add3A_221 = arith.addi %mul3A_219, %add3A_220 : i32
            %mul3A_222 = arith.constant 16 : i32
            %mul3A_223 = arith.muli %add3A_221, %mul3A_222 : i32
            %get3A_224 = arith.index_cast %while3A_146 : i32 to index
            %get3A_225 = arith.index_cast %mul3A_223 : i32 to index
            %get3A_226 = tpu.vector_load %arg9[%get3A_224, %get3A_225] {strides = array<i32>} : memref<16x1024xf32, #tpu.memory_space<vmem>>, vector<16xf32>,
            %get3A_227 = arith.index_cast %while3A_146 : i32 to index
            %get3A_228 = arith.index_cast %mul3A_223 : i32 to index
            %get3A_229 = tpu.vector_load %arg8[%get3A_227, %get3A_228] {strides = array<i32>} : memref<16x1024xf32, #tpu.memory_space<vmem>>, vector<16xf32>,
            %sub3A_230 = arith.subf %get3A_226, %get3A_229 : vector<16xf32>
            %mul3A_231 = arith.mulf %sub3A_230, %sub3A_230 : vector<16xf32>
            %add3A_232 = arith.addf %add3A_202, %mul3A_231 : vector<16xf32>
            %mul3A_233 = arith.constant 8 : i32
            %mul3A_234 = arith.muli %scan3A_155, %mul3A_233 : i32
            %add3A_235 = arith.constant 5 : i32
            %add3A_236 = arith.addi %mul3A_234, %add3A_235 : i32
            %mul3A_237 = arith.constant 16 : i32
            %mul3A_238 = arith.muli %add3A_236, %mul3A_237 : i32
            %get3A_239 = arith.index_cast %while3A_146 : i32 to index
            %get3A_240 = arith.index_cast %mul3A_238 : i32 to index
            %get3A_241 = tpu.vector_load %arg9[%get3A_239, %get3A_240] {strides = array<i32>} : memref<16x1024xf32, #tpu.memory_space<vmem>>, vector<16xf32>,
            %get3A_242 = arith.index_cast %while3A_146 : i32 to index
            %get3A_243 = arith.index_cast %mul3A_238 : i32 to index
            %get3A_244 = tpu.vector_load %arg8[%get3A_242, %get3A_243] {strides = array<i32>} : memref<16x1024xf32, #tpu.memory_space<vmem>>, vector<16xf32>,
            %sub3A_245 = arith.subf %get3A_241, %get3A_244 : vector<16xf32>
            %mul3A_246 = arith.mulf %sub3A_245, %sub3A_245 : vector<16xf32>
            %add3A_247 = arith.addf %add3A_217, %mul3A_246 : vector<16xf32>
            %mul3A_248 = arith.constant 8 : i32
            %mul3A_249 = arith.muli %scan3A_155, %mul3A_248 : i32
            %add3A_250 = arith.constant 6 : i32
            %add3A_251 = arith.addi %mul3A_249, %add3A_250 : i32
            %mul3A_252 = arith.constant 16 : i32
            %mul3A_253 = arith.muli %add3A_251, %mul3A_252 : i32
            %get3A_254 = arith.index_cast %while3A_146 : i32 to index
            %get3A_255 = arith.index_cast %mul3A_253 : i32 to index
            %get3A_256 = tpu.vector_load %arg9[%get3A_254, %get3A_255] {strides = array<i32>} : memref<16x1024xf32, #tpu.memory_space<vmem>>, vector<16xf32>,
            %get3A_257 = arith.index_cast %while3A_146 : i32 to index
            %get3A_258 = arith.index_cast %mul3A_253 : i32 to index
            %get3A_259 = tpu.vector_load %arg8[%get3A_257, %get3A_258] {strides = array<i32>} : memref<16x1024xf32, #tpu.memory_space<vmem>>, vector<16xf32>,
            %sub3A_260 = arith.subf %get3A_256, %get3A_259 : vector<16xf32>
            %mul3A_261 = arith.mulf %sub3A_260, %sub3A_260 : vector<16xf32>
            %add3A_262 = arith.addf %add3A_232, %mul3A_261 : vector<16xf32>
            %mul3A_263 = arith.constant 8 : i32
            %mul3A_264 = arith.muli %scan3A_155, %mul3A_263 : i32
            %add3A_265 = arith.constant 7 : i32
            %add3A_266 = arith.addi %mul3A_264, %add3A_265 : i32
            %mul3A_267 = arith.constant 16 : i32
            %mul3A_268 = arith.muli %add3A_266, %mul3A_267 : i32
            %get3A_269 = arith.index_cast %while3A_146 : i32 to index
            %get3A_270 = arith.index_cast %mul3A_268 : i32 to index
            %get3A_271 = tpu.vector_load %arg9[%get3A_269, %get3A_270] {strides = array<i32>} : memref<16x1024xf32, #tpu.memory_space<vmem>>, vector<16xf32>,
            %get3A_272 = arith.index_cast %while3A_146 : i32 to index
            %get3A_273 = arith.index_cast %mul3A_268 : i32 to index
            %get3A_274 = tpu.vector_load %arg8[%get3A_272, %get3A_273] {strides = array<i32>} : memref<16x1024xf32, #tpu.memory_space<vmem>>, vector<16xf32>,
            %sub3A_275 = arith.subf %get3A_271, %get3A_274 : vector<16xf32>
            %mul3A_276 = arith.mulf %sub3A_275, %sub3A_275 : vector<16xf32>
            %add3A_277 = arith.addf %add3A_247, %mul3A_276 : vector<16xf32>
            scf.yield %add3A_262, %add3A_277 : vector<16xf32>, vector<16xf32>
          }
          %scan3A_154 = arith.constant 8 : i32
          scf.yield %scan3A_153#0, %scan3A_153#1 : vector<16xf32>, vector<16xf32>
        }
        %get3A = arith.constant 0 : index
        %get3A_133 = tpu.vector_load %arg14[%get3A] {strides = array<i32>} : memref<16xf32, #tpu.memory_space<vmem>>, vector<16xf32>,
        %add3A_134 = arith.addf %get3A_133, %while3A_132#0 : vector<16xf32>
        %add3A_135 = arith.addf %add3A_134, %while3A_132#1 : vector<16xf32>
        %swap3A_136 = arith.constant 0 : index
        %swap3A_137 = tpu.vector_load %arg14[%swap3A_136] {strides = array<i32>} : memref<16xf32, #tpu.memory_space<vmem>>, vector<16xf32>,
        tpu.vector_store %arg14[%swap3A_136], %add3A_135 {strides = array<i32>} : memref<16xf32, #tpu.memory_space<vmem>>, vector<16xf32>,
        %add3A_138 = arith.constant 0 : i32
        %add3A_139 = arith.addi %mul3A_85, %add3A_138 : i32
        %add3A_140 = arith.constant 3 : i32
        %add3A_141 = arith.addi %add3A_139, %add3A_140 : i32
        %lt3A_142 = arith.cmpi slt, %add3A_141, %select_n3A : i32
        %convert_element_type3A_143 = arith.extui %lt3A_142 : i1 to i32
        %cond3A_144 = arith.constant 0 : i32
        %cond3A_145 = arith.cmpi ne, %convert_element_type3A_143, %cond3A_144 : i32
        scf.if %cond3A_145 {
          %add3A_146 = arith.constant 0 : i32
          %add3A_147 = arith.addi %mul3A_85, %add3A_146 : i32
          %add3A_148 = arith.constant 3 : i32
          %add3A_149 = arith.addi %add3A_147, %add3A_148 : i32
          %mul3A_150 = arith.constant 16 : i32
          %mul3A_151 = arith.muli %add3A_149, %mul3A_150 : i32
          %dma_start3A = tpu.memref_slice %arg7[%mul3A_151] : memref<416xi32, #tpu.memory_space<vmem>> -> memref<16xi32, #tpu.memory_space<vmem>>
          %dma_start3A_152 = arith.constant 0 : i32
          %dma_start3A_153 = arith.constant 0 : i32
          %dma_start3A_154 = tpu.memref_slice %arg2[%dma_start3A_152, %dma_start3A_153] : memref<16384x1024xf32, #tpu.memory_space<hbm>> -> memref<16384x1024xf32, #tpu.memory_space<hbm>>
          tpu.enqueue_indirect_dma source(%dma_start3A_154 : memref<16384x1024xf32, #tpu.memory_space<hbm>>) target(%arg8 : memref<16x1024xf32, #tpu.memory_space<vmem>>) offsets(%dma_start3A : memref<16xi32, #tpu.memory_space<vmem>>) semaphore(%arg15 : memref<!tpu.dma_semaphore, #tpu.memory_space<semaphore_mem>>)
          %dma_start3A_155 = tpu.memref_slice %arg7[%mul3A_151] : memref<416xi32, #tpu.memory_space<vmem>> -> memref<16xi32, #tpu.memory_space<vmem>>
          %dma_start3A_156 = arith.constant 0 : i32
          %dma_start3A_157 = arith.constant 0 : i32
          %dma_start3A_158 = tpu.memref_slice %arg3[%dma_start3A_156, %dma_start3A_157] : memref<16384x1024xf32, #tpu.memory_space<hbm>> -> memref<16384x1024xf32, #tpu.memory_space<hbm>>
          tpu.enqueue_indirect_dma source(%dma_start3A_158 : memref<16384x1024xf32, #tpu.memory_space<hbm>>) target(%arg9 : memref<16x1024xf32, #tpu.memory_space<vmem>>) offsets(%dma_start3A_155 : memref<16xi32, #tpu.memory_space<vmem>>) semaphore(%arg15 : memref<!tpu.dma_semaphore, #tpu.memory_space<semaphore_mem>>)
        } else {
        }
      } else {
      }
      %add3A_91 = arith.constant 1 : i32
      %add3A_92 = arith.addi %mul3A_85, %add3A_91 : i32
      %lt3A_93 = arith.cmpi slt, %add3A_92, %select_n3A : i32
      %convert_element_type3A_94 = arith.extui %lt3A_93 : i1 to i32
      %cond3A_95 = arith.constant 0 : i32
      %cond3A_96 = arith.cmpi ne, %convert_element_type3A_94, %cond3A_95 : i32
      scf.if %cond3A_96 {
        %dma_wait3A = arith.constant 0 : i32
        %dma_wait3A_103 = arith.constant 0 : i32
        %dma_wait3A_104 = tpu.memref_slice %arg2[%dma_wait3A, %dma_wait3A_103] : memref<16384x1024xf32, #tpu.memory_space<hbm>> -> memref<16x1024xf32, #tpu.memory_space<hbm>>
        %dma_wait3A_105 = arith.constant 0 : i32
        %dma_wait3A_106 = arith.constant 0 : i32
        %dma_wait3A_107 = tpu.memref_slice %arg2[%dma_wait3A_105, %dma_wait3A_106] : memref<16384x1024xf32, #tpu.memory_space<hbm>> -> memref<16x1024xf32, #tpu.memory_space<hbm>>
        tpu.wait_dma2 semaphore(%arg16 : memref<!tpu.dma_semaphore, #tpu.memory_space<semaphore_mem>>) src(%dma_wait3A_107 : memref<16x1024xf32, #tpu.memory_space<hbm>>) dst(%arg10 : memref<16x1024xf32, #tpu.memory_space<vmem>>)
        %dma_wait3A_108 = arith.constant 0 : i32
        %dma_wait3A_109 = arith.constant 0 : i32
        %dma_wait3A_110 = tpu.memref_slice %arg3[%dma_wait3A_108, %dma_wait3A_109] : memref<16384x1024xf32, #tpu.memory_space<hbm>> -> memref<16x1024xf32, #tpu.memory_space<hbm>>
        %dma_wait3A_111 = arith.constant 0 : i32
        %dma_wait3A_112 = arith.constant 0 : i32
        %dma_wait3A_113 = tpu.memref_slice %arg3[%dma_wait3A_111, %dma_wait3A_112] : memref<16384x1024xf32, #tpu.memory_space<hbm>> -> memref<16x1024xf32, #tpu.memory_space<hbm>>
        tpu.wait_dma2 semaphore(%arg16 : memref<!tpu.dma_semaphore, #tpu.memory_space<semaphore_mem>>) src(%dma_wait3A_113 : memref<16x1024xf32, #tpu.memory_space<hbm>>) dst(%arg11 : memref<16x1024xf32, #tpu.memory_space<vmem>>)
        %add3A_114 = arith.constant 1 : i32
        %add3A_115 = arith.addi %mul3A_85, %add3A_114 : i32
        %mul3A_116 = arith.constant 16 : i32
        %mul3A_117 = arith.muli %add3A_115, %mul3A_116 : i32
        %sub3A_118 = arith.subi %scan3A_9, %mul3A_117 : i32
        %min3A = arith.constant 16 : i32
        %min3A_119 = arith.minsi %sub3A_118, %min3A : i32
        %broadcast_in_dim3A_120 = arith.constant 0.000000e+00 : f32
        %broadcast_in_dim3A_121 = vector.broadcast %broadcast_in_dim3A_120 : f32 to vector<16xf32>
        %while3A_122 = arith.constant 0 : i32
        %while3A_123 = arith.subi %min3A_119, %while3A_122 : i32
        %while3A_124 = arith.addi %while3A_122, %while3A_123 : i32
        %while3A_125 = arith.constant 1 : i32
        %while3A_126 = arith.divsi %while3A_123, %while3A_125 : i32
        %while3A_127 = arith.muli %while3A_126, %while3A_125 : i32
        %while3A_128 = arith.addi %while3A_122, %while3A_127 : i32
        %while3A_129 = arith.constant 1 : i32
        %while3A_130:2 = scf.for %while3A_146 = %while3A_122 to %while3A_128 step %while3A_129 iter_args(%while3A_147 = %broadcast_in_dim3A_121, %while3A_148 = %broadcast_in_dim3A_121) -> (vector<16xf32>, vector<16xf32>)  : i32 {
          %scan3A_149 = arith.constant 0 : i32
          %scan3A_150 = arith.constant 8 : i32
          %scan3A_151 = arith.addi %scan3A_149, %scan3A_150 : i32
          %scan3A_152 = arith.constant 1 : i32
          %scan3A_153:2 = scf.for %scan3A_155 = %scan3A_149 to %scan3A_151 step %scan3A_152 iter_args(%scan3A_156 = %while3A_147, %scan3A_157 = %while3A_148) -> (vector<16xf32>, vector<16xf32>)  : i32 {
            %mul3A_158 = arith.constant 8 : i32
            %mul3A_159 = arith.muli %scan3A_155, %mul3A_158 : i32
            %add3A_160 = arith.constant 0 : i32
            %add3A_161 = arith.addi %mul3A_159, %add3A_160 : i32
            %mul3A_162 = arith.constant 16 : i32
            %mul3A_163 = arith.muli %add3A_161, %mul3A_162 : i32
            %get3A_164 = arith.index_cast %while3A_146 : i32 to index
            %get3A_165 = arith.index_cast %mul3A_163 : i32 to index
            %get3A_166 = tpu.vector_load %arg11[%get3A_164, %get3A_165] {strides = array<i32>} : memref<16x1024xf32, #tpu.memory_space<vmem>>, vector<16xf32>,
            %get3A_167 = arith.index_cast %while3A_146 : i32 to index
            %get3A_168 = arith.index_cast %mul3A_163 : i32 to index
            %get3A_169 = tpu.vector_load %arg10[%get3A_167, %get3A_168] {strides = array<i32>} : memref<16x1024xf32, #tpu.memory_space<vmem>>, vector<16xf32>,
            %sub3A_170 = arith.subf %get3A_166, %get3A_169 : vector<16xf32>
            %mul3A_171 = arith.mulf %sub3A_170, %sub3A_170 : vector<16xf32>
            %add3A_172 = arith.addf %scan3A_156, %mul3A_171 : vector<16xf32>
            %mul3A_173 = arith.constant 8 : i32
            %mul3A_174 = arith.muli %scan3A_155, %mul3A_173 : i32
            %add3A_175 = arith.constant 1 : i32
            %add3A_176 = arith.addi %mul3A_174, %add3A_175 : i32
            %mul3A_177 = arith.constant 16 : i32
            %mul3A_178 = arith.muli %add3A_176, %mul3A_177 : i32
            %get3A_179 = arith.index_cast %while3A_146 : i32 to index
            %get3A_180 = arith.index_cast %mul3A_178 : i32 to index
            %get3A_181 = tpu.vector_load %arg11[%get3A_179, %get3A_180] {strides = array<i32>} : memref<16x1024xf32, #tpu.memory_space<vmem>>, vector<16xf32>,
            %get3A_182 = arith.index_cast %while3A_146 : i32 to index
            %get3A_183 = arith.index_cast %mul3A_178 : i32 to index
            %get3A_184 = tpu.vector_load %arg10[%get3A_182, %get3A_183] {strides = array<i32>} : memref<16x1024xf32, #tpu.memory_space<vmem>>, vector<16xf32>,
            %sub3A_185 = arith.subf %get3A_181, %get3A_184 : vector<16xf32>
            %mul3A_186 = arith.mulf %sub3A_185, %sub3A_185 : vector<16xf32>
            %add3A_187 = arith.addf %scan3A_157, %mul3A_186 : vector<16xf32>
            %mul3A_188 = arith.constant 8 : i32
            %mul3A_189 = arith.muli %scan3A_155, %mul3A_188 : i32
            %add3A_190 = arith.constant 2 : i32
            %add3A_191 = arith.addi %mul3A_189, %add3A_190 : i32
            %mul3A_192 = arith.constant 16 : i32
            %mul3A_193 = arith.muli %add3A_191, %mul3A_192 : i32
            %get3A_194 = arith.index_cast %while3A_146 : i32 to index
            %get3A_195 = arith.index_cast %mul3A_193 : i32 to index
            %get3A_196 = tpu.vector_load %arg11[%get3A_194, %get3A_195] {strides = array<i32>} : memref<16x1024xf32, #tpu.memory_space<vmem>>, vector<16xf32>,
            %get3A_197 = arith.index_cast %while3A_146 : i32 to index
            %get3A_198 = arith.index_cast %mul3A_193 : i32 to index
            %get3A_199 = tpu.vector_load %arg10[%get3A_197, %get3A_198] {strides = array<i32>} : memref<16x1024xf32, #tpu.memory_space<vmem>>, vector<16xf32>,
            %sub3A_200 = arith.subf %get3A_196, %get3A_199 : vector<16xf32>
            %mul3A_201 = arith.mulf %sub3A_200, %sub3A_200 : vector<16xf32>
            %add3A_202 = arith.addf %add3A_172, %mul3A_201 : vector<16xf32>
            %mul3A_203 = arith.constant 8 : i32
            %mul3A_204 = arith.muli %scan3A_155, %mul3A_203 : i32
            %add3A_205 = arith.constant 3 : i32
            %add3A_206 = arith.addi %mul3A_204, %add3A_205 : i32
            %mul3A_207 = arith.constant 16 : i32
            %mul3A_208 = arith.muli %add3A_206, %mul3A_207 : i32
            %get3A_209 = arith.index_cast %while3A_146 : i32 to index
            %get3A_210 = arith.index_cast %mul3A_208 : i32 to index
            %get3A_211 = tpu.vector_load %arg11[%get3A_209, %get3A_210] {strides = array<i32>} : memref<16x1024xf32, #tpu.memory_space<vmem>>, vector<16xf32>,
            %get3A_212 = arith.index_cast %while3A_146 : i32 to index
            %get3A_213 = arith.index_cast %mul3A_208 : i32 to index
            %get3A_214 = tpu.vector_load %arg10[%get3A_212, %get3A_213] {strides = array<i32>} : memref<16x1024xf32, #tpu.memory_space<vmem>>, vector<16xf32>,
            %sub3A_215 = arith.subf %get3A_211, %get3A_214 : vector<16xf32>
            %mul3A_216 = arith.mulf %sub3A_215, %sub3A_215 : vector<16xf32>
            %add3A_217 = arith.addf %add3A_187, %mul3A_216 : vector<16xf32>
            %mul3A_218 = arith.constant 8 : i32
            %mul3A_219 = arith.muli %scan3A_155, %mul3A_218 : i32
            %add3A_220 = arith.constant 4 : i32
            %add3A_221 = arith.addi %mul3A_219, %add3A_220 : i32
            %mul3A_222 = arith.constant 16 : i32
            %mul3A_223 = arith.muli %add3A_221, %mul3A_222 : i32
            %get3A_224 = arith.index_cast %while3A_146 : i32 to index
            %get3A_225 = arith.index_cast %mul3A_223 : i32 to index
            %get3A_226 = tpu.vector_load %arg11[%get3A_224, %get3A_225] {strides = array<i32>} : memref<16x1024xf32, #tpu.memory_space<vmem>>, vector<16xf32>,
            %get3A_227 = arith.index_cast %while3A_146 : i32 to index
            %get3A_228 = arith.index_cast %mul3A_223 : i32 to index
            %get3A_229 = tpu.vector_load %arg10[%get3A_227, %get3A_228] {strides = array<i32>} : memref<16x1024xf32, #tpu.memory_space<vmem>>, vector<16xf32>,
            %sub3A_230 = arith.subf %get3A_226, %get3A_229 : vector<16xf32>
            %mul3A_231 = arith.mulf %sub3A_230, %sub3A_230 : vector<16xf32>
            %add3A_232 = arith.addf %add3A_202, %mul3A_231 : vector<16xf32>
            %mul3A_233 = arith.constant 8 : i32
            %mul3A_234 = arith.muli %scan3A_155, %mul3A_233 : i32
            %add3A_235 = arith.constant 5 : i32
            %add3A_236 = arith.addi %mul3A_234, %add3A_235 : i32
            %mul3A_237 = arith.constant 16 : i32
            %mul3A_238 = arith.muli %add3A_236, %mul3A_237 : i32
            %get3A_239 = arith.index_cast %while3A_146 : i32 to index
            %get3A_240 = arith.index_cast %mul3A_238 : i32 to index
            %get3A_241 = tpu.vector_load %arg11[%get3A_239, %get3A_240] {strides = array<i32>} : memref<16x1024xf32, #tpu.memory_space<vmem>>, vector<16xf32>,
            %get3A_242 = arith.index_cast %while3A_146 : i32 to index
            %get3A_243 = arith.index_cast %mul3A_238 : i32 to index
            %get3A_244 = tpu.vector_load %arg10[%get3A_242, %get3A_243] {strides = array<i32>} : memref<16x1024xf32, #tpu.memory_space<vmem>>, vector<16xf32>,
            %sub3A_245 = arith.subf %get3A_241, %get3A_244 : vector<16xf32>
            %mul3A_246 = arith.mulf %sub3A_245, %sub3A_245 : vector<16xf32>
            %add3A_247 = arith.addf %add3A_217, %mul3A_246 : vector<16xf32>
            %mul3A_248 = arith.constant 8 : i32
            %mul3A_249 = arith.muli %scan3A_155, %mul3A_248 : i32
            %add3A_250 = arith.constant 6 : i32
            %add3A_251 = arith.addi %mul3A_249, %add3A_250 : i32
            %mul3A_252 = arith.constant 16 : i32
            %mul3A_253 = arith.muli %add3A_251, %mul3A_252 : i32
            %get3A_254 = arith.index_cast %while3A_146 : i32 to index
            %get3A_255 = arith.index_cast %mul3A_253 : i32 to index
            %get3A_256 = tpu.vector_load %arg11[%get3A_254, %get3A_255] {strides = array<i32>} : memref<16x1024xf32, #tpu.memory_space<vmem>>, vector<16xf32>,
            %get3A_257 = arith.index_cast %while3A_146 : i32 to index
            %get3A_258 = arith.index_cast %mul3A_253 : i32 to index
            %get3A_259 = tpu.vector_load %arg10[%get3A_257, %get3A_258] {strides = array<i32>} : memref<16x1024xf32, #tpu.memory_space<vmem>>, vector<16xf32>,
            %sub3A_260 = arith.subf %get3A_256, %get3A_259 : vector<16xf32>
            %mul3A_261 = arith.mulf %sub3A_260, %sub3A_260 : vector<16xf32>
            %add3A_262 = arith.addf %add3A_232, %mul3A_261 : vector<16xf32>
            %mul3A_263 = arith.constant 8 : i32
            %mul3A_264 = arith.muli %scan3A_155, %mul3A_263 : i32
            %add3A_265 = arith.constant 7 : i32
            %add3A_266 = arith.addi %mul3A_264, %add3A_265 : i32
            %mul3A_267 = arith.constant 16 : i32
            %mul3A_268 = arith.muli %add3A_266, %mul3A_267 : i32
            %get3A_269 = arith.index_cast %while3A_146 : i32 to index
            %get3A_270 = arith.index_cast %mul3A_268 : i32 to index
            %get3A_271 = tpu.vector_load %arg11[%get3A_269, %get3A_270] {strides = array<i32>} : memref<16x1024xf32, #tpu.memory_space<vmem>>, vector<16xf32>,
            %get3A_272 = arith.index_cast %while3A_146 : i32 to index
            %get3A_273 = arith.index_cast %mul3A_268 : i32 to index
            %get3A_274 = tpu.vector_load %arg10[%get3A_272, %get3A_273] {strides = array<i32>} : memref<16x1024xf32, #tpu.memory_space<vmem>>, vector<16xf32>,
            %sub3A_275 = arith.subf %get3A_271, %get3A_274 : vector<16xf32>
            %mul3A_276 = arith.mulf %sub3A_275, %sub3A_275 : vector<16xf32>
            %add3A_277 = arith.addf %add3A_247, %mul3A_276 : vector<16xf32>
            scf.yield %add3A_262, %add3A_277 : vector<16xf32>, vector<16xf32>
          }
          %scan3A_154 = arith.constant 8 : i32
          scf.yield %scan3A_153#0, %scan3A_153#1 : vector<16xf32>, vector<16xf32>
        }
        %while3A_131 = arith.constant 1 : i32
        %while3A_132:2 = scf.for %while3A_146 = %while3A_128 to %while3A_124 step %while3A_131 iter_args(%while3A_147 = %while3A_130#0, %while3A_148 = %while3A_130#1) -> (vector<16xf32>, vector<16xf32>)  : i32 {
          %scan3A_149 = arith.constant 0 : i32
          %scan3A_150 = arith.constant 8 : i32
          %scan3A_151 = arith.addi %scan3A_149, %scan3A_150 : i32
          %scan3A_152 = arith.constant 1 : i32
          %scan3A_153:2 = scf.for %scan3A_155 = %scan3A_149 to %scan3A_151 step %scan3A_152 iter_args(%scan3A_156 = %while3A_147, %scan3A_157 = %while3A_148) -> (vector<16xf32>, vector<16xf32>)  : i32 {
            %mul3A_158 = arith.constant 8 : i32
            %mul3A_159 = arith.muli %scan3A_155, %mul3A_158 : i32
            %add3A_160 = arith.constant 0 : i32
            %add3A_161 = arith.addi %mul3A_159, %add3A_160 : i32
            %mul3A_162 = arith.constant 16 : i32
            %mul3A_163 = arith.muli %add3A_161, %mul3A_162 : i32
            %get3A_164 = arith.index_cast %while3A_146 : i32 to index
            %get3A_165 = arith.index_cast %mul3A_163 : i32 to index
            %get3A_166 = tpu.vector_load %arg11[%get3A_164, %get3A_165] {strides = array<i32>} : memref<16x1024xf32, #tpu.memory_space<vmem>>, vector<16xf32>,
            %get3A_167 = arith.index_cast %while3A_146 : i32 to index
            %get3A_168 = arith.index_cast %mul3A_163 : i32 to index
            %get3A_169 = tpu.vector_load %arg10[%get3A_167, %get3A_168] {strides = array<i32>} : memref<16x1024xf32, #tpu.memory_space<vmem>>, vector<16xf32>,
            %sub3A_170 = arith.subf %get3A_166, %get3A_169 : vector<16xf32>
            %mul3A_171 = arith.mulf %sub3A_170, %sub3A_170 : vector<16xf32>
            %add3A_172 = arith.addf %scan3A_156, %mul3A_171 : vector<16xf32>
            %mul3A_173 = arith.constant 8 : i32
            %mul3A_174 = arith.muli %scan3A_155, %mul3A_173 : i32
            %add3A_175 = arith.constant 1 : i32
            %add3A_176 = arith.addi %mul3A_174, %add3A_175 : i32
            %mul3A_177 = arith.constant 16 : i32
            %mul3A_178 = arith.muli %add3A_176, %mul3A_177 : i32
            %get3A_179 = arith.index_cast %while3A_146 : i32 to index
            %get3A_180 = arith.index_cast %mul3A_178 : i32 to index
            %get3A_181 = tpu.vector_load %arg11[%get3A_179, %get3A_180] {strides = array<i32>} : memref<16x1024xf32, #tpu.memory_space<vmem>>, vector<16xf32>,
            %get3A_182 = arith.index_cast %while3A_146 : i32 to index
            %get3A_183 = arith.index_cast %mul3A_178 : i32 to index
            %get3A_184 = tpu.vector_load %arg10[%get3A_182, %get3A_183] {strides = array<i32>} : memref<16x1024xf32, #tpu.memory_space<vmem>>, vector<16xf32>,
            %sub3A_185 = arith.subf %get3A_181, %get3A_184 : vector<16xf32>
            %mul3A_186 = arith.mulf %sub3A_185, %sub3A_185 : vector<16xf32>
            %add3A_187 = arith.addf %scan3A_157, %mul3A_186 : vector<16xf32>
            %mul3A_188 = arith.constant 8 : i32
            %mul3A_189 = arith.muli %scan3A_155, %mul3A_188 : i32
            %add3A_190 = arith.constant 2 : i32
            %add3A_191 = arith.addi %mul3A_189, %add3A_190 : i32
            %mul3A_192 = arith.constant 16 : i32
            %mul3A_193 = arith.muli %add3A_191, %mul3A_192 : i32
            %get3A_194 = arith.index_cast %while3A_146 : i32 to index
            %get3A_195 = arith.index_cast %mul3A_193 : i32 to index
            %get3A_196 = tpu.vector_load %arg11[%get3A_194, %get3A_195] {strides = array<i32>} : memref<16x1024xf32, #tpu.memory_space<vmem>>, vector<16xf32>,
            %get3A_197 = arith.index_cast %while3A_146 : i32 to index
            %get3A_198 = arith.index_cast %mul3A_193 : i32 to index
            %get3A_199 = tpu.vector_load %arg10[%get3A_197, %get3A_198] {strides = array<i32>} : memref<16x1024xf32, #tpu.memory_space<vmem>>, vector<16xf32>,
            %sub3A_200 = arith.subf %get3A_196, %get3A_199 : vector<16xf32>
            %mul3A_201 = arith.mulf %sub3A_200, %sub3A_200 : vector<16xf32>
            %add3A_202 = arith.addf %add3A_172, %mul3A_201 : vector<16xf32>
            %mul3A_203 = arith.constant 8 : i32
            %mul3A_204 = arith.muli %scan3A_155, %mul3A_203 : i32
            %add3A_205 = arith.constant 3 : i32
            %add3A_206 = arith.addi %mul3A_204, %add3A_205 : i32
            %mul3A_207 = arith.constant 16 : i32
            %mul3A_208 = arith.muli %add3A_206, %mul3A_207 : i32
            %get3A_209 = arith.index_cast %while3A_146 : i32 to index
            %get3A_210 = arith.index_cast %mul3A_208 : i32 to index
            %get3A_211 = tpu.vector_load %arg11[%get3A_209, %get3A_210] {strides = array<i32>} : memref<16x1024xf32, #tpu.memory_space<vmem>>, vector<16xf32>,
            %get3A_212 = arith.index_cast %while3A_146 : i32 to index
            %get3A_213 = arith.index_cast %mul3A_208 : i32 to index
            %get3A_214 = tpu.vector_load %arg10[%get3A_212, %get3A_213] {strides = array<i32>} : memref<16x1024xf32, #tpu.memory_space<vmem>>, vector<16xf32>,
            %sub3A_215 = arith.subf %get3A_211, %get3A_214 : vector<16xf32>
            %mul3A_216 = arith.mulf %sub3A_215, %sub3A_215 : vector<16xf32>
            %add3A_217 = arith.addf %add3A_187, %mul3A_216 : vector<16xf32>
            %mul3A_218 = arith.constant 8 : i32
            %mul3A_219 = arith.muli %scan3A_155, %mul3A_218 : i32
            %add3A_220 = arith.constant 4 : i32
            %add3A_221 = arith.addi %mul3A_219, %add3A_220 : i32
            %mul3A_222 = arith.constant 16 : i32
            %mul3A_223 = arith.muli %add3A_221, %mul3A_222 : i32
            %get3A_224 = arith.index_cast %while3A_146 : i32 to index
            %get3A_225 = arith.index_cast %mul3A_223 : i32 to index
            %get3A_226 = tpu.vector_load %arg11[%get3A_224, %get3A_225] {strides = array<i32>} : memref<16x1024xf32, #tpu.memory_space<vmem>>, vector<16xf32>,
            %get3A_227 = arith.index_cast %while3A_146 : i32 to index
            %get3A_228 = arith.index_cast %mul3A_223 : i32 to index
            %get3A_229 = tpu.vector_load %arg10[%get3A_227, %get3A_228] {strides = array<i32>} : memref<16x1024xf32, #tpu.memory_space<vmem>>, vector<16xf32>,
            %sub3A_230 = arith.subf %get3A_226, %get3A_229 : vector<16xf32>
            %mul3A_231 = arith.mulf %sub3A_230, %sub3A_230 : vector<16xf32>
            %add3A_232 = arith.addf %add3A_202, %mul3A_231 : vector<16xf32>
            %mul3A_233 = arith.constant 8 : i32
            %mul3A_234 = arith.muli %scan3A_155, %mul3A_233 : i32
            %add3A_235 = arith.constant 5 : i32
            %add3A_236 = arith.addi %mul3A_234, %add3A_235 : i32
            %mul3A_237 = arith.constant 16 : i32
            %mul3A_238 = arith.muli %add3A_236, %mul3A_237 : i32
            %get3A_239 = arith.index_cast %while3A_146 : i32 to index
            %get3A_240 = arith.index_cast %mul3A_238 : i32 to index
            %get3A_241 = tpu.vector_load %arg11[%get3A_239, %get3A_240] {strides = array<i32>} : memref<16x1024xf32, #tpu.memory_space<vmem>>, vector<16xf32>,
            %get3A_242 = arith.index_cast %while3A_146 : i32 to index
            %get3A_243 = arith.index_cast %mul3A_238 : i32 to index
            %get3A_244 = tpu.vector_load %arg10[%get3A_242, %get3A_243] {strides = array<i32>} : memref<16x1024xf32, #tpu.memory_space<vmem>>, vector<16xf32>,
            %sub3A_245 = arith.subf %get3A_241, %get3A_244 : vector<16xf32>
            %mul3A_246 = arith.mulf %sub3A_245, %sub3A_245 : vector<16xf32>
            %add3A_247 = arith.addf %add3A_217, %mul3A_246 : vector<16xf32>
            %mul3A_248 = arith.constant 8 : i32
            %mul3A_249 = arith.muli %scan3A_155, %mul3A_248 : i32
            %add3A_250 = arith.constant 6 : i32
            %add3A_251 = arith.addi %mul3A_249, %add3A_250 : i32
            %mul3A_252 = arith.constant 16 : i32
            %mul3A_253 = arith.muli %add3A_251, %mul3A_252 : i32
            %get3A_254 = arith.index_cast %while3A_146 : i32 to index
            %get3A_255 = arith.index_cast %mul3A_253 : i32 to index
            %get3A_256 = tpu.vector_load %arg11[%get3A_254, %get3A_255] {strides = array<i32>} : memref<16x1024xf32, #tpu.memory_space<vmem>>, vector<16xf32>,
            %get3A_257 = arith.index_cast %while3A_146 : i32 to index
            %get3A_258 = arith.index_cast %mul3A_253 : i32 to index
            %get3A_259 = tpu.vector_load %arg10[%get3A_257, %get3A_258] {strides = array<i32>} : memref<16x1024xf32, #tpu.memory_space<vmem>>, vector<16xf32>,
            %sub3A_260 = arith.subf %get3A_256, %get3A_259 : vector<16xf32>
            %mul3A_261 = arith.mulf %sub3A_260, %sub3A_260 : vector<16xf32>
            %add3A_262 = arith.addf %add3A_232, %mul3A_261 : vector<16xf32>
            %mul3A_263 = arith.constant 8 : i32
            %mul3A_264 = arith.muli %scan3A_155, %mul3A_263 : i32
            %add3A_265 = arith.constant 7 : i32
            %add3A_266 = arith.addi %mul3A_264, %add3A_265 : i32
            %mul3A_267 = arith.constant 16 : i32
            %mul3A_268 = arith.muli %add3A_266, %mul3A_267 : i32
            %get3A_269 = arith.index_cast %while3A_146 : i32 to index
            %get3A_270 = arith.index_cast %mul3A_268 : i32 to index
            %get3A_271 = tpu.vector_load %arg11[%get3A_269, %get3A_270] {strides = array<i32>} : memref<16x1024xf32, #tpu.memory_space<vmem>>, vector<16xf32>,
            %get3A_272 = arith.index_cast %while3A_146 : i32 to index
            %get3A_273 = arith.index_cast %mul3A_268 : i32 to index
            %get3A_274 = tpu.vector_load %arg10[%get3A_272, %get3A_273] {strides = array<i32>} : memref<16x1024xf32, #tpu.memory_space<vmem>>, vector<16xf32>,
            %sub3A_275 = arith.subf %get3A_271, %get3A_274 : vector<16xf32>
            %mul3A_276 = arith.mulf %sub3A_275, %sub3A_275 : vector<16xf32>
            %add3A_277 = arith.addf %add3A_247, %mul3A_276 : vector<16xf32>
            scf.yield %add3A_262, %add3A_277 : vector<16xf32>, vector<16xf32>
          }
          %scan3A_154 = arith.constant 8 : i32
          scf.yield %scan3A_153#0, %scan3A_153#1 : vector<16xf32>, vector<16xf32>
        }
        %get3A = arith.constant 0 : index
        %get3A_133 = tpu.vector_load %arg14[%get3A] {strides = array<i32>} : memref<16xf32, #tpu.memory_space<vmem>>, vector<16xf32>,
        %add3A_134 = arith.addf %get3A_133, %while3A_132#0 : vector<16xf32>
        %add3A_135 = arith.addf %add3A_134, %while3A_132#1 : vector<16xf32>
        %swap3A_136 = arith.constant 0 : index
        %swap3A_137 = tpu.vector_load %arg14[%swap3A_136] {strides = array<i32>} : memref<16xf32, #tpu.memory_space<vmem>>, vector<16xf32>,
        tpu.vector_store %arg14[%swap3A_136], %add3A_135 {strides = array<i32>} : memref<16xf32, #tpu.memory_space<vmem>>, vector<16xf32>,
        %add3A_138 = arith.constant 1 : i32
        %add3A_139 = arith.addi %mul3A_85, %add3A_138 : i32
        %add3A_140 = arith.constant 3 : i32
        %add3A_141 = arith.addi %add3A_139, %add3A_140 : i32
        %lt3A_142 = arith.cmpi slt, %add3A_141, %select_n3A : i32
        %convert_element_type3A_143 = arith.extui %lt3A_142 : i1 to i32
        %cond3A_144 = arith.constant 0 : i32
        %cond3A_145 = arith.cmpi ne, %convert_element_type3A_143, %cond3A_144 : i32
        scf.if %cond3A_145 {
          %add3A_146 = arith.constant 1 : i32
          %add3A_147 = arith.addi %mul3A_85, %add3A_146 : i32
          %add3A_148 = arith.constant 3 : i32
          %add3A_149 = arith.addi %add3A_147, %add3A_148 : i32
          %mul3A_150 = arith.constant 16 : i32
          %mul3A_151 = arith.muli %add3A_149, %mul3A_150 : i32
          %dma_start3A = tpu.memref_slice %arg7[%mul3A_151] : memref<416xi32, #tpu.memory_space<vmem>> -> memref<16xi32, #tpu.memory_space<vmem>>
          %dma_start3A_152 = arith.constant 0 : i32
          %dma_start3A_153 = arith.constant 0 : i32
          %dma_start3A_154 = tpu.memref_slice %arg2[%dma_start3A_152, %dma_start3A_153] : memref<16384x1024xf32, #tpu.memory_space<hbm>> -> memref<16384x1024xf32, #tpu.memory_space<hbm>>
          tpu.enqueue_indirect_dma source(%dma_start3A_154 : memref<16384x1024xf32, #tpu.memory_space<hbm>>) target(%arg10 : memref<16x1024xf32, #tpu.memory_space<vmem>>) offsets(%dma_start3A : memref<16xi32, #tpu.memory_space<vmem>>) semaphore(%arg16 : memref<!tpu.dma_semaphore, #tpu.memory_space<semaphore_mem>>)
          %dma_start3A_155 = tpu.memref_slice %arg7[%mul3A_151] : memref<416xi32, #tpu.memory_space<vmem>> -> memref<16xi32, #tpu.memory_space<vmem>>
          %dma_start3A_156 = arith.constant 0 : i32
          %dma_start3A_157 = arith.constant 0 : i32
          %dma_start3A_158 = tpu.memref_slice %arg3[%dma_start3A_156, %dma_start3A_157] : memref<16384x1024xf32, #tpu.memory_space<hbm>> -> memref<16384x1024xf32, #tpu.memory_space<hbm>>
          tpu.enqueue_indirect_dma source(%dma_start3A_158 : memref<16384x1024xf32, #tpu.memory_space<hbm>>) target(%arg11 : memref<16x1024xf32, #tpu.memory_space<vmem>>) offsets(%dma_start3A_155 : memref<16xi32, #tpu.memory_space<vmem>>) semaphore(%arg16 : memref<!tpu.dma_semaphore, #tpu.memory_space<semaphore_mem>>)
        } else {
        }
      } else {
      }
      %add3A_97 = arith.constant 2 : i32
      %add3A_98 = arith.addi %mul3A_85, %add3A_97 : i32
      %lt3A_99 = arith.cmpi slt, %add3A_98, %select_n3A : i32
      %convert_element_type3A_100 = arith.extui %lt3A_99 : i1 to i32
      %cond3A_101 = arith.constant 0 : i32
      %cond3A_102 = arith.cmpi ne, %convert_element_type3A_100, %cond3A_101 : i32
      scf.if %cond3A_102 {
        %dma_wait3A = arith.constant 0 : i32
        %dma_wait3A_103 = arith.constant 0 : i32
        %dma_wait3A_104 = tpu.memref_slice %arg2[%dma_wait3A, %dma_wait3A_103] : memref<16384x1024xf32, #tpu.memory_space<hbm>> -> memref<16x1024xf32, #tpu.memory_space<hbm>>
        %dma_wait3A_105 = arith.constant 0 : i32
        %dma_wait3A_106 = arith.constant 0 : i32
        %dma_wait3A_107 = tpu.memref_slice %arg2[%dma_wait3A_105, %dma_wait3A_106] : memref<16384x1024xf32, #tpu.memory_space<hbm>> -> memref<16x1024xf32, #tpu.memory_space<hbm>>
        tpu.wait_dma2 semaphore(%arg17 : memref<!tpu.dma_semaphore, #tpu.memory_space<semaphore_mem>>) src(%dma_wait3A_107 : memref<16x1024xf32, #tpu.memory_space<hbm>>) dst(%arg12 : memref<16x1024xf32, #tpu.memory_space<vmem>>)
        %dma_wait3A_108 = arith.constant 0 : i32
        %dma_wait3A_109 = arith.constant 0 : i32
        %dma_wait3A_110 = tpu.memref_slice %arg3[%dma_wait3A_108, %dma_wait3A_109] : memref<16384x1024xf32, #tpu.memory_space<hbm>> -> memref<16x1024xf32, #tpu.memory_space<hbm>>
        %dma_wait3A_111 = arith.constant 0 : i32
        %dma_wait3A_112 = arith.constant 0 : i32
        %dma_wait3A_113 = tpu.memref_slice %arg3[%dma_wait3A_111, %dma_wait3A_112] : memref<16384x1024xf32, #tpu.memory_space<hbm>> -> memref<16x1024xf32, #tpu.memory_space<hbm>>
        tpu.wait_dma2 semaphore(%arg17 : memref<!tpu.dma_semaphore, #tpu.memory_space<semaphore_mem>>) src(%dma_wait3A_113 : memref<16x1024xf32, #tpu.memory_space<hbm>>) dst(%arg13 : memref<16x1024xf32, #tpu.memory_space<vmem>>)
        %add3A_114 = arith.constant 2 : i32
        %add3A_115 = arith.addi %mul3A_85, %add3A_114 : i32
        %mul3A_116 = arith.constant 16 : i32
        %mul3A_117 = arith.muli %add3A_115, %mul3A_116 : i32
        %sub3A_118 = arith.subi %scan3A_9, %mul3A_117 : i32
        %min3A = arith.constant 16 : i32
        %min3A_119 = arith.minsi %sub3A_118, %min3A : i32
        %broadcast_in_dim3A_120 = arith.constant 0.000000e+00 : f32
        %broadcast_in_dim3A_121 = vector.broadcast %broadcast_in_dim3A_120 : f32 to vector<16xf32>
        %while3A_122 = arith.constant 0 : i32
        %while3A_123 = arith.subi %min3A_119, %while3A_122 : i32
        %while3A_124 = arith.addi %while3A_122, %while3A_123 : i32
        %while3A_125 = arith.constant 1 : i32
        %while3A_126 = arith.divsi %while3A_123, %while3A_125 : i32
        %while3A_127 = arith.muli %while3A_126, %while3A_125 : i32
        %while3A_128 = arith.addi %while3A_122, %while3A_127 : i32
        %while3A_129 = arith.constant 1 : i32
        %while3A_130:2 = scf.for %while3A_146 = %while3A_122 to %while3A_128 step %while3A_129 iter_args(%while3A_147 = %broadcast_in_dim3A_121, %while3A_148 = %broadcast_in_dim3A_121) -> (vector<16xf32>, vector<16xf32>)  : i32 {
          %scan3A_149 = arith.constant 0 : i32
          %scan3A_150 = arith.constant 8 : i32
          %scan3A_151 = arith.addi %scan3A_149, %scan3A_150 : i32
          %scan3A_152 = arith.constant 1 : i32
          %scan3A_153:2 = scf.for %scan3A_155 = %scan3A_149 to %scan3A_151 step %scan3A_152 iter_args(%scan3A_156 = %while3A_147, %scan3A_157 = %while3A_148) -> (vector<16xf32>, vector<16xf32>)  : i32 {
            %mul3A_158 = arith.constant 8 : i32
            %mul3A_159 = arith.muli %scan3A_155, %mul3A_158 : i32
            %add3A_160 = arith.constant 0 : i32
            %add3A_161 = arith.addi %mul3A_159, %add3A_160 : i32
            %mul3A_162 = arith.constant 16 : i32
            %mul3A_163 = arith.muli %add3A_161, %mul3A_162 : i32
            %get3A_164 = arith.index_cast %while3A_146 : i32 to index
            %get3A_165 = arith.index_cast %mul3A_163 : i32 to index
            %get3A_166 = tpu.vector_load %arg13[%get3A_164, %get3A_165] {strides = array<i32>} : memref<16x1024xf32, #tpu.memory_space<vmem>>, vector<16xf32>,
            %get3A_167 = arith.index_cast %while3A_146 : i32 to index
            %get3A_168 = arith.index_cast %mul3A_163 : i32 to index
            %get3A_169 = tpu.vector_load %arg12[%get3A_167, %get3A_168] {strides = array<i32>} : memref<16x1024xf32, #tpu.memory_space<vmem>>, vector<16xf32>,
            %sub3A_170 = arith.subf %get3A_166, %get3A_169 : vector<16xf32>
            %mul3A_171 = arith.mulf %sub3A_170, %sub3A_170 : vector<16xf32>
            %add3A_172 = arith.addf %scan3A_156, %mul3A_171 : vector<16xf32>
            %mul3A_173 = arith.constant 8 : i32
            %mul3A_174 = arith.muli %scan3A_155, %mul3A_173 : i32
            %add3A_175 = arith.constant 1 : i32
            %add3A_176 = arith.addi %mul3A_174, %add3A_175 : i32
            %mul3A_177 = arith.constant 16 : i32
            %mul3A_178 = arith.muli %add3A_176, %mul3A_177 : i32
            %get3A_179 = arith.index_cast %while3A_146 : i32 to index
            %get3A_180 = arith.index_cast %mul3A_178 : i32 to index
            %get3A_181 = tpu.vector_load %arg13[%get3A_179, %get3A_180] {strides = array<i32>} : memref<16x1024xf32, #tpu.memory_space<vmem>>, vector<16xf32>,
            %get3A_182 = arith.index_cast %while3A_146 : i32 to index
            %get3A_183 = arith.index_cast %mul3A_178 : i32 to index
            %get3A_184 = tpu.vector_load %arg12[%get3A_182, %get3A_183] {strides = array<i32>} : memref<16x1024xf32, #tpu.memory_space<vmem>>, vector<16xf32>,
            %sub3A_185 = arith.subf %get3A_181, %get3A_184 : vector<16xf32>
            %mul3A_186 = arith.mulf %sub3A_185, %sub3A_185 : vector<16xf32>
            %add3A_187 = arith.addf %scan3A_157, %mul3A_186 : vector<16xf32>
            %mul3A_188 = arith.constant 8 : i32
            %mul3A_189 = arith.muli %scan3A_155, %mul3A_188 : i32
            %add3A_190 = arith.constant 2 : i32
            %add3A_191 = arith.addi %mul3A_189, %add3A_190 : i32
            %mul3A_192 = arith.constant 16 : i32
            %mul3A_193 = arith.muli %add3A_191, %mul3A_192 : i32
            %get3A_194 = arith.index_cast %while3A_146 : i32 to index
            %get3A_195 = arith.index_cast %mul3A_193 : i32 to index
            %get3A_196 = tpu.vector_load %arg13[%get3A_194, %get3A_195] {strides = array<i32>} : memref<16x1024xf32, #tpu.memory_space<vmem>>, vector<16xf32>,
            %get3A_197 = arith.index_cast %while3A_146 : i32 to index
            %get3A_198 = arith.index_cast %mul3A_193 : i32 to index
            %get3A_199 = tpu.vector_load %arg12[%get3A_197, %get3A_198] {strides = array<i32>} : memref<16x1024xf32, #tpu.memory_space<vmem>>, vector<16xf32>,
            %sub3A_200 = arith.subf %get3A_196, %get3A_199 : vector<16xf32>
            %mul3A_201 = arith.mulf %sub3A_200, %sub3A_200 : vector<16xf32>
            %add3A_202 = arith.addf %add3A_172, %mul3A_201 : vector<16xf32>
            %mul3A_203 = arith.constant 8 : i32
            %mul3A_204 = arith.muli %scan3A_155, %mul3A_203 : i32
            %add3A_205 = arith.constant 3 : i32
            %add3A_206 = arith.addi %mul3A_204, %add3A_205 : i32
            %mul3A_207 = arith.constant 16 : i32
            %mul3A_208 = arith.muli %add3A_206, %mul3A_207 : i32
            %get3A_209 = arith.index_cast %while3A_146 : i32 to index
            %get3A_210 = arith.index_cast %mul3A_208 : i32 to index
            %get3A_211 = tpu.vector_load %arg13[%get3A_209, %get3A_210] {strides = array<i32>} : memref<16x1024xf32, #tpu.memory_space<vmem>>, vector<16xf32>,
            %get3A_212 = arith.index_cast %while3A_146 : i32 to index
            %get3A_213 = arith.index_cast %mul3A_208 : i32 to index
            %get3A_214 = tpu.vector_load %arg12[%get3A_212, %get3A_213] {strides = array<i32>} : memref<16x1024xf32, #tpu.memory_space<vmem>>, vector<16xf32>,
            %sub3A_215 = arith.subf %get3A_211, %get3A_214 : vector<16xf32>
            %mul3A_216 = arith.mulf %sub3A_215, %sub3A_215 : vector<16xf32>
            %add3A_217 = arith.addf %add3A_187, %mul3A_216 : vector<16xf32>
            %mul3A_218 = arith.constant 8 : i32
            %mul3A_219 = arith.muli %scan3A_155, %mul3A_218 : i32
            %add3A_220 = arith.constant 4 : i32
            %add3A_221 = arith.addi %mul3A_219, %add3A_220 : i32
            %mul3A_222 = arith.constant 16 : i32
            %mul3A_223 = arith.muli %add3A_221, %mul3A_222 : i32
            %get3A_224 = arith.index_cast %while3A_146 : i32 to index
            %get3A_225 = arith.index_cast %mul3A_223 : i32 to index
            %get3A_226 = tpu.vector_load %arg13[%get3A_224, %get3A_225] {strides = array<i32>} : memref<16x1024xf32, #tpu.memory_space<vmem>>, vector<16xf32>,
            %get3A_227 = arith.index_cast %while3A_146 : i32 to index
            %get3A_228 = arith.index_cast %mul3A_223 : i32 to index
            %get3A_229 = tpu.vector_load %arg12[%get3A_227, %get3A_228] {strides = array<i32>} : memref<16x1024xf32, #tpu.memory_space<vmem>>, vector<16xf32>,
            %sub3A_230 = arith.subf %get3A_226, %get3A_229 : vector<16xf32>
            %mul3A_231 = arith.mulf %sub3A_230, %sub3A_230 : vector<16xf32>
            %add3A_232 = arith.addf %add3A_202, %mul3A_231 : vector<16xf32>
            %mul3A_233 = arith.constant 8 : i32
            %mul3A_234 = arith.muli %scan3A_155, %mul3A_233 : i32
            %add3A_235 = arith.constant 5 : i32
            %add3A_236 = arith.addi %mul3A_234, %add3A_235 : i32
            %mul3A_237 = arith.constant 16 : i32
            %mul3A_238 = arith.muli %add3A_236, %mul3A_237 : i32
            %get3A_239 = arith.index_cast %while3A_146 : i32 to index
            %get3A_240 = arith.index_cast %mul3A_238 : i32 to index
            %get3A_241 = tpu.vector_load %arg13[%get3A_239, %get3A_240] {strides = array<i32>} : memref<16x1024xf32, #tpu.memory_space<vmem>>, vector<16xf32>,
            %get3A_242 = arith.index_cast %while3A_146 : i32 to index
            %get3A_243 = arith.index_cast %mul3A_238 : i32 to index
            %get3A_244 = tpu.vector_load %arg12[%get3A_242, %get3A_243] {strides = array<i32>} : memref<16x1024xf32, #tpu.memory_space<vmem>>, vector<16xf32>,
            %sub3A_245 = arith.subf %get3A_241, %get3A_244 : vector<16xf32>
            %mul3A_246 = arith.mulf %sub3A_245, %sub3A_245 : vector<16xf32>
            %add3A_247 = arith.addf %add3A_217, %mul3A_246 : vector<16xf32>
            %mul3A_248 = arith.constant 8 : i32
            %mul3A_249 = arith.muli %scan3A_155, %mul3A_248 : i32
            %add3A_250 = arith.constant 6 : i32
            %add3A_251 = arith.addi %mul3A_249, %add3A_250 : i32
            %mul3A_252 = arith.constant 16 : i32
            %mul3A_253 = arith.muli %add3A_251, %mul3A_252 : i32
            %get3A_254 = arith.index_cast %while3A_146 : i32 to index
            %get3A_255 = arith.index_cast %mul3A_253 : i32 to index
            %get3A_256 = tpu.vector_load %arg13[%get3A_254, %get3A_255] {strides = array<i32>} : memref<16x1024xf32, #tpu.memory_space<vmem>>, vector<16xf32>,
            %get3A_257 = arith.index_cast %while3A_146 : i32 to index
            %get3A_258 = arith.index_cast %mul3A_253 : i32 to index
            %get3A_259 = tpu.vector_load %arg12[%get3A_257, %get3A_258] {strides = array<i32>} : memref<16x1024xf32, #tpu.memory_space<vmem>>, vector<16xf32>,
            %sub3A_260 = arith.subf %get3A_256, %get3A_259 : vector<16xf32>
            %mul3A_261 = arith.mulf %sub3A_260, %sub3A_260 : vector<16xf32>
            %add3A_262 = arith.addf %add3A_232, %mul3A_261 : vector<16xf32>
            %mul3A_263 = arith.constant 8 : i32
            %mul3A_264 = arith.muli %scan3A_155, %mul3A_263 : i32
            %add3A_265 = arith.constant 7 : i32
            %add3A_266 = arith.addi %mul3A_264, %add3A_265 : i32
            %mul3A_267 = arith.constant 16 : i32
            %mul3A_268 = arith.muli %add3A_266, %mul3A_267 : i32
            %get3A_269 = arith.index_cast %while3A_146 : i32 to index
            %get3A_270 = arith.index_cast %mul3A_268 : i32 to index
            %get3A_271 = tpu.vector_load %arg13[%get3A_269, %get3A_270] {strides = array<i32>} : memref<16x1024xf32, #tpu.memory_space<vmem>>, vector<16xf32>,
            %get3A_272 = arith.index_cast %while3A_146 : i32 to index
            %get3A_273 = arith.index_cast %mul3A_268 : i32 to index
            %get3A_274 = tpu.vector_load %arg12[%get3A_272, %get3A_273] {strides = array<i32>} : memref<16x1024xf32, #tpu.memory_space<vmem>>, vector<16xf32>,
            %sub3A_275 = arith.subf %get3A_271, %get3A_274 : vector<16xf32>
            %mul3A_276 = arith.mulf %sub3A_275, %sub3A_275 : vector<16xf32>
            %add3A_277 = arith.addf %add3A_247, %mul3A_276 : vector<16xf32>
            scf.yield %add3A_262, %add3A_277 : vector<16xf32>, vector<16xf32>
          }
          %scan3A_154 = arith.constant 8 : i32
          scf.yield %scan3A_153#0, %scan3A_153#1 : vector<16xf32>, vector<16xf32>
        }
        %while3A_131 = arith.constant 1 : i32
        %while3A_132:2 = scf.for %while3A_146 = %while3A_128 to %while3A_124 step %while3A_131 iter_args(%while3A_147 = %while3A_130#0, %while3A_148 = %while3A_130#1) -> (vector<16xf32>, vector<16xf32>)  : i32 {
          %scan3A_149 = arith.constant 0 : i32
          %scan3A_150 = arith.constant 8 : i32
          %scan3A_151 = arith.addi %scan3A_149, %scan3A_150 : i32
          %scan3A_152 = arith.constant 1 : i32
          %scan3A_153:2 = scf.for %scan3A_155 = %scan3A_149 to %scan3A_151 step %scan3A_152 iter_args(%scan3A_156 = %while3A_147, %scan3A_157 = %while3A_148) -> (vector<16xf32>, vector<16xf32>)  : i32 {
            %mul3A_158 = arith.constant 8 : i32
            %mul3A_159 = arith.muli %scan3A_155, %mul3A_158 : i32
            %add3A_160 = arith.constant 0 : i32
            %add3A_161 = arith.addi %mul3A_159, %add3A_160 : i32
            %mul3A_162 = arith.constant 16 : i32
            %mul3A_163 = arith.muli %add3A_161, %mul3A_162 : i32
            %get3A_164 = arith.index_cast %while3A_146 : i32 to index
            %get3A_165 = arith.index_cast %mul3A_163 : i32 to index
            %get3A_166 = tpu.vector_load %arg13[%get3A_164, %get3A_165] {strides = array<i32>} : memref<16x1024xf32, #tpu.memory_space<vmem>>, vector<16xf32>,
            %get3A_167 = arith.index_cast %while3A_146 : i32 to index
            %get3A_168 = arith.index_cast %mul3A_163 : i32 to index
            %get3A_169 = tpu.vector_load %arg12[%get3A_167, %get3A_168] {strides = array<i32>} : memref<16x1024xf32, #tpu.memory_space<vmem>>, vector<16xf32>,
            %sub3A_170 = arith.subf %get3A_166, %get3A_169 : vector<16xf32>
            %mul3A_171 = arith.mulf %sub3A_170, %sub3A_170 : vector<16xf32>
            %add3A_172 = arith.addf %scan3A_156, %mul3A_171 : vector<16xf32>
            %mul3A_173 = arith.constant 8 : i32
            %mul3A_174 = arith.muli %scan3A_155, %mul3A_173 : i32
            %add3A_175 = arith.constant 1 : i32
            %add3A_176 = arith.addi %mul3A_174, %add3A_175 : i32
            %mul3A_177 = arith.constant 16 : i32
            %mul3A_178 = arith.muli %add3A_176, %mul3A_177 : i32
            %get3A_179 = arith.index_cast %while3A_146 : i32 to index
            %get3A_180 = arith.index_cast %mul3A_178 : i32 to index
            %get3A_181 = tpu.vector_load %arg13[%get3A_179, %get3A_180] {strides = array<i32>} : memref<16x1024xf32, #tpu.memory_space<vmem>>, vector<16xf32>,
            %get3A_182 = arith.index_cast %while3A_146 : i32 to index
            %get3A_183 = arith.index_cast %mul3A_178 : i32 to index
            %get3A_184 = tpu.vector_load %arg12[%get3A_182, %get3A_183] {strides = array<i32>} : memref<16x1024xf32, #tpu.memory_space<vmem>>, vector<16xf32>,
            %sub3A_185 = arith.subf %get3A_181, %get3A_184 : vector<16xf32>
            %mul3A_186 = arith.mulf %sub3A_185, %sub3A_185 : vector<16xf32>
            %add3A_187 = arith.addf %scan3A_157, %mul3A_186 : vector<16xf32>
            %mul3A_188 = arith.constant 8 : i32
            %mul3A_189 = arith.muli %scan3A_155, %mul3A_188 : i32
            %add3A_190 = arith.constant 2 : i32
            %add3A_191 = arith.addi %mul3A_189, %add3A_190 : i32
            %mul3A_192 = arith.constant 16 : i32
            %mul3A_193 = arith.muli %add3A_191, %mul3A_192 : i32
            %get3A_194 = arith.index_cast %while3A_146 : i32 to index
            %get3A_195 = arith.index_cast %mul3A_193 : i32 to index
            %get3A_196 = tpu.vector_load %arg13[%get3A_194, %get3A_195] {strides = array<i32>} : memref<16x1024xf32, #tpu.memory_space<vmem>>, vector<16xf32>,
            %get3A_197 = arith.index_cast %while3A_146 : i32 to index
            %get3A_198 = arith.index_cast %mul3A_193 : i32 to index
            %get3A_199 = tpu.vector_load %arg12[%get3A_197, %get3A_198] {strides = array<i32>} : memref<16x1024xf32, #tpu.memory_space<vmem>>, vector<16xf32>,
            %sub3A_200 = arith.subf %get3A_196, %get3A_199 : vector<16xf32>
            %mul3A_201 = arith.mulf %sub3A_200, %sub3A_200 : vector<16xf32>
            %add3A_202 = arith.addf %add3A_172, %mul3A_201 : vector<16xf32>
            %mul3A_203 = arith.constant 8 : i32
            %mul3A_204 = arith.muli %scan3A_155, %mul3A_203 : i32
            %add3A_205 = arith.constant 3 : i32
            %add3A_206 = arith.addi %mul3A_204, %add3A_205 : i32
            %mul3A_207 = arith.constant 16 : i32
            %mul3A_208 = arith.muli %add3A_206, %mul3A_207 : i32
            %get3A_209 = arith.index_cast %while3A_146 : i32 to index
            %get3A_210 = arith.index_cast %mul3A_208 : i32 to index
            %get3A_211 = tpu.vector_load %arg13[%get3A_209, %get3A_210] {strides = array<i32>} : memref<16x1024xf32, #tpu.memory_space<vmem>>, vector<16xf32>,
            %get3A_212 = arith.index_cast %while3A_146 : i32 to index
            %get3A_213 = arith.index_cast %mul3A_208 : i32 to index
            %get3A_214 = tpu.vector_load %arg12[%get3A_212, %get3A_213] {strides = array<i32>} : memref<16x1024xf32, #tpu.memory_space<vmem>>, vector<16xf32>,
            %sub3A_215 = arith.subf %get3A_211, %get3A_214 : vector<16xf32>
            %mul3A_216 = arith.mulf %sub3A_215, %sub3A_215 : vector<16xf32>
            %add3A_217 = arith.addf %add3A_187, %mul3A_216 : vector<16xf32>
            %mul3A_218 = arith.constant 8 : i32
            %mul3A_219 = arith.muli %scan3A_155, %mul3A_218 : i32
            %add3A_220 = arith.constant 4 : i32
            %add3A_221 = arith.addi %mul3A_219, %add3A_220 : i32
            %mul3A_222 = arith.constant 16 : i32
            %mul3A_223 = arith.muli %add3A_221, %mul3A_222 : i32
            %get3A_224 = arith.index_cast %while3A_146 : i32 to index
            %get3A_225 = arith.index_cast %mul3A_223 : i32 to index
            %get3A_226 = tpu.vector_load %arg13[%get3A_224, %get3A_225] {strides = array<i32>} : memref<16x1024xf32, #tpu.memory_space<vmem>>, vector<16xf32>,
            %get3A_227 = arith.index_cast %while3A_146 : i32 to index
            %get3A_228 = arith.index_cast %mul3A_223 : i32 to index
            %get3A_229 = tpu.vector_load %arg12[%get3A_227, %get3A_228] {strides = array<i32>} : memref<16x1024xf32, #tpu.memory_space<vmem>>, vector<16xf32>,
            %sub3A_230 = arith.subf %get3A_226, %get3A_229 : vector<16xf32>
            %mul3A_231 = arith.mulf %sub3A_230, %sub3A_230 : vector<16xf32>
            %add3A_232 = arith.addf %add3A_202, %mul3A_231 : vector<16xf32>
            %mul3A_233 = arith.constant 8 : i32
            %mul3A_234 = arith.muli %scan3A_155, %mul3A_233 : i32
            %add3A_235 = arith.constant 5 : i32
            %add3A_236 = arith.addi %mul3A_234, %add3A_235 : i32
            %mul3A_237 = arith.constant 16 : i32
            %mul3A_238 = arith.muli %add3A_236, %mul3A_237 : i32
            %get3A_239 = arith.index_cast %while3A_146 : i32 to index
            %get3A_240 = arith.index_cast %mul3A_238 : i32 to index
            %get3A_241 = tpu.vector_load %arg13[%get3A_239, %get3A_240] {strides = array<i32>} : memref<16x1024xf32, #tpu.memory_space<vmem>>, vector<16xf32>,
            %get3A_242 = arith.index_cast %while3A_146 : i32 to index
            %get3A_243 = arith.index_cast %mul3A_238 : i32 to index
            %get3A_244 = tpu.vector_load %arg12[%get3A_242, %get3A_243] {strides = array<i32>} : memref<16x1024xf32, #tpu.memory_space<vmem>>, vector<16xf32>,
            %sub3A_245 = arith.subf %get3A_241, %get3A_244 : vector<16xf32>
            %mul3A_246 = arith.mulf %sub3A_245, %sub3A_245 : vector<16xf32>
            %add3A_247 = arith.addf %add3A_217, %mul3A_246 : vector<16xf32>
            %mul3A_248 = arith.constant 8 : i32
            %mul3A_249 = arith.muli %scan3A_155, %mul3A_248 : i32
            %add3A_250 = arith.constant 6 : i32
            %add3A_251 = arith.addi %mul3A_249, %add3A_250 : i32
            %mul3A_252 = arith.constant 16 : i32
            %mul3A_253 = arith.muli %add3A_251, %mul3A_252 : i32
            %get3A_254 = arith.index_cast %while3A_146 : i32 to index
            %get3A_255 = arith.index_cast %mul3A_253 : i32 to index
            %get3A_256 = tpu.vector_load %arg13[%get3A_254, %get3A_255] {strides = array<i32>} : memref<16x1024xf32, #tpu.memory_space<vmem>>, vector<16xf32>,
            %get3A_257 = arith.index_cast %while3A_146 : i32 to index
            %get3A_258 = arith.index_cast %mul3A_253 : i32 to index
            %get3A_259 = tpu.vector_load %arg12[%get3A_257, %get3A_258] {strides = array<i32>} : memref<16x1024xf32, #tpu.memory_space<vmem>>, vector<16xf32>,
            %sub3A_260 = arith.subf %get3A_256, %get3A_259 : vector<16xf32>
            %mul3A_261 = arith.mulf %sub3A_260, %sub3A_260 : vector<16xf32>
            %add3A_262 = arith.addf %add3A_232, %mul3A_261 : vector<16xf32>
            %mul3A_263 = arith.constant 8 : i32
            %mul3A_264 = arith.muli %scan3A_155, %mul3A_263 : i32
            %add3A_265 = arith.constant 7 : i32
            %add3A_266 = arith.addi %mul3A_264, %add3A_265 : i32
            %mul3A_267 = arith.constant 16 : i32
            %mul3A_268 = arith.muli %add3A_266, %mul3A_267 : i32
            %get3A_269 = arith.index_cast %while3A_146 : i32 to index
            %get3A_270 = arith.index_cast %mul3A_268 : i32 to index
            %get3A_271 = tpu.vector_load %arg13[%get3A_269, %get3A_270] {strides = array<i32>} : memref<16x1024xf32, #tpu.memory_space<vmem>>, vector<16xf32>,
            %get3A_272 = arith.index_cast %while3A_146 : i32 to index
            %get3A_273 = arith.index_cast %mul3A_268 : i32 to index
            %get3A_274 = tpu.vector_load %arg12[%get3A_272, %get3A_273] {strides = array<i32>} : memref<16x1024xf32, #tpu.memory_space<vmem>>, vector<16xf32>,
            %sub3A_275 = arith.subf %get3A_271, %get3A_274 : vector<16xf32>
            %mul3A_276 = arith.mulf %sub3A_275, %sub3A_275 : vector<16xf32>
            %add3A_277 = arith.addf %add3A_247, %mul3A_276 : vector<16xf32>
            scf.yield %add3A_262, %add3A_277 : vector<16xf32>, vector<16xf32>
          }
          %scan3A_154 = arith.constant 8 : i32
          scf.yield %scan3A_153#0, %scan3A_153#1 : vector<16xf32>, vector<16xf32>
        }
        %get3A = arith.constant 0 : index
        %get3A_133 = tpu.vector_load %arg14[%get3A] {strides = array<i32>} : memref<16xf32, #tpu.memory_space<vmem>>, vector<16xf32>,
        %add3A_134 = arith.addf %get3A_133, %while3A_132#0 : vector<16xf32>
        %add3A_135 = arith.addf %add3A_134, %while3A_132#1 : vector<16xf32>
        %swap3A_136 = arith.constant 0 : index
        %swap3A_137 = tpu.vector_load %arg14[%swap3A_136] {strides = array<i32>} : memref<16xf32, #tpu.memory_space<vmem>>, vector<16xf32>,
        tpu.vector_store %arg14[%swap3A_136], %add3A_135 {strides = array<i32>} : memref<16xf32, #tpu.memory_space<vmem>>, vector<16xf32>,
        %add3A_138 = arith.constant 2 : i32
        %add3A_139 = arith.addi %mul3A_85, %add3A_138 : i32
        %add3A_140 = arith.constant 3 : i32
        %add3A_141 = arith.addi %add3A_139, %add3A_140 : i32
        %lt3A_142 = arith.cmpi slt, %add3A_141, %select_n3A : i32
        %convert_element_type3A_143 = arith.extui %lt3A_142 : i1 to i32
        %cond3A_144 = arith.constant 0 : i32
        %cond3A_145 = arith.cmpi ne, %convert_element_type3A_143, %cond3A_144 : i32
        scf.if %cond3A_145 {
          %add3A_146 = arith.constant 2 : i32
          %add3A_147 = arith.addi %mul3A_85, %add3A_146 : i32
          %add3A_148 = arith.constant 3 : i32
          %add3A_149 = arith.addi %add3A_147, %add3A_148 : i32
          %mul3A_150 = arith.constant 16 : i32
          %mul3A_151 = arith.muli %add3A_149, %mul3A_150 : i32
          %dma_start3A = tpu.memref_slice %arg7[%mul3A_151] : memref<416xi32, #tpu.memory_space<vmem>> -> memref<16xi32, #tpu.memory_space<vmem>>
          %dma_start3A_152 = arith.constant 0 : i32
          %dma_start3A_153 = arith.constant 0 : i32
          %dma_start3A_154 = tpu.memref_slice %arg2[%dma_start3A_152, %dma_start3A_153] : memref<16384x1024xf32, #tpu.memory_space<hbm>> -> memref<16384x1024xf32, #tpu.memory_space<hbm>>
          tpu.enqueue_indirect_dma source(%dma_start3A_154 : memref<16384x1024xf32, #tpu.memory_space<hbm>>) target(%arg12 : memref<16x1024xf32, #tpu.memory_space<vmem>>) offsets(%dma_start3A : memref<16xi32, #tpu.memory_space<vmem>>) semaphore(%arg17 : memref<!tpu.dma_semaphore, #tpu.memory_space<semaphore_mem>>)
          %dma_start3A_155 = tpu.memref_slice %arg7[%mul3A_151] : memref<416xi32, #tpu.memory_space<vmem>> -> memref<16xi32, #tpu.memory_space<vmem>>
          %dma_start3A_156 = arith.constant 0 : i32
          %dma_start3A_157 = arith.constant 0 : i32
          %dma_start3A_158 = tpu.memref_slice %arg3[%dma_start3A_156, %dma_start3A_157] : memref<16384x1024xf32, #tpu.memory_space<hbm>> -> memref<16384x1024xf32, #tpu.memory_space<hbm>>
          tpu.enqueue_indirect_dma source(%dma_start3A_158 : memref<16384x1024xf32, #tpu.memory_space<hbm>>) target(%arg13 : memref<16x1024xf32, #tpu.memory_space<vmem>>) offsets(%dma_start3A_155 : memref<16xi32, #tpu.memory_space<vmem>>) semaphore(%arg17 : memref<!tpu.dma_semaphore, #tpu.memory_space<semaphore_mem>>)
        } else {
        }
      } else {
      }
    }
    %while3A_82 = arith.constant 1 : i32
    scf.for %while3A_83 = %while3A_80 to %while3A_76 step %while3A_82  : i32 {
      %mul3A_84 = arith.constant 3 : i32
      %mul3A_85 = arith.muli %while3A_83, %mul3A_84 : i32
      %add3A_86 = arith.constant 0 : i32
      %add3A_87 = arith.addi %mul3A_85, %add3A_86 : i32
      %lt3A = arith.cmpi slt, %add3A_87, %select_n3A : i32
      %convert_element_type3A_88 = arith.extui %lt3A : i1 to i32
      %cond3A_89 = arith.constant 0 : i32
      %cond3A_90 = arith.cmpi ne, %convert_element_type3A_88, %cond3A_89 : i32
      scf.if %cond3A_90 {
        %dma_wait3A = arith.constant 0 : i32
        %dma_wait3A_103 = arith.constant 0 : i32
        %dma_wait3A_104 = tpu.memref_slice %arg2[%dma_wait3A, %dma_wait3A_103] : memref<16384x1024xf32, #tpu.memory_space<hbm>> -> memref<16x1024xf32, #tpu.memory_space<hbm>>
        %dma_wait3A_105 = arith.constant 0 : i32
        %dma_wait3A_106 = arith.constant 0 : i32
        %dma_wait3A_107 = tpu.memref_slice %arg2[%dma_wait3A_105, %dma_wait3A_106] : memref<16384x1024xf32, #tpu.memory_space<hbm>> -> memref<16x1024xf32, #tpu.memory_space<hbm>>
        tpu.wait_dma2 semaphore(%arg15 : memref<!tpu.dma_semaphore, #tpu.memory_space<semaphore_mem>>) src(%dma_wait3A_107 : memref<16x1024xf32, #tpu.memory_space<hbm>>) dst(%arg8 : memref<16x1024xf32, #tpu.memory_space<vmem>>)
        %dma_wait3A_108 = arith.constant 0 : i32
        %dma_wait3A_109 = arith.constant 0 : i32
        %dma_wait3A_110 = tpu.memref_slice %arg3[%dma_wait3A_108, %dma_wait3A_109] : memref<16384x1024xf32, #tpu.memory_space<hbm>> -> memref<16x1024xf32, #tpu.memory_space<hbm>>
        %dma_wait3A_111 = arith.constant 0 : i32
        %dma_wait3A_112 = arith.constant 0 : i32
        %dma_wait3A_113 = tpu.memref_slice %arg3[%dma_wait3A_111, %dma_wait3A_112] : memref<16384x1024xf32, #tpu.memory_space<hbm>> -> memref<16x1024xf32, #tpu.memory_space<hbm>>
        tpu.wait_dma2 semaphore(%arg15 : memref<!tpu.dma_semaphore, #tpu.memory_space<semaphore_mem>>) src(%dma_wait3A_113 : memref<16x1024xf32, #tpu.memory_space<hbm>>) dst(%arg9 : memref<16x1024xf32, #tpu.memory_space<vmem>>)
        %add3A_114 = arith.constant 0 : i32
        %add3A_115 = arith.addi %mul3A_85, %add3A_114 : i32
        %mul3A_116 = arith.constant 16 : i32
        %mul3A_117 = arith.muli %add3A_115, %mul3A_116 : i32
        %sub3A_118 = arith.subi %scan3A_9, %mul3A_117 : i32
        %min3A = arith.constant 16 : i32
        %min3A_119 = arith.minsi %sub3A_118, %min3A : i32
        %broadcast_in_dim3A_120 = arith.constant 0.000000e+00 : f32
        %broadcast_in_dim3A_121 = vector.broadcast %broadcast_in_dim3A_120 : f32 to vector<16xf32>
        %while3A_122 = arith.constant 0 : i32
        %while3A_123 = arith.subi %min3A_119, %while3A_122 : i32
        %while3A_124 = arith.addi %while3A_122, %while3A_123 : i32
        %while3A_125 = arith.constant 1 : i32
        %while3A_126 = arith.divsi %while3A_123, %while3A_125 : i32
        %while3A_127 = arith.muli %while3A_126, %while3A_125 : i32
        %while3A_128 = arith.addi %while3A_122, %while3A_127 : i32
        %while3A_129 = arith.constant 1 : i32
        %while3A_130:2 = scf.for %while3A_146 = %while3A_122 to %while3A_128 step %while3A_129 iter_args(%while3A_147 = %broadcast_in_dim3A_121, %while3A_148 = %broadcast_in_dim3A_121) -> (vector<16xf32>, vector<16xf32>)  : i32 {
          %scan3A_149 = arith.constant 0 : i32
          %scan3A_150 = arith.constant 8 : i32
          %scan3A_151 = arith.addi %scan3A_149, %scan3A_150 : i32
          %scan3A_152 = arith.constant 1 : i32
          %scan3A_153:2 = scf.for %scan3A_155 = %scan3A_149 to %scan3A_151 step %scan3A_152 iter_args(%scan3A_156 = %while3A_147, %scan3A_157 = %while3A_148) -> (vector<16xf32>, vector<16xf32>)  : i32 {
            %mul3A_158 = arith.constant 8 : i32
            %mul3A_159 = arith.muli %scan3A_155, %mul3A_158 : i32
            %add3A_160 = arith.constant 0 : i32
            %add3A_161 = arith.addi %mul3A_159, %add3A_160 : i32
            %mul3A_162 = arith.constant 16 : i32
            %mul3A_163 = arith.muli %add3A_161, %mul3A_162 : i32
            %get3A_164 = arith.index_cast %while3A_146 : i32 to index
            %get3A_165 = arith.index_cast %mul3A_163 : i32 to index
            %get3A_166 = tpu.vector_load %arg9[%get3A_164, %get3A_165] {strides = array<i32>} : memref<16x1024xf32, #tpu.memory_space<vmem>>, vector<16xf32>,
            %get3A_167 = arith.index_cast %while3A_146 : i32 to index
            %get3A_168 = arith.index_cast %mul3A_163 : i32 to index
            %get3A_169 = tpu.vector_load %arg8[%get3A_167, %get3A_168] {strides = array<i32>} : memref<16x1024xf32, #tpu.memory_space<vmem>>, vector<16xf32>,
            %sub3A_170 = arith.subf %get3A_166, %get3A_169 : vector<16xf32>
            %mul3A_171 = arith.mulf %sub3A_170, %sub3A_170 : vector<16xf32>
            %add3A_172 = arith.addf %scan3A_156, %mul3A_171 : vector<16xf32>
            %mul3A_173 = arith.constant 8 : i32
            %mul3A_174 = arith.muli %scan3A_155, %mul3A_173 : i32
            %add3A_175 = arith.constant 1 : i32
            %add3A_176 = arith.addi %mul3A_174, %add3A_175 : i32
            %mul3A_177 = arith.constant 16 : i32
            %mul3A_178 = arith.muli %add3A_176, %mul3A_177 : i32
            %get3A_179 = arith.index_cast %while3A_146 : i32 to index
            %get3A_180 = arith.index_cast %mul3A_178 : i32 to index
            %get3A_181 = tpu.vector_load %arg9[%get3A_179, %get3A_180] {strides = array<i32>} : memref<16x1024xf32, #tpu.memory_space<vmem>>, vector<16xf32>,
            %get3A_182 = arith.index_cast %while3A_146 : i32 to index
            %get3A_183 = arith.index_cast %mul3A_178 : i32 to index
            %get3A_184 = tpu.vector_load %arg8[%get3A_182, %get3A_183] {strides = array<i32>} : memref<16x1024xf32, #tpu.memory_space<vmem>>, vector<16xf32>,
            %sub3A_185 = arith.subf %get3A_181, %get3A_184 : vector<16xf32>
            %mul3A_186 = arith.mulf %sub3A_185, %sub3A_185 : vector<16xf32>
            %add3A_187 = arith.addf %scan3A_157, %mul3A_186 : vector<16xf32>
            %mul3A_188 = arith.constant 8 : i32
            %mul3A_189 = arith.muli %scan3A_155, %mul3A_188 : i32
            %add3A_190 = arith.constant 2 : i32
            %add3A_191 = arith.addi %mul3A_189, %add3A_190 : i32
            %mul3A_192 = arith.constant 16 : i32
            %mul3A_193 = arith.muli %add3A_191, %mul3A_192 : i32
            %get3A_194 = arith.index_cast %while3A_146 : i32 to index
            %get3A_195 = arith.index_cast %mul3A_193 : i32 to index
            %get3A_196 = tpu.vector_load %arg9[%get3A_194, %get3A_195] {strides = array<i32>} : memref<16x1024xf32, #tpu.memory_space<vmem>>, vector<16xf32>,
            %get3A_197 = arith.index_cast %while3A_146 : i32 to index
            %get3A_198 = arith.index_cast %mul3A_193 : i32 to index
            %get3A_199 = tpu.vector_load %arg8[%get3A_197, %get3A_198] {strides = array<i32>} : memref<16x1024xf32, #tpu.memory_space<vmem>>, vector<16xf32>,
            %sub3A_200 = arith.subf %get3A_196, %get3A_199 : vector<16xf32>
            %mul3A_201 = arith.mulf %sub3A_200, %sub3A_200 : vector<16xf32>
            %add3A_202 = arith.addf %add3A_172, %mul3A_201 : vector<16xf32>
            %mul3A_203 = arith.constant 8 : i32
            %mul3A_204 = arith.muli %scan3A_155, %mul3A_203 : i32
            %add3A_205 = arith.constant 3 : i32
            %add3A_206 = arith.addi %mul3A_204, %add3A_205 : i32
            %mul3A_207 = arith.constant 16 : i32
            %mul3A_208 = arith.muli %add3A_206, %mul3A_207 : i32
            %get3A_209 = arith.index_cast %while3A_146 : i32 to index
            %get3A_210 = arith.index_cast %mul3A_208 : i32 to index
            %get3A_211 = tpu.vector_load %arg9[%get3A_209, %get3A_210] {strides = array<i32>} : memref<16x1024xf32, #tpu.memory_space<vmem>>, vector<16xf32>,
            %get3A_212 = arith.index_cast %while3A_146 : i32 to index
            %get3A_213 = arith.index_cast %mul3A_208 : i32 to index
            %get3A_214 = tpu.vector_load %arg8[%get3A_212, %get3A_213] {strides = array<i32>} : memref<16x1024xf32, #tpu.memory_space<vmem>>, vector<16xf32>,
            %sub3A_215 = arith.subf %get3A_211, %get3A_214 : vector<16xf32>
            %mul3A_216 = arith.mulf %sub3A_215, %sub3A_215 : vector<16xf32>
            %add3A_217 = arith.addf %add3A_187, %mul3A_216 : vector<16xf32>
            %mul3A_218 = arith.constant 8 : i32
            %mul3A_219 = arith.muli %scan3A_155, %mul3A_218 : i32
            %add3A_220 = arith.constant 4 : i32
            %add3A_221 = arith.addi %mul3A_219, %add3A_220 : i32
            %mul3A_222 = arith.constant 16 : i32
            %mul3A_223 = arith.muli %add3A_221, %mul3A_222 : i32
            %get3A_224 = arith.index_cast %while3A_146 : i32 to index
            %get3A_225 = arith.index_cast %mul3A_223 : i32 to index
            %get3A_226 = tpu.vector_load %arg9[%get3A_224, %get3A_225] {strides = array<i32>} : memref<16x1024xf32, #tpu.memory_space<vmem>>, vector<16xf32>,
            %get3A_227 = arith.index_cast %while3A_146 : i32 to index
            %get3A_228 = arith.index_cast %mul3A_223 : i32 to index
            %get3A_229 = tpu.vector_load %arg8[%get3A_227, %get3A_228] {strides = array<i32>} : memref<16x1024xf32, #tpu.memory_space<vmem>>, vector<16xf32>,
            %sub3A_230 = arith.subf %get3A_226, %get3A_229 : vector<16xf32>
            %mul3A_231 = arith.mulf %sub3A_230, %sub3A_230 : vector<16xf32>
            %add3A_232 = arith.addf %add3A_202, %mul3A_231 : vector<16xf32>
            %mul3A_233 = arith.constant 8 : i32
            %mul3A_234 = arith.muli %scan3A_155, %mul3A_233 : i32
            %add3A_235 = arith.constant 5 : i32
            %add3A_236 = arith.addi %mul3A_234, %add3A_235 : i32
            %mul3A_237 = arith.constant 16 : i32
            %mul3A_238 = arith.muli %add3A_236, %mul3A_237 : i32
            %get3A_239 = arith.index_cast %while3A_146 : i32 to index
            %get3A_240 = arith.index_cast %mul3A_238 : i32 to index
            %get3A_241 = tpu.vector_load %arg9[%get3A_239, %get3A_240] {strides = array<i32>} : memref<16x1024xf32, #tpu.memory_space<vmem>>, vector<16xf32>,
            %get3A_242 = arith.index_cast %while3A_146 : i32 to index
            %get3A_243 = arith.index_cast %mul3A_238 : i32 to index
            %get3A_244 = tpu.vector_load %arg8[%get3A_242, %get3A_243] {strides = array<i32>} : memref<16x1024xf32, #tpu.memory_space<vmem>>, vector<16xf32>,
            %sub3A_245 = arith.subf %get3A_241, %get3A_244 : vector<16xf32>
            %mul3A_246 = arith.mulf %sub3A_245, %sub3A_245 : vector<16xf32>
            %add3A_247 = arith.addf %add3A_217, %mul3A_246 : vector<16xf32>
            %mul3A_248 = arith.constant 8 : i32
            %mul3A_249 = arith.muli %scan3A_155, %mul3A_248 : i32
            %add3A_250 = arith.constant 6 : i32
            %add3A_251 = arith.addi %mul3A_249, %add3A_250 : i32
            %mul3A_252 = arith.constant 16 : i32
            %mul3A_253 = arith.muli %add3A_251, %mul3A_252 : i32
            %get3A_254 = arith.index_cast %while3A_146 : i32 to index
            %get3A_255 = arith.index_cast %mul3A_253 : i32 to index
            %get3A_256 = tpu.vector_load %arg9[%get3A_254, %get3A_255] {strides = array<i32>} : memref<16x1024xf32, #tpu.memory_space<vmem>>, vector<16xf32>,
            %get3A_257 = arith.index_cast %while3A_146 : i32 to index
            %get3A_258 = arith.index_cast %mul3A_253 : i32 to index
            %get3A_259 = tpu.vector_load %arg8[%get3A_257, %get3A_258] {strides = array<i32>} : memref<16x1024xf32, #tpu.memory_space<vmem>>, vector<16xf32>,
            %sub3A_260 = arith.subf %get3A_256, %get3A_259 : vector<16xf32>
            %mul3A_261 = arith.mulf %sub3A_260, %sub3A_260 : vector<16xf32>
            %add3A_262 = arith.addf %add3A_232, %mul3A_261 : vector<16xf32>
            %mul3A_263 = arith.constant 8 : i32
            %mul3A_264 = arith.muli %scan3A_155, %mul3A_263 : i32
            %add3A_265 = arith.constant 7 : i32
            %add3A_266 = arith.addi %mul3A_264, %add3A_265 : i32
            %mul3A_267 = arith.constant 16 : i32
            %mul3A_268 = arith.muli %add3A_266, %mul3A_267 : i32
            %get3A_269 = arith.index_cast %while3A_146 : i32 to index
            %get3A_270 = arith.index_cast %mul3A_268 : i32 to index
            %get3A_271 = tpu.vector_load %arg9[%get3A_269, %get3A_270] {strides = array<i32>} : memref<16x1024xf32, #tpu.memory_space<vmem>>, vector<16xf32>,
            %get3A_272 = arith.index_cast %while3A_146 : i32 to index
            %get3A_273 = arith.index_cast %mul3A_268 : i32 to index
            %get3A_274 = tpu.vector_load %arg8[%get3A_272, %get3A_273] {strides = array<i32>} : memref<16x1024xf32, #tpu.memory_space<vmem>>, vector<16xf32>,
            %sub3A_275 = arith.subf %get3A_271, %get3A_274 : vector<16xf32>
            %mul3A_276 = arith.mulf %sub3A_275, %sub3A_275 : vector<16xf32>
            %add3A_277 = arith.addf %add3A_247, %mul3A_276 : vector<16xf32>
            scf.yield %add3A_262, %add3A_277 : vector<16xf32>, vector<16xf32>
          }
          %scan3A_154 = arith.constant 8 : i32
          scf.yield %scan3A_153#0, %scan3A_153#1 : vector<16xf32>, vector<16xf32>
        }
        %while3A_131 = arith.constant 1 : i32
        %while3A_132:2 = scf.for %while3A_146 = %while3A_128 to %while3A_124 step %while3A_131 iter_args(%while3A_147 = %while3A_130#0, %while3A_148 = %while3A_130#1) -> (vector<16xf32>, vector<16xf32>)  : i32 {
          %scan3A_149 = arith.constant 0 : i32
          %scan3A_150 = arith.constant 8 : i32
          %scan3A_151 = arith.addi %scan3A_149, %scan3A_150 : i32
          %scan3A_152 = arith.constant 1 : i32
          %scan3A_153:2 = scf.for %scan3A_155 = %scan3A_149 to %scan3A_151 step %scan3A_152 iter_args(%scan3A_156 = %while3A_147, %scan3A_157 = %while3A_148) -> (vector<16xf32>, vector<16xf32>)  : i32 {
            %mul3A_158 = arith.constant 8 : i32
            %mul3A_159 = arith.muli %scan3A_155, %mul3A_158 : i32
            %add3A_160 = arith.constant 0 : i32
            %add3A_161 = arith.addi %mul3A_159, %add3A_160 : i32
            %mul3A_162 = arith.constant 16 : i32
            %mul3A_163 = arith.muli %add3A_161, %mul3A_162 : i32
            %get3A_164 = arith.index_cast %while3A_146 : i32 to index
            %get3A_165 = arith.index_cast %mul3A_163 : i32 to index
            %get3A_166 = tpu.vector_load %arg9[%get3A_164, %get3A_165] {strides = array<i32>} : memref<16x1024xf32, #tpu.memory_space<vmem>>, vector<16xf32>,
            %get3A_167 = arith.index_cast %while3A_146 : i32 to index
            %get3A_168 = arith.index_cast %mul3A_163 : i32 to index
            %get3A_169 = tpu.vector_load %arg8[%get3A_167, %get3A_168] {strides = array<i32>} : memref<16x1024xf32, #tpu.memory_space<vmem>>, vector<16xf32>,
            %sub3A_170 = arith.subf %get3A_166, %get3A_169 : vector<16xf32>
            %mul3A_171 = arith.mulf %sub3A_170, %sub3A_170 : vector<16xf32>
            %add3A_172 = arith.addf %scan3A_156, %mul3A_171 : vector<16xf32>
            %mul3A_173 = arith.constant 8 : i32
            %mul3A_174 = arith.muli %scan3A_155, %mul3A_173 : i32
            %add3A_175 = arith.constant 1 : i32
            %add3A_176 = arith.addi %mul3A_174, %add3A_175 : i32
            %mul3A_177 = arith.constant 16 : i32
            %mul3A_178 = arith.muli %add3A_176, %mul3A_177 : i32
            %get3A_179 = arith.index_cast %while3A_146 : i32 to index
            %get3A_180 = arith.index_cast %mul3A_178 : i32 to index
            %get3A_181 = tpu.vector_load %arg9[%get3A_179, %get3A_180] {strides = array<i32>} : memref<16x1024xf32, #tpu.memory_space<vmem>>, vector<16xf32>,
            %get3A_182 = arith.index_cast %while3A_146 : i32 to index
            %get3A_183 = arith.index_cast %mul3A_178 : i32 to index
            %get3A_184 = tpu.vector_load %arg8[%get3A_182, %get3A_183] {strides = array<i32>} : memref<16x1024xf32, #tpu.memory_space<vmem>>, vector<16xf32>,
            %sub3A_185 = arith.subf %get3A_181, %get3A_184 : vector<16xf32>
            %mul3A_186 = arith.mulf %sub3A_185, %sub3A_185 : vector<16xf32>
            %add3A_187 = arith.addf %scan3A_157, %mul3A_186 : vector<16xf32>
            %mul3A_188 = arith.constant 8 : i32
            %mul3A_189 = arith.muli %scan3A_155, %mul3A_188 : i32
            %add3A_190 = arith.constant 2 : i32
            %add3A_191 = arith.addi %mul3A_189, %add3A_190 : i32
            %mul3A_192 = arith.constant 16 : i32
            %mul3A_193 = arith.muli %add3A_191, %mul3A_192 : i32
            %get3A_194 = arith.index_cast %while3A_146 : i32 to index
            %get3A_195 = arith.index_cast %mul3A_193 : i32 to index
            %get3A_196 = tpu.vector_load %arg9[%get3A_194, %get3A_195] {strides = array<i32>} : memref<16x1024xf32, #tpu.memory_space<vmem>>, vector<16xf32>,
            %get3A_197 = arith.index_cast %while3A_146 : i32 to index
            %get3A_198 = arith.index_cast %mul3A_193 : i32 to index
            %get3A_199 = tpu.vector_load %arg8[%get3A_197, %get3A_198] {strides = array<i32>} : memref<16x1024xf32, #tpu.memory_space<vmem>>, vector<16xf32>,
            %sub3A_200 = arith.subf %get3A_196, %get3A_199 : vector<16xf32>
            %mul3A_201 = arith.mulf %sub3A_200, %sub3A_200 : vector<16xf32>
            %add3A_202 = arith.addf %add3A_172, %mul3A_201 : vector<16xf32>
            %mul3A_203 = arith.constant 8 : i32
            %mul3A_204 = arith.muli %scan3A_155, %mul3A_203 : i32
            %add3A_205 = arith.constant 3 : i32
            %add3A_206 = arith.addi %mul3A_204, %add3A_205 : i32
            %mul3A_207 = arith.constant 16 : i32
            %mul3A_208 = arith.muli %add3A_206, %mul3A_207 : i32
            %get3A_209 = arith.index_cast %while3A_146 : i32 to index
            %get3A_210 = arith.index_cast %mul3A_208 : i32 to index
            %get3A_211 = tpu.vector_load %arg9[%get3A_209, %get3A_210] {strides = array<i32>} : memref<16x1024xf32, #tpu.memory_space<vmem>>, vector<16xf32>,
            %get3A_212 = arith.index_cast %while3A_146 : i32 to index
            %get3A_213 = arith.index_cast %mul3A_208 : i32 to index
            %get3A_214 = tpu.vector_load %arg8[%get3A_212, %get3A_213] {strides = array<i32>} : memref<16x1024xf32, #tpu.memory_space<vmem>>, vector<16xf32>,
            %sub3A_215 = arith.subf %get3A_211, %get3A_214 : vector<16xf32>
            %mul3A_216 = arith.mulf %sub3A_215, %sub3A_215 : vector<16xf32>
            %add3A_217 = arith.addf %add3A_187, %mul3A_216 : vector<16xf32>
            %mul3A_218 = arith.constant 8 : i32
            %mul3A_219 = arith.muli %scan3A_155, %mul3A_218 : i32
            %add3A_220 = arith.constant 4 : i32
            %add3A_221 = arith.addi %mul3A_219, %add3A_220 : i32
            %mul3A_222 = arith.constant 16 : i32
            %mul3A_223 = arith.muli %add3A_221, %mul3A_222 : i32
            %get3A_224 = arith.index_cast %while3A_146 : i32 to index
            %get3A_225 = arith.index_cast %mul3A_223 : i32 to index
            %get3A_226 = tpu.vector_load %arg9[%get3A_224, %get3A_225] {strides = array<i32>} : memref<16x1024xf32, #tpu.memory_space<vmem>>, vector<16xf32>,
            %get3A_227 = arith.index_cast %while3A_146 : i32 to index
            %get3A_228 = arith.index_cast %mul3A_223 : i32 to index
            %get3A_229 = tpu.vector_load %arg8[%get3A_227, %get3A_228] {strides = array<i32>} : memref<16x1024xf32, #tpu.memory_space<vmem>>, vector<16xf32>,
            %sub3A_230 = arith.subf %get3A_226, %get3A_229 : vector<16xf32>
            %mul3A_231 = arith.mulf %sub3A_230, %sub3A_230 : vector<16xf32>
            %add3A_232 = arith.addf %add3A_202, %mul3A_231 : vector<16xf32>
            %mul3A_233 = arith.constant 8 : i32
            %mul3A_234 = arith.muli %scan3A_155, %mul3A_233 : i32
            %add3A_235 = arith.constant 5 : i32
            %add3A_236 = arith.addi %mul3A_234, %add3A_235 : i32
            %mul3A_237 = arith.constant 16 : i32
            %mul3A_238 = arith.muli %add3A_236, %mul3A_237 : i32
            %get3A_239 = arith.index_cast %while3A_146 : i32 to index
            %get3A_240 = arith.index_cast %mul3A_238 : i32 to index
            %get3A_241 = tpu.vector_load %arg9[%get3A_239, %get3A_240] {strides = array<i32>} : memref<16x1024xf32, #tpu.memory_space<vmem>>, vector<16xf32>,
            %get3A_242 = arith.index_cast %while3A_146 : i32 to index
            %get3A_243 = arith.index_cast %mul3A_238 : i32 to index
            %get3A_244 = tpu.vector_load %arg8[%get3A_242, %get3A_243] {strides = array<i32>} : memref<16x1024xf32, #tpu.memory_space<vmem>>, vector<16xf32>,
            %sub3A_245 = arith.subf %get3A_241, %get3A_244 : vector<16xf32>
            %mul3A_246 = arith.mulf %sub3A_245, %sub3A_245 : vector<16xf32>
            %add3A_247 = arith.addf %add3A_217, %mul3A_246 : vector<16xf32>
            %mul3A_248 = arith.constant 8 : i32
            %mul3A_249 = arith.muli %scan3A_155, %mul3A_248 : i32
            %add3A_250 = arith.constant 6 : i32
            %add3A_251 = arith.addi %mul3A_249, %add3A_250 : i32
            %mul3A_252 = arith.constant 16 : i32
            %mul3A_253 = arith.muli %add3A_251, %mul3A_252 : i32
            %get3A_254 = arith.index_cast %while3A_146 : i32 to index
            %get3A_255 = arith.index_cast %mul3A_253 : i32 to index
            %get3A_256 = tpu.vector_load %arg9[%get3A_254, %get3A_255] {strides = array<i32>} : memref<16x1024xf32, #tpu.memory_space<vmem>>, vector<16xf32>,
            %get3A_257 = arith.index_cast %while3A_146 : i32 to index
            %get3A_258 = arith.index_cast %mul3A_253 : i32 to index
            %get3A_259 = tpu.vector_load %arg8[%get3A_257, %get3A_258] {strides = array<i32>} : memref<16x1024xf32, #tpu.memory_space<vmem>>, vector<16xf32>,
            %sub3A_260 = arith.subf %get3A_256, %get3A_259 : vector<16xf32>
            %mul3A_261 = arith.mulf %sub3A_260, %sub3A_260 : vector<16xf32>
            %add3A_262 = arith.addf %add3A_232, %mul3A_261 : vector<16xf32>
            %mul3A_263 = arith.constant 8 : i32
            %mul3A_264 = arith.muli %scan3A_155, %mul3A_263 : i32
            %add3A_265 = arith.constant 7 : i32
            %add3A_266 = arith.addi %mul3A_264, %add3A_265 : i32
            %mul3A_267 = arith.constant 16 : i32
            %mul3A_268 = arith.muli %add3A_266, %mul3A_267 : i32
            %get3A_269 = arith.index_cast %while3A_146 : i32 to index
            %get3A_270 = arith.index_cast %mul3A_268 : i32 to index
            %get3A_271 = tpu.vector_load %arg9[%get3A_269, %get3A_270] {strides = array<i32>} : memref<16x1024xf32, #tpu.memory_space<vmem>>, vector<16xf32>,
            %get3A_272 = arith.index_cast %while3A_146 : i32 to index
            %get3A_273 = arith.index_cast %mul3A_268 : i32 to index
            %get3A_274 = tpu.vector_load %arg8[%get3A_272, %get3A_273] {strides = array<i32>} : memref<16x1024xf32, #tpu.memory_space<vmem>>, vector<16xf32>,
            %sub3A_275 = arith.subf %get3A_271, %get3A_274 : vector<16xf32>
            %mul3A_276 = arith.mulf %sub3A_275, %sub3A_275 : vector<16xf32>
            %add3A_277 = arith.addf %add3A_247, %mul3A_276 : vector<16xf32>
            scf.yield %add3A_262, %add3A_277 : vector<16xf32>, vector<16xf32>
          }
          %scan3A_154 = arith.constant 8 : i32
          scf.yield %scan3A_153#0, %scan3A_153#1 : vector<16xf32>, vector<16xf32>
        }
        %get3A = arith.constant 0 : index
        %get3A_133 = tpu.vector_load %arg14[%get3A] {strides = array<i32>} : memref<16xf32, #tpu.memory_space<vmem>>, vector<16xf32>,
        %add3A_134 = arith.addf %get3A_133, %while3A_132#0 : vector<16xf32>
        %add3A_135 = arith.addf %add3A_134, %while3A_132#1 : vector<16xf32>
        %swap3A_136 = arith.constant 0 : index
        %swap3A_137 = tpu.vector_load %arg14[%swap3A_136] {strides = array<i32>} : memref<16xf32, #tpu.memory_space<vmem>>, vector<16xf32>,
        tpu.vector_store %arg14[%swap3A_136], %add3A_135 {strides = array<i32>} : memref<16xf32, #tpu.memory_space<vmem>>, vector<16xf32>,
        %add3A_138 = arith.constant 0 : i32
        %add3A_139 = arith.addi %mul3A_85, %add3A_138 : i32
        %add3A_140 = arith.constant 3 : i32
        %add3A_141 = arith.addi %add3A_139, %add3A_140 : i32
        %lt3A_142 = arith.cmpi slt, %add3A_141, %select_n3A : i32
        %convert_element_type3A_143 = arith.extui %lt3A_142 : i1 to i32
        %cond3A_144 = arith.constant 0 : i32
        %cond3A_145 = arith.cmpi ne, %convert_element_type3A_143, %cond3A_144 : i32
        scf.if %cond3A_145 {
          %add3A_146 = arith.constant 0 : i32
          %add3A_147 = arith.addi %mul3A_85, %add3A_146 : i32
          %add3A_148 = arith.constant 3 : i32
          %add3A_149 = arith.addi %add3A_147, %add3A_148 : i32
          %mul3A_150 = arith.constant 16 : i32
          %mul3A_151 = arith.muli %add3A_149, %mul3A_150 : i32
          %dma_start3A = tpu.memref_slice %arg7[%mul3A_151] : memref<416xi32, #tpu.memory_space<vmem>> -> memref<16xi32, #tpu.memory_space<vmem>>
          %dma_start3A_152 = arith.constant 0 : i32
          %dma_start3A_153 = arith.constant 0 : i32
          %dma_start3A_154 = tpu.memref_slice %arg2[%dma_start3A_152, %dma_start3A_153] : memref<16384x1024xf32, #tpu.memory_space<hbm>> -> memref<16384x1024xf32, #tpu.memory_space<hbm>>
          tpu.enqueue_indirect_dma source(%dma_start3A_154 : memref<16384x1024xf32, #tpu.memory_space<hbm>>) target(%arg8 : memref<16x1024xf32, #tpu.memory_space<vmem>>) offsets(%dma_start3A : memref<16xi32, #tpu.memory_space<vmem>>) semaphore(%arg15 : memref<!tpu.dma_semaphore, #tpu.memory_space<semaphore_mem>>)
          %dma_start3A_155 = tpu.memref_slice %arg7[%mul3A_151] : memref<416xi32, #tpu.memory_space<vmem>> -> memref<16xi32, #tpu.memory_space<vmem>>
          %dma_start3A_156 = arith.constant 0 : i32
          %dma_start3A_157 = arith.constant 0 : i32
          %dma_start3A_158 = tpu.memref_slice %arg3[%dma_start3A_156, %dma_start3A_157] : memref<16384x1024xf32, #tpu.memory_space<hbm>> -> memref<16384x1024xf32, #tpu.memory_space<hbm>>
          tpu.enqueue_indirect_dma source(%dma_start3A_158 : memref<16384x1024xf32, #tpu.memory_space<hbm>>) target(%arg9 : memref<16x1024xf32, #tpu.memory_space<vmem>>) offsets(%dma_start3A_155 : memref<16xi32, #tpu.memory_space<vmem>>) semaphore(%arg15 : memref<!tpu.dma_semaphore, #tpu.memory_space<semaphore_mem>>)
        } else {
        }
      } else {
      }
      %add3A_91 = arith.constant 1 : i32
      %add3A_92 = arith.addi %mul3A_85, %add3A_91 : i32
      %lt3A_93 = arith.cmpi slt, %add3A_92, %select_n3A : i32
      %convert_element_type3A_94 = arith.extui %lt3A_93 : i1 to i32
      %cond3A_95 = arith.constant 0 : i32
      %cond3A_96 = arith.cmpi ne, %convert_element_type3A_94, %cond3A_95 : i32
      scf.if %cond3A_96 {
        %dma_wait3A = arith.constant 0 : i32
        %dma_wait3A_103 = arith.constant 0 : i32
        %dma_wait3A_104 = tpu.memref_slice %arg2[%dma_wait3A, %dma_wait3A_103] : memref<16384x1024xf32, #tpu.memory_space<hbm>> -> memref<16x1024xf32, #tpu.memory_space<hbm>>
        %dma_wait3A_105 = arith.constant 0 : i32
        %dma_wait3A_106 = arith.constant 0 : i32
        %dma_wait3A_107 = tpu.memref_slice %arg2[%dma_wait3A_105, %dma_wait3A_106] : memref<16384x1024xf32, #tpu.memory_space<hbm>> -> memref<16x1024xf32, #tpu.memory_space<hbm>>
        tpu.wait_dma2 semaphore(%arg16 : memref<!tpu.dma_semaphore, #tpu.memory_space<semaphore_mem>>) src(%dma_wait3A_107 : memref<16x1024xf32, #tpu.memory_space<hbm>>) dst(%arg10 : memref<16x1024xf32, #tpu.memory_space<vmem>>)
        %dma_wait3A_108 = arith.constant 0 : i32
        %dma_wait3A_109 = arith.constant 0 : i32
        %dma_wait3A_110 = tpu.memref_slice %arg3[%dma_wait3A_108, %dma_wait3A_109] : memref<16384x1024xf32, #tpu.memory_space<hbm>> -> memref<16x1024xf32, #tpu.memory_space<hbm>>
        %dma_wait3A_111 = arith.constant 0 : i32
        %dma_wait3A_112 = arith.constant 0 : i32
        %dma_wait3A_113 = tpu.memref_slice %arg3[%dma_wait3A_111, %dma_wait3A_112] : memref<16384x1024xf32, #tpu.memory_space<hbm>> -> memref<16x1024xf32, #tpu.memory_space<hbm>>
        tpu.wait_dma2 semaphore(%arg16 : memref<!tpu.dma_semaphore, #tpu.memory_space<semaphore_mem>>) src(%dma_wait3A_113 : memref<16x1024xf32, #tpu.memory_space<hbm>>) dst(%arg11 : memref<16x1024xf32, #tpu.memory_space<vmem>>)
        %add3A_114 = arith.constant 1 : i32
        %add3A_115 = arith.addi %mul3A_85, %add3A_114 : i32
        %mul3A_116 = arith.constant 16 : i32
        %mul3A_117 = arith.muli %add3A_115, %mul3A_116 : i32
        %sub3A_118 = arith.subi %scan3A_9, %mul3A_117 : i32
        %min3A = arith.constant 16 : i32
        %min3A_119 = arith.minsi %sub3A_118, %min3A : i32
        %broadcast_in_dim3A_120 = arith.constant 0.000000e+00 : f32
        %broadcast_in_dim3A_121 = vector.broadcast %broadcast_in_dim3A_120 : f32 to vector<16xf32>
        %while3A_122 = arith.constant 0 : i32
        %while3A_123 = arith.subi %min3A_119, %while3A_122 : i32
        %while3A_124 = arith.addi %while3A_122, %while3A_123 : i32
        %while3A_125 = arith.constant 1 : i32
        %while3A_126 = arith.divsi %while3A_123, %while3A_125 : i32
        %while3A_127 = arith.muli %while3A_126, %while3A_125 : i32
        %while3A_128 = arith.addi %while3A_122, %while3A_127 : i32
        %while3A_129 = arith.constant 1 : i32
        %while3A_130:2 = scf.for %while3A_146 = %while3A_122 to %while3A_128 step %while3A_129 iter_args(%while3A_147 = %broadcast_in_dim3A_121, %while3A_148 = %broadcast_in_dim3A_121) -> (vector<16xf32>, vector<16xf32>)  : i32 {
          %scan3A_149 = arith.constant 0 : i32
          %scan3A_150 = arith.constant 8 : i32
          %scan3A_151 = arith.addi %scan3A_149, %scan3A_150 : i32
          %scan3A_152 = arith.constant 1 : i32
          %scan3A_153:2 = scf.for %scan3A_155 = %scan3A_149 to %scan3A_151 step %scan3A_152 iter_args(%scan3A_156 = %while3A_147, %scan3A_157 = %while3A_148) -> (vector<16xf32>, vector<16xf32>)  : i32 {
            %mul3A_158 = arith.constant 8 : i32
            %mul3A_159 = arith.muli %scan3A_155, %mul3A_158 : i32
            %add3A_160 = arith.constant 0 : i32
            %add3A_161 = arith.addi %mul3A_159, %add3A_160 : i32
            %mul3A_162 = arith.constant 16 : i32
            %mul3A_163 = arith.muli %add3A_161, %mul3A_162 : i32
            %get3A_164 = arith.index_cast %while3A_146 : i32 to index
            %get3A_165 = arith.index_cast %mul3A_163 : i32 to index
            %get3A_166 = tpu.vector_load %arg11[%get3A_164, %get3A_165] {strides = array<i32>} : memref<16x1024xf32, #tpu.memory_space<vmem>>, vector<16xf32>,
            %get3A_167 = arith.index_cast %while3A_146 : i32 to index
            %get3A_168 = arith.index_cast %mul3A_163 : i32 to index
            %get3A_169 = tpu.vector_load %arg10[%get3A_167, %get3A_168] {strides = array<i32>} : memref<16x1024xf32, #tpu.memory_space<vmem>>, vector<16xf32>,
            %sub3A_170 = arith.subf %get3A_166, %get3A_169 : vector<16xf32>
            %mul3A_171 = arith.mulf %sub3A_170, %sub3A_170 : vector<16xf32>
            %add3A_172 = arith.addf %scan3A_156, %mul3A_171 : vector<16xf32>
            %mul3A_173 = arith.constant 8 : i32
            %mul3A_174 = arith.muli %scan3A_155, %mul3A_173 : i32
            %add3A_175 = arith.constant 1 : i32
            %add3A_176 = arith.addi %mul3A_174, %add3A_175 : i32
            %mul3A_177 = arith.constant 16 : i32
            %mul3A_178 = arith.muli %add3A_176, %mul3A_177 : i32
            %get3A_179 = arith.index_cast %while3A_146 : i32 to index
            %get3A_180 = arith.index_cast %mul3A_178 : i32 to index
            %get3A_181 = tpu.vector_load %arg11[%get3A_179, %get3A_180] {strides = array<i32>} : memref<16x1024xf32, #tpu.memory_space<vmem>>, vector<16xf32>,
            %get3A_182 = arith.index_cast %while3A_146 : i32 to index
            %get3A_183 = arith.index_cast %mul3A_178 : i32 to index
            %get3A_184 = tpu.vector_load %arg10[%get3A_182, %get3A_183] {strides = array<i32>} : memref<16x1024xf32, #tpu.memory_space<vmem>>, vector<16xf32>,
            %sub3A_185 = arith.subf %get3A_181, %get3A_184 : vector<16xf32>
            %mul3A_186 = arith.mulf %sub3A_185, %sub3A_185 : vector<16xf32>
            %add3A_187 = arith.addf %scan3A_157, %mul3A_186 : vector<16xf32>
            %mul3A_188 = arith.constant 8 : i32
            %mul3A_189 = arith.muli %scan3A_155, %mul3A_188 : i32
            %add3A_190 = arith.constant 2 : i32
            %add3A_191 = arith.addi %mul3A_189, %add3A_190 : i32
            %mul3A_192 = arith.constant 16 : i32
            %mul3A_193 = arith.muli %add3A_191, %mul3A_192 : i32
            %get3A_194 = arith.index_cast %while3A_146 : i32 to index
            %get3A_195 = arith.index_cast %mul3A_193 : i32 to index
            %get3A_196 = tpu.vector_load %arg11[%get3A_194, %get3A_195] {strides = array<i32>} : memref<16x1024xf32, #tpu.memory_space<vmem>>, vector<16xf32>,
            %get3A_197 = arith.index_cast %while3A_146 : i32 to index
            %get3A_198 = arith.index_cast %mul3A_193 : i32 to index
            %get3A_199 = tpu.vector_load %arg10[%get3A_197, %get3A_198] {strides = array<i32>} : memref<16x1024xf32, #tpu.memory_space<vmem>>, vector<16xf32>,
            %sub3A_200 = arith.subf %get3A_196, %get3A_199 : vector<16xf32>
            %mul3A_201 = arith.mulf %sub3A_200, %sub3A_200 : vector<16xf32>
            %add3A_202 = arith.addf %add3A_172, %mul3A_201 : vector<16xf32>
            %mul3A_203 = arith.constant 8 : i32
            %mul3A_204 = arith.muli %scan3A_155, %mul3A_203 : i32
            %add3A_205 = arith.constant 3 : i32
            %add3A_206 = arith.addi %mul3A_204, %add3A_205 : i32
            %mul3A_207 = arith.constant 16 : i32
            %mul3A_208 = arith.muli %add3A_206, %mul3A_207 : i32
            %get3A_209 = arith.index_cast %while3A_146 : i32 to index
            %get3A_210 = arith.index_cast %mul3A_208 : i32 to index
            %get3A_211 = tpu.vector_load %arg11[%get3A_209, %get3A_210] {strides = array<i32>} : memref<16x1024xf32, #tpu.memory_space<vmem>>, vector<16xf32>,
            %get3A_212 = arith.index_cast %while3A_146 : i32 to index
            %get3A_213 = arith.index_cast %mul3A_208 : i32 to index
            %get3A_214 = tpu.vector_load %arg10[%get3A_212, %get3A_213] {strides = array<i32>} : memref<16x1024xf32, #tpu.memory_space<vmem>>, vector<16xf32>,
            %sub3A_215 = arith.subf %get3A_211, %get3A_214 : vector<16xf32>
            %mul3A_216 = arith.mulf %sub3A_215, %sub3A_215 : vector<16xf32>
            %add3A_217 = arith.addf %add3A_187, %mul3A_216 : vector<16xf32>
            %mul3A_218 = arith.constant 8 : i32
            %mul3A_219 = arith.muli %scan3A_155, %mul3A_218 : i32
            %add3A_220 = arith.constant 4 : i32
            %add3A_221 = arith.addi %mul3A_219, %add3A_220 : i32
            %mul3A_222 = arith.constant 16 : i32
            %mul3A_223 = arith.muli %add3A_221, %mul3A_222 : i32
            %get3A_224 = arith.index_cast %while3A_146 : i32 to index
            %get3A_225 = arith.index_cast %mul3A_223 : i32 to index
            %get3A_226 = tpu.vector_load %arg11[%get3A_224, %get3A_225] {strides = array<i32>} : memref<16x1024xf32, #tpu.memory_space<vmem>>, vector<16xf32>,
            %get3A_227 = arith.index_cast %while3A_146 : i32 to index
            %get3A_228 = arith.index_cast %mul3A_223 : i32 to index
            %get3A_229 = tpu.vector_load %arg10[%get3A_227, %get3A_228] {strides = array<i32>} : memref<16x1024xf32, #tpu.memory_space<vmem>>, vector<16xf32>,
            %sub3A_230 = arith.subf %get3A_226, %get3A_229 : vector<16xf32>
            %mul3A_231 = arith.mulf %sub3A_230, %sub3A_230 : vector<16xf32>
            %add3A_232 = arith.addf %add3A_202, %mul3A_231 : vector<16xf32>
            %mul3A_233 = arith.constant 8 : i32
            %mul3A_234 = arith.muli %scan3A_155, %mul3A_233 : i32
            %add3A_235 = arith.constant 5 : i32
            %add3A_236 = arith.addi %mul3A_234, %add3A_235 : i32
            %mul3A_237 = arith.constant 16 : i32
            %mul3A_238 = arith.muli %add3A_236, %mul3A_237 : i32
            %get3A_239 = arith.index_cast %while3A_146 : i32 to index
            %get3A_240 = arith.index_cast %mul3A_238 : i32 to index
            %get3A_241 = tpu.vector_load %arg11[%get3A_239, %get3A_240] {strides = array<i32>} : memref<16x1024xf32, #tpu.memory_space<vmem>>, vector<16xf32>,
            %get3A_242 = arith.index_cast %while3A_146 : i32 to index
            %get3A_243 = arith.index_cast %mul3A_238 : i32 to index
            %get3A_244 = tpu.vector_load %arg10[%get3A_242, %get3A_243] {strides = array<i32>} : memref<16x1024xf32, #tpu.memory_space<vmem>>, vector<16xf32>,
            %sub3A_245 = arith.subf %get3A_241, %get3A_244 : vector<16xf32>
            %mul3A_246 = arith.mulf %sub3A_245, %sub3A_245 : vector<16xf32>
            %add3A_247 = arith.addf %add3A_217, %mul3A_246 : vector<16xf32>
            %mul3A_248 = arith.constant 8 : i32
            %mul3A_249 = arith.muli %scan3A_155, %mul3A_248 : i32
            %add3A_250 = arith.constant 6 : i32
            %add3A_251 = arith.addi %mul3A_249, %add3A_250 : i32
            %mul3A_252 = arith.constant 16 : i32
            %mul3A_253 = arith.muli %add3A_251, %mul3A_252 : i32
            %get3A_254 = arith.index_cast %while3A_146 : i32 to index
            %get3A_255 = arith.index_cast %mul3A_253 : i32 to index
            %get3A_256 = tpu.vector_load %arg11[%get3A_254, %get3A_255] {strides = array<i32>} : memref<16x1024xf32, #tpu.memory_space<vmem>>, vector<16xf32>,
            %get3A_257 = arith.index_cast %while3A_146 : i32 to index
            %get3A_258 = arith.index_cast %mul3A_253 : i32 to index
            %get3A_259 = tpu.vector_load %arg10[%get3A_257, %get3A_258] {strides = array<i32>} : memref<16x1024xf32, #tpu.memory_space<vmem>>, vector<16xf32>,
            %sub3A_260 = arith.subf %get3A_256, %get3A_259 : vector<16xf32>
            %mul3A_261 = arith.mulf %sub3A_260, %sub3A_260 : vector<16xf32>
            %add3A_262 = arith.addf %add3A_232, %mul3A_261 : vector<16xf32>
            %mul3A_263 = arith.constant 8 : i32
            %mul3A_264 = arith.muli %scan3A_155, %mul3A_263 : i32
            %add3A_265 = arith.constant 7 : i32
            %add3A_266 = arith.addi %mul3A_264, %add3A_265 : i32
            %mul3A_267 = arith.constant 16 : i32
            %mul3A_268 = arith.muli %add3A_266, %mul3A_267 : i32
            %get3A_269 = arith.index_cast %while3A_146 : i32 to index
            %get3A_270 = arith.index_cast %mul3A_268 : i32 to index
            %get3A_271 = tpu.vector_load %arg11[%get3A_269, %get3A_270] {strides = array<i32>} : memref<16x1024xf32, #tpu.memory_space<vmem>>, vector<16xf32>,
            %get3A_272 = arith.index_cast %while3A_146 : i32 to index
            %get3A_273 = arith.index_cast %mul3A_268 : i32 to index
            %get3A_274 = tpu.vector_load %arg10[%get3A_272, %get3A_273] {strides = array<i32>} : memref<16x1024xf32, #tpu.memory_space<vmem>>, vector<16xf32>,
            %sub3A_275 = arith.subf %get3A_271, %get3A_274 : vector<16xf32>
            %mul3A_276 = arith.mulf %sub3A_275, %sub3A_275 : vector<16xf32>
            %add3A_277 = arith.addf %add3A_247, %mul3A_276 : vector<16xf32>
            scf.yield %add3A_262, %add3A_277 : vector<16xf32>, vector<16xf32>
          }
          %scan3A_154 = arith.constant 8 : i32
          scf.yield %scan3A_153#0, %scan3A_153#1 : vector<16xf32>, vector<16xf32>
        }
        %while3A_131 = arith.constant 1 : i32
        %while3A_132:2 = scf.for %while3A_146 = %while3A_128 to %while3A_124 step %while3A_131 iter_args(%while3A_147 = %while3A_130#0, %while3A_148 = %while3A_130#1) -> (vector<16xf32>, vector<16xf32>)  : i32 {
          %scan3A_149 = arith.constant 0 : i32
          %scan3A_150 = arith.constant 8 : i32
          %scan3A_151 = arith.addi %scan3A_149, %scan3A_150 : i32
          %scan3A_152 = arith.constant 1 : i32
          %scan3A_153:2 = scf.for %scan3A_155 = %scan3A_149 to %scan3A_151 step %scan3A_152 iter_args(%scan3A_156 = %while3A_147, %scan3A_157 = %while3A_148) -> (vector<16xf32>, vector<16xf32>)  : i32 {
            %mul3A_158 = arith.constant 8 : i32
            %mul3A_159 = arith.muli %scan3A_155, %mul3A_158 : i32
            %add3A_160 = arith.constant 0 : i32
            %add3A_161 = arith.addi %mul3A_159, %add3A_160 : i32
            %mul3A_162 = arith.constant 16 : i32
            %mul3A_163 = arith.muli %add3A_161, %mul3A_162 : i32
            %get3A_164 = arith.index_cast %while3A_146 : i32 to index
            %get3A_165 = arith.index_cast %mul3A_163 : i32 to index
            %get3A_166 = tpu.vector_load %arg11[%get3A_164, %get3A_165] {strides = array<i32>} : memref<16x1024xf32, #tpu.memory_space<vmem>>, vector<16xf32>,
            %get3A_167 = arith.index_cast %while3A_146 : i32 to index
            %get3A_168 = arith.index_cast %mul3A_163 : i32 to index
            %get3A_169 = tpu.vector_load %arg10[%get3A_167, %get3A_168] {strides = array<i32>} : memref<16x1024xf32, #tpu.memory_space<vmem>>, vector<16xf32>,
            %sub3A_170 = arith.subf %get3A_166, %get3A_169 : vector<16xf32>
            %mul3A_171 = arith.mulf %sub3A_170, %sub3A_170 : vector<16xf32>
            %add3A_172 = arith.addf %scan3A_156, %mul3A_171 : vector<16xf32>
            %mul3A_173 = arith.constant 8 : i32
            %mul3A_174 = arith.muli %scan3A_155, %mul3A_173 : i32
            %add3A_175 = arith.constant 1 : i32
            %add3A_176 = arith.addi %mul3A_174, %add3A_175 : i32
            %mul3A_177 = arith.constant 16 : i32
            %mul3A_178 = arith.muli %add3A_176, %mul3A_177 : i32
            %get3A_179 = arith.index_cast %while3A_146 : i32 to index
            %get3A_180 = arith.index_cast %mul3A_178 : i32 to index
            %get3A_181 = tpu.vector_load %arg11[%get3A_179, %get3A_180] {strides = array<i32>} : memref<16x1024xf32, #tpu.memory_space<vmem>>, vector<16xf32>,
            %get3A_182 = arith.index_cast %while3A_146 : i32 to index
            %get3A_183 = arith.index_cast %mul3A_178 : i32 to index
            %get3A_184 = tpu.vector_load %arg10[%get3A_182, %get3A_183] {strides = array<i32>} : memref<16x1024xf32, #tpu.memory_space<vmem>>, vector<16xf32>,
            %sub3A_185 = arith.subf %get3A_181, %get3A_184 : vector<16xf32>
            %mul3A_186 = arith.mulf %sub3A_185, %sub3A_185 : vector<16xf32>
            %add3A_187 = arith.addf %scan3A_157, %mul3A_186 : vector<16xf32>
            %mul3A_188 = arith.constant 8 : i32
            %mul3A_189 = arith.muli %scan3A_155, %mul3A_188 : i32
            %add3A_190 = arith.constant 2 : i32
            %add3A_191 = arith.addi %mul3A_189, %add3A_190 : i32
            %mul3A_192 = arith.constant 16 : i32
            %mul3A_193 = arith.muli %add3A_191, %mul3A_192 : i32
            %get3A_194 = arith.index_cast %while3A_146 : i32 to index
            %get3A_195 = arith.index_cast %mul3A_193 : i32 to index
            %get3A_196 = tpu.vector_load %arg11[%get3A_194, %get3A_195] {strides = array<i32>} : memref<16x1024xf32, #tpu.memory_space<vmem>>, vector<16xf32>,
            %get3A_197 = arith.index_cast %while3A_146 : i32 to index
            %get3A_198 = arith.index_cast %mul3A_193 : i32 to index
            %get3A_199 = tpu.vector_load %arg10[%get3A_197, %get3A_198] {strides = array<i32>} : memref<16x1024xf32, #tpu.memory_space<vmem>>, vector<16xf32>,
            %sub3A_200 = arith.subf %get3A_196, %get3A_199 : vector<16xf32>
            %mul3A_201 = arith.mulf %sub3A_200, %sub3A_200 : vector<16xf32>
            %add3A_202 = arith.addf %add3A_172, %mul3A_201 : vector<16xf32>
            %mul3A_203 = arith.constant 8 : i32
            %mul3A_204 = arith.muli %scan3A_155, %mul3A_203 : i32
            %add3A_205 = arith.constant 3 : i32
            %add3A_206 = arith.addi %mul3A_204, %add3A_205 : i32
            %mul3A_207 = arith.constant 16 : i32
            %mul3A_208 = arith.muli %add3A_206, %mul3A_207 : i32
            %get3A_209 = arith.index_cast %while3A_146 : i32 to index
            %get3A_210 = arith.index_cast %mul3A_208 : i32 to index
            %get3A_211 = tpu.vector_load %arg11[%get3A_209, %get3A_210] {strides = array<i32>} : memref<16x1024xf32, #tpu.memory_space<vmem>>, vector<16xf32>,
            %get3A_212 = arith.index_cast %while3A_146 : i32 to index
            %get3A_213 = arith.index_cast %mul3A_208 : i32 to index
            %get3A_214 = tpu.vector_load %arg10[%get3A_212, %get3A_213] {strides = array<i32>} : memref<16x1024xf32, #tpu.memory_space<vmem>>, vector<16xf32>,
            %sub3A_215 = arith.subf %get3A_211, %get3A_214 : vector<16xf32>
            %mul3A_216 = arith.mulf %sub3A_215, %sub3A_215 : vector<16xf32>
            %add3A_217 = arith.addf %add3A_187, %mul3A_216 : vector<16xf32>
            %mul3A_218 = arith.constant 8 : i32
            %mul3A_219 = arith.muli %scan3A_155, %mul3A_218 : i32
            %add3A_220 = arith.constant 4 : i32
            %add3A_221 = arith.addi %mul3A_219, %add3A_220 : i32
            %mul3A_222 = arith.constant 16 : i32
            %mul3A_223 = arith.muli %add3A_221, %mul3A_222 : i32
            %get3A_224 = arith.index_cast %while3A_146 : i32 to index
            %get3A_225 = arith.index_cast %mul3A_223 : i32 to index
            %get3A_226 = tpu.vector_load %arg11[%get3A_224, %get3A_225] {strides = array<i32>} : memref<16x1024xf32, #tpu.memory_space<vmem>>, vector<16xf32>,
            %get3A_227 = arith.index_cast %while3A_146 : i32 to index
            %get3A_228 = arith.index_cast %mul3A_223 : i32 to index
            %get3A_229 = tpu.vector_load %arg10[%get3A_227, %get3A_228] {strides = array<i32>} : memref<16x1024xf32, #tpu.memory_space<vmem>>, vector<16xf32>,
            %sub3A_230 = arith.subf %get3A_226, %get3A_229 : vector<16xf32>
            %mul3A_231 = arith.mulf %sub3A_230, %sub3A_230 : vector<16xf32>
            %add3A_232 = arith.addf %add3A_202, %mul3A_231 : vector<16xf32>
            %mul3A_233 = arith.constant 8 : i32
            %mul3A_234 = arith.muli %scan3A_155, %mul3A_233 : i32
            %add3A_235 = arith.constant 5 : i32
            %add3A_236 = arith.addi %mul3A_234, %add3A_235 : i32
            %mul3A_237 = arith.constant 16 : i32
            %mul3A_238 = arith.muli %add3A_236, %mul3A_237 : i32
            %get3A_239 = arith.index_cast %while3A_146 : i32 to index
            %get3A_240 = arith.index_cast %mul3A_238 : i32 to index
            %get3A_241 = tpu.vector_load %arg11[%get3A_239, %get3A_240] {strides = array<i32>} : memref<16x1024xf32, #tpu.memory_space<vmem>>, vector<16xf32>,
            %get3A_242 = arith.index_cast %while3A_146 : i32 to index
            %get3A_243 = arith.index_cast %mul3A_238 : i32 to index
            %get3A_244 = tpu.vector_load %arg10[%get3A_242, %get3A_243] {strides = array<i32>} : memref<16x1024xf32, #tpu.memory_space<vmem>>, vector<16xf32>,
            %sub3A_245 = arith.subf %get3A_241, %get3A_244 : vector<16xf32>
            %mul3A_246 = arith.mulf %sub3A_245, %sub3A_245 : vector<16xf32>
            %add3A_247 = arith.addf %add3A_217, %mul3A_246 : vector<16xf32>
            %mul3A_248 = arith.constant 8 : i32
            %mul3A_249 = arith.muli %scan3A_155, %mul3A_248 : i32
            %add3A_250 = arith.constant 6 : i32
            %add3A_251 = arith.addi %mul3A_249, %add3A_250 : i32
            %mul3A_252 = arith.constant 16 : i32
            %mul3A_253 = arith.muli %add3A_251, %mul3A_252 : i32
            %get3A_254 = arith.index_cast %while3A_146 : i32 to index
            %get3A_255 = arith.index_cast %mul3A_253 : i32 to index
            %get3A_256 = tpu.vector_load %arg11[%get3A_254, %get3A_255] {strides = array<i32>} : memref<16x1024xf32, #tpu.memory_space<vmem>>, vector<16xf32>,
            %get3A_257 = arith.index_cast %while3A_146 : i32 to index
            %get3A_258 = arith.index_cast %mul3A_253 : i32 to index
            %get3A_259 = tpu.vector_load %arg10[%get3A_257, %get3A_258] {strides = array<i32>} : memref<16x1024xf32, #tpu.memory_space<vmem>>, vector<16xf32>,
            %sub3A_260 = arith.subf %get3A_256, %get3A_259 : vector<16xf32>
            %mul3A_261 = arith.mulf %sub3A_260, %sub3A_260 : vector<16xf32>
            %add3A_262 = arith.addf %add3A_232, %mul3A_261 : vector<16xf32>
            %mul3A_263 = arith.constant 8 : i32
            %mul3A_264 = arith.muli %scan3A_155, %mul3A_263 : i32
            %add3A_265 = arith.constant 7 : i32
            %add3A_266 = arith.addi %mul3A_264, %add3A_265 : i32
            %mul3A_267 = arith.constant 16 : i32
            %mul3A_268 = arith.muli %add3A_266, %mul3A_267 : i32
            %get3A_269 = arith.index_cast %while3A_146 : i32 to index
            %get3A_270 = arith.index_cast %mul3A_268 : i32 to index
            %get3A_271 = tpu.vector_load %arg11[%get3A_269, %get3A_270] {strides = array<i32>} : memref<16x1024xf32, #tpu.memory_space<vmem>>, vector<16xf32>,
            %get3A_272 = arith.index_cast %while3A_146 : i32 to index
            %get3A_273 = arith.index_cast %mul3A_268 : i32 to index
            %get3A_274 = tpu.vector_load %arg10[%get3A_272, %get3A_273] {strides = array<i32>} : memref<16x1024xf32, #tpu.memory_space<vmem>>, vector<16xf32>,
            %sub3A_275 = arith.subf %get3A_271, %get3A_274 : vector<16xf32>
            %mul3A_276 = arith.mulf %sub3A_275, %sub3A_275 : vector<16xf32>
            %add3A_277 = arith.addf %add3A_247, %mul3A_276 : vector<16xf32>
            scf.yield %add3A_262, %add3A_277 : vector<16xf32>, vector<16xf32>
          }
          %scan3A_154 = arith.constant 8 : i32
          scf.yield %scan3A_153#0, %scan3A_153#1 : vector<16xf32>, vector<16xf32>
        }
        %get3A = arith.constant 0 : index
        %get3A_133 = tpu.vector_load %arg14[%get3A] {strides = array<i32>} : memref<16xf32, #tpu.memory_space<vmem>>, vector<16xf32>,
        %add3A_134 = arith.addf %get3A_133, %while3A_132#0 : vector<16xf32>
        %add3A_135 = arith.addf %add3A_134, %while3A_132#1 : vector<16xf32>
        %swap3A_136 = arith.constant 0 : index
        %swap3A_137 = tpu.vector_load %arg14[%swap3A_136] {strides = array<i32>} : memref<16xf32, #tpu.memory_space<vmem>>, vector<16xf32>,
        tpu.vector_store %arg14[%swap3A_136], %add3A_135 {strides = array<i32>} : memref<16xf32, #tpu.memory_space<vmem>>, vector<16xf32>,
        %add3A_138 = arith.constant 1 : i32
        %add3A_139 = arith.addi %mul3A_85, %add3A_138 : i32
        %add3A_140 = arith.constant 3 : i32
        %add3A_141 = arith.addi %add3A_139, %add3A_140 : i32
        %lt3A_142 = arith.cmpi slt, %add3A_141, %select_n3A : i32
        %convert_element_type3A_143 = arith.extui %lt3A_142 : i1 to i32
        %cond3A_144 = arith.constant 0 : i32
        %cond3A_145 = arith.cmpi ne, %convert_element_type3A_143, %cond3A_144 : i32
        scf.if %cond3A_145 {
          %add3A_146 = arith.constant 1 : i32
          %add3A_147 = arith.addi %mul3A_85, %add3A_146 : i32
          %add3A_148 = arith.constant 3 : i32
          %add3A_149 = arith.addi %add3A_147, %add3A_148 : i32
          %mul3A_150 = arith.constant 16 : i32
          %mul3A_151 = arith.muli %add3A_149, %mul3A_150 : i32
          %dma_start3A = tpu.memref_slice %arg7[%mul3A_151] : memref<416xi32, #tpu.memory_space<vmem>> -> memref<16xi32, #tpu.memory_space<vmem>>
          %dma_start3A_152 = arith.constant 0 : i32
          %dma_start3A_153 = arith.constant 0 : i32
          %dma_start3A_154 = tpu.memref_slice %arg2[%dma_start3A_152, %dma_start3A_153] : memref<16384x1024xf32, #tpu.memory_space<hbm>> -> memref<16384x1024xf32, #tpu.memory_space<hbm>>
          tpu.enqueue_indirect_dma source(%dma_start3A_154 : memref<16384x1024xf32, #tpu.memory_space<hbm>>) target(%arg10 : memref<16x1024xf32, #tpu.memory_space<vmem>>) offsets(%dma_start3A : memref<16xi32, #tpu.memory_space<vmem>>) semaphore(%arg16 : memref<!tpu.dma_semaphore, #tpu.memory_space<semaphore_mem>>)
          %dma_start3A_155 = tpu.memref_slice %arg7[%mul3A_151] : memref<416xi32, #tpu.memory_space<vmem>> -> memref<16xi32, #tpu.memory_space<vmem>>
          %dma_start3A_156 = arith.constant 0 : i32
          %dma_start3A_157 = arith.constant 0 : i32
          %dma_start3A_158 = tpu.memref_slice %arg3[%dma_start3A_156, %dma_start3A_157] : memref<16384x1024xf32, #tpu.memory_space<hbm>> -> memref<16384x1024xf32, #tpu.memory_space<hbm>>
          tpu.enqueue_indirect_dma source(%dma_start3A_158 : memref<16384x1024xf32, #tpu.memory_space<hbm>>) target(%arg11 : memref<16x1024xf32, #tpu.memory_space<vmem>>) offsets(%dma_start3A_155 : memref<16xi32, #tpu.memory_space<vmem>>) semaphore(%arg16 : memref<!tpu.dma_semaphore, #tpu.memory_space<semaphore_mem>>)
        } else {
        }
      } else {
      }
      %add3A_97 = arith.constant 2 : i32
      %add3A_98 = arith.addi %mul3A_85, %add3A_97 : i32
      %lt3A_99 = arith.cmpi slt, %add3A_98, %select_n3A : i32
      %convert_element_type3A_100 = arith.extui %lt3A_99 : i1 to i32
      %cond3A_101 = arith.constant 0 : i32
      %cond3A_102 = arith.cmpi ne, %convert_element_type3A_100, %cond3A_101 : i32
      scf.if %cond3A_102 {
        %dma_wait3A = arith.constant 0 : i32
        %dma_wait3A_103 = arith.constant 0 : i32
        %dma_wait3A_104 = tpu.memref_slice %arg2[%dma_wait3A, %dma_wait3A_103] : memref<16384x1024xf32, #tpu.memory_space<hbm>> -> memref<16x1024xf32, #tpu.memory_space<hbm>>
        %dma_wait3A_105 = arith.constant 0 : i32
        %dma_wait3A_106 = arith.constant 0 : i32
        %dma_wait3A_107 = tpu.memref_slice %arg2[%dma_wait3A_105, %dma_wait3A_106] : memref<16384x1024xf32, #tpu.memory_space<hbm>> -> memref<16x1024xf32, #tpu.memory_space<hbm>>
        tpu.wait_dma2 semaphore(%arg17 : memref<!tpu.dma_semaphore, #tpu.memory_space<semaphore_mem>>) src(%dma_wait3A_107 : memref<16x1024xf32, #tpu.memory_space<hbm>>) dst(%arg12 : memref<16x1024xf32, #tpu.memory_space<vmem>>)
        %dma_wait3A_108 = arith.constant 0 : i32
        %dma_wait3A_109 = arith.constant 0 : i32
        %dma_wait3A_110 = tpu.memref_slice %arg3[%dma_wait3A_108, %dma_wait3A_109] : memref<16384x1024xf32, #tpu.memory_space<hbm>> -> memref<16x1024xf32, #tpu.memory_space<hbm>>
        %dma_wait3A_111 = arith.constant 0 : i32
        %dma_wait3A_112 = arith.constant 0 : i32
        %dma_wait3A_113 = tpu.memref_slice %arg3[%dma_wait3A_111, %dma_wait3A_112] : memref<16384x1024xf32, #tpu.memory_space<hbm>> -> memref<16x1024xf32, #tpu.memory_space<hbm>>
        tpu.wait_dma2 semaphore(%arg17 : memref<!tpu.dma_semaphore, #tpu.memory_space<semaphore_mem>>) src(%dma_wait3A_113 : memref<16x1024xf32, #tpu.memory_space<hbm>>) dst(%arg13 : memref<16x1024xf32, #tpu.memory_space<vmem>>)
        %add3A_114 = arith.constant 2 : i32
        %add3A_115 = arith.addi %mul3A_85, %add3A_114 : i32
        %mul3A_116 = arith.constant 16 : i32
        %mul3A_117 = arith.muli %add3A_115, %mul3A_116 : i32
        %sub3A_118 = arith.subi %scan3A_9, %mul3A_117 : i32
        %min3A = arith.constant 16 : i32
        %min3A_119 = arith.minsi %sub3A_118, %min3A : i32
        %broadcast_in_dim3A_120 = arith.constant 0.000000e+00 : f32
        %broadcast_in_dim3A_121 = vector.broadcast %broadcast_in_dim3A_120 : f32 to vector<16xf32>
        %while3A_122 = arith.constant 0 : i32
        %while3A_123 = arith.subi %min3A_119, %while3A_122 : i32
        %while3A_124 = arith.addi %while3A_122, %while3A_123 : i32
        %while3A_125 = arith.constant 1 : i32
        %while3A_126 = arith.divsi %while3A_123, %while3A_125 : i32
        %while3A_127 = arith.muli %while3A_126, %while3A_125 : i32
        %while3A_128 = arith.addi %while3A_122, %while3A_127 : i32
        %while3A_129 = arith.constant 1 : i32
        %while3A_130:2 = scf.for %while3A_146 = %while3A_122 to %while3A_128 step %while3A_129 iter_args(%while3A_147 = %broadcast_in_dim3A_121, %while3A_148 = %broadcast_in_dim3A_121) -> (vector<16xf32>, vector<16xf32>)  : i32 {
          %scan3A_149 = arith.constant 0 : i32
          %scan3A_150 = arith.constant 8 : i32
          %scan3A_151 = arith.addi %scan3A_149, %scan3A_150 : i32
          %scan3A_152 = arith.constant 1 : i32
          %scan3A_153:2 = scf.for %scan3A_155 = %scan3A_149 to %scan3A_151 step %scan3A_152 iter_args(%scan3A_156 = %while3A_147, %scan3A_157 = %while3A_148) -> (vector<16xf32>, vector<16xf32>)  : i32 {
            %mul3A_158 = arith.constant 8 : i32
            %mul3A_159 = arith.muli %scan3A_155, %mul3A_158 : i32
            %add3A_160 = arith.constant 0 : i32
            %add3A_161 = arith.addi %mul3A_159, %add3A_160 : i32
            %mul3A_162 = arith.constant 16 : i32
            %mul3A_163 = arith.muli %add3A_161, %mul3A_162 : i32
            %get3A_164 = arith.index_cast %while3A_146 : i32 to index
            %get3A_165 = arith.index_cast %mul3A_163 : i32 to index
            %get3A_166 = tpu.vector_load %arg13[%get3A_164, %get3A_165] {strides = array<i32>} : memref<16x1024xf32, #tpu.memory_space<vmem>>, vector<16xf32>,
            %get3A_167 = arith.index_cast %while3A_146 : i32 to index
            %get3A_168 = arith.index_cast %mul3A_163 : i32 to index
            %get3A_169 = tpu.vector_load %arg12[%get3A_167, %get3A_168] {strides = array<i32>} : memref<16x1024xf32, #tpu.memory_space<vmem>>, vector<16xf32>,
            %sub3A_170 = arith.subf %get3A_166, %get3A_169 : vector<16xf32>
            %mul3A_171 = arith.mulf %sub3A_170, %sub3A_170 : vector<16xf32>
            %add3A_172 = arith.addf %scan3A_156, %mul3A_171 : vector<16xf32>
            %mul3A_173 = arith.constant 8 : i32
            %mul3A_174 = arith.muli %scan3A_155, %mul3A_173 : i32
            %add3A_175 = arith.constant 1 : i32
            %add3A_176 = arith.addi %mul3A_174, %add3A_175 : i32
            %mul3A_177 = arith.constant 16 : i32
            %mul3A_178 = arith.muli %add3A_176, %mul3A_177 : i32
            %get3A_179 = arith.index_cast %while3A_146 : i32 to index
            %get3A_180 = arith.index_cast %mul3A_178 : i32 to index
            %get3A_181 = tpu.vector_load %arg13[%get3A_179, %get3A_180] {strides = array<i32>} : memref<16x1024xf32, #tpu.memory_space<vmem>>, vector<16xf32>,
            %get3A_182 = arith.index_cast %while3A_146 : i32 to index
            %get3A_183 = arith.index_cast %mul3A_178 : i32 to index
            %get3A_184 = tpu.vector_load %arg12[%get3A_182, %get3A_183] {strides = array<i32>} : memref<16x1024xf32, #tpu.memory_space<vmem>>, vector<16xf32>,
            %sub3A_185 = arith.subf %get3A_181, %get3A_184 : vector<16xf32>
            %mul3A_186 = arith.mulf %sub3A_185, %sub3A_185 : vector<16xf32>
            %add3A_187 = arith.addf %scan3A_157, %mul3A_186 : vector<16xf32>
            %mul3A_188 = arith.constant 8 : i32
            %mul3A_189 = arith.muli %scan3A_155, %mul3A_188 : i32
            %add3A_190 = arith.constant 2 : i32
            %add3A_191 = arith.addi %mul3A_189, %add3A_190 : i32
            %mul3A_192 = arith.constant 16 : i32
            %mul3A_193 = arith.muli %add3A_191, %mul3A_192 : i32
            %get3A_194 = arith.index_cast %while3A_146 : i32 to index
            %get3A_195 = arith.index_cast %mul3A_193 : i32 to index
            %get3A_196 = tpu.vector_load %arg13[%get3A_194, %get3A_195] {strides = array<i32>} : memref<16x1024xf32, #tpu.memory_space<vmem>>, vector<16xf32>,
            %get3A_197 = arith.index_cast %while3A_146 : i32 to index
            %get3A_198 = arith.index_cast %mul3A_193 : i32 to index
            %get3A_199 = tpu.vector_load %arg12[%get3A_197, %get3A_198] {strides = array<i32>} : memref<16x1024xf32, #tpu.memory_space<vmem>>, vector<16xf32>,
            %sub3A_200 = arith.subf %get3A_196, %get3A_199 : vector<16xf32>
            %mul3A_201 = arith.mulf %sub3A_200, %sub3A_200 : vector<16xf32>
            %add3A_202 = arith.addf %add3A_172, %mul3A_201 : vector<16xf32>
            %mul3A_203 = arith.constant 8 : i32
            %mul3A_204 = arith.muli %scan3A_155, %mul3A_203 : i32
            %add3A_205 = arith.constant 3 : i32
            %add3A_206 = arith.addi %mul3A_204, %add3A_205 : i32
            %mul3A_207 = arith.constant 16 : i32
            %mul3A_208 = arith.muli %add3A_206, %mul3A_207 : i32
            %get3A_209 = arith.index_cast %while3A_146 : i32 to index
            %get3A_210 = arith.index_cast %mul3A_208 : i32 to index
            %get3A_211 = tpu.vector_load %arg13[%get3A_209, %get3A_210] {strides = array<i32>} : memref<16x1024xf32, #tpu.memory_space<vmem>>, vector<16xf32>,
            %get3A_212 = arith.index_cast %while3A_146 : i32 to index
            %get3A_213 = arith.index_cast %mul3A_208 : i32 to index
            %get3A_214 = tpu.vector_load %arg12[%get3A_212, %get3A_213] {strides = array<i32>} : memref<16x1024xf32, #tpu.memory_space<vmem>>, vector<16xf32>,
            %sub3A_215 = arith.subf %get3A_211, %get3A_214 : vector<16xf32>
            %mul3A_216 = arith.mulf %sub3A_215, %sub3A_215 : vector<16xf32>
            %add3A_217 = arith.addf %add3A_187, %mul3A_216 : vector<16xf32>
            %mul3A_218 = arith.constant 8 : i32
            %mul3A_219 = arith.muli %scan3A_155, %mul3A_218 : i32
            %add3A_220 = arith.constant 4 : i32
            %add3A_221 = arith.addi %mul3A_219, %add3A_220 : i32
            %mul3A_222 = arith.constant 16 : i32
            %mul3A_223 = arith.muli %add3A_221, %mul3A_222 : i32
            %get3A_224 = arith.index_cast %while3A_146 : i32 to index
            %get3A_225 = arith.index_cast %mul3A_223 : i32 to index
            %get3A_226 = tpu.vector_load %arg13[%get3A_224, %get3A_225] {strides = array<i32>} : memref<16x1024xf32, #tpu.memory_space<vmem>>, vector<16xf32>,
            %get3A_227 = arith.index_cast %while3A_146 : i32 to index
            %get3A_228 = arith.index_cast %mul3A_223 : i32 to index
            %get3A_229 = tpu.vector_load %arg12[%get3A_227, %get3A_228] {strides = array<i32>} : memref<16x1024xf32, #tpu.memory_space<vmem>>, vector<16xf32>,
            %sub3A_230 = arith.subf %get3A_226, %get3A_229 : vector<16xf32>
            %mul3A_231 = arith.mulf %sub3A_230, %sub3A_230 : vector<16xf32>
            %add3A_232 = arith.addf %add3A_202, %mul3A_231 : vector<16xf32>
            %mul3A_233 = arith.constant 8 : i32
            %mul3A_234 = arith.muli %scan3A_155, %mul3A_233 : i32
            %add3A_235 = arith.constant 5 : i32
            %add3A_236 = arith.addi %mul3A_234, %add3A_235 : i32
            %mul3A_237 = arith.constant 16 : i32
            %mul3A_238 = arith.muli %add3A_236, %mul3A_237 : i32
            %get3A_239 = arith.index_cast %while3A_146 : i32 to index
            %get3A_240 = arith.index_cast %mul3A_238 : i32 to index
            %get3A_241 = tpu.vector_load %arg13[%get3A_239, %get3A_240] {strides = array<i32>} : memref<16x1024xf32, #tpu.memory_space<vmem>>, vector<16xf32>,
            %get3A_242 = arith.index_cast %while3A_146 : i32 to index
            %get3A_243 = arith.index_cast %mul3A_238 : i32 to index
            %get3A_244 = tpu.vector_load %arg12[%get3A_242, %get3A_243] {strides = array<i32>} : memref<16x1024xf32, #tpu.memory_space<vmem>>, vector<16xf32>,
            %sub3A_245 = arith.subf %get3A_241, %get3A_244 : vector<16xf32>
            %mul3A_246 = arith.mulf %sub3A_245, %sub3A_245 : vector<16xf32>
            %add3A_247 = arith.addf %add3A_217, %mul3A_246 : vector<16xf32>
            %mul3A_248 = arith.constant 8 : i32
            %mul3A_249 = arith.muli %scan3A_155, %mul3A_248 : i32
            %add3A_250 = arith.constant 6 : i32
            %add3A_251 = arith.addi %mul3A_249, %add3A_250 : i32
            %mul3A_252 = arith.constant 16 : i32
            %mul3A_253 = arith.muli %add3A_251, %mul3A_252 : i32
            %get3A_254 = arith.index_cast %while3A_146 : i32 to index
            %get3A_255 = arith.index_cast %mul3A_253 : i32 to index
            %get3A_256 = tpu.vector_load %arg13[%get3A_254, %get3A_255] {strides = array<i32>} : memref<16x1024xf32, #tpu.memory_space<vmem>>, vector<16xf32>,
            %get3A_257 = arith.index_cast %while3A_146 : i32 to index
            %get3A_258 = arith.index_cast %mul3A_253 : i32 to index
            %get3A_259 = tpu.vector_load %arg12[%get3A_257, %get3A_258] {strides = array<i32>} : memref<16x1024xf32, #tpu.memory_space<vmem>>, vector<16xf32>,
            %sub3A_260 = arith.subf %get3A_256, %get3A_259 : vector<16xf32>
            %mul3A_261 = arith.mulf %sub3A_260, %sub3A_260 : vector<16xf32>
            %add3A_262 = arith.addf %add3A_232, %mul3A_261 : vector<16xf32>
            %mul3A_263 = arith.constant 8 : i32
            %mul3A_264 = arith.muli %scan3A_155, %mul3A_263 : i32
            %add3A_265 = arith.constant 7 : i32
            %add3A_266 = arith.addi %mul3A_264, %add3A_265 : i32
            %mul3A_267 = arith.constant 16 : i32
            %mul3A_268 = arith.muli %add3A_266, %mul3A_267 : i32
            %get3A_269 = arith.index_cast %while3A_146 : i32 to index
            %get3A_270 = arith.index_cast %mul3A_268 : i32 to index
            %get3A_271 = tpu.vector_load %arg13[%get3A_269, %get3A_270] {strides = array<i32>} : memref<16x1024xf32, #tpu.memory_space<vmem>>, vector<16xf32>,
            %get3A_272 = arith.index_cast %while3A_146 : i32 to index
            %get3A_273 = arith.index_cast %mul3A_268 : i32 to index
            %get3A_274 = tpu.vector_load %arg12[%get3A_272, %get3A_273] {strides = array<i32>} : memref<16x1024xf32, #tpu.memory_space<vmem>>, vector<16xf32>,
            %sub3A_275 = arith.subf %get3A_271, %get3A_274 : vector<16xf32>
            %mul3A_276 = arith.mulf %sub3A_275, %sub3A_275 : vector<16xf32>
            %add3A_277 = arith.addf %add3A_247, %mul3A_276 : vector<16xf32>
            scf.yield %add3A_262, %add3A_277 : vector<16xf32>, vector<16xf32>
          }
          %scan3A_154 = arith.constant 8 : i32
          scf.yield %scan3A_153#0, %scan3A_153#1 : vector<16xf32>, vector<16xf32>
        }
        %while3A_131 = arith.constant 1 : i32
        %while3A_132:2 = scf.for %while3A_146 = %while3A_128 to %while3A_124 step %while3A_131 iter_args(%while3A_147 = %while3A_130#0, %while3A_148 = %while3A_130#1) -> (vector<16xf32>, vector<16xf32>)  : i32 {
          %scan3A_149 = arith.constant 0 : i32
          %scan3A_150 = arith.constant 8 : i32
          %scan3A_151 = arith.addi %scan3A_149, %scan3A_150 : i32
          %scan3A_152 = arith.constant 1 : i32
          %scan3A_153:2 = scf.for %scan3A_155 = %scan3A_149 to %scan3A_151 step %scan3A_152 iter_args(%scan3A_156 = %while3A_147, %scan3A_157 = %while3A_148) -> (vector<16xf32>, vector<16xf32>)  : i32 {
            %mul3A_158 = arith.constant 8 : i32
            %mul3A_159 = arith.muli %scan3A_155, %mul3A_158 : i32
            %add3A_160 = arith.constant 0 : i32
            %add3A_161 = arith.addi %mul3A_159, %add3A_160 : i32
            %mul3A_162 = arith.constant 16 : i32
            %mul3A_163 = arith.muli %add3A_161, %mul3A_162 : i32
            %get3A_164 = arith.index_cast %while3A_146 : i32 to index
            %get3A_165 = arith.index_cast %mul3A_163 : i32 to index
            %get3A_166 = tpu.vector_load %arg13[%get3A_164, %get3A_165] {strides = array<i32>} : memref<16x1024xf32, #tpu.memory_space<vmem>>, vector<16xf32>,
            %get3A_167 = arith.index_cast %while3A_146 : i32 to index
            %get3A_168 = arith.index_cast %mul3A_163 : i32 to index
            %get3A_169 = tpu.vector_load %arg12[%get3A_167, %get3A_168] {strides = array<i32>} : memref<16x1024xf32, #tpu.memory_space<vmem>>, vector<16xf32>,
            %sub3A_170 = arith.subf %get3A_166, %get3A_169 : vector<16xf32>
            %mul3A_171 = arith.mulf %sub3A_170, %sub3A_170 : vector<16xf32>
            %add3A_172 = arith.addf %scan3A_156, %mul3A_171 : vector<16xf32>
            %mul3A_173 = arith.constant 8 : i32
            %mul3A_174 = arith.muli %scan3A_155, %mul3A_173 : i32
            %add3A_175 = arith.constant 1 : i32
            %add3A_176 = arith.addi %mul3A_174, %add3A_175 : i32
            %mul3A_177 = arith.constant 16 : i32
            %mul3A_178 = arith.muli %add3A_176, %mul3A_177 : i32
            %get3A_179 = arith.index_cast %while3A_146 : i32 to index
            %get3A_180 = arith.index_cast %mul3A_178 : i32 to index
            %get3A_181 = tpu.vector_load %arg13[%get3A_179, %get3A_180] {strides = array<i32>} : memref<16x1024xf32, #tpu.memory_space<vmem>>, vector<16xf32>,
            %get3A_182 = arith.index_cast %while3A_146 : i32 to index
            %get3A_183 = arith.index_cast %mul3A_178 : i32 to index
            %get3A_184 = tpu.vector_load %arg12[%get3A_182, %get3A_183] {strides = array<i32>} : memref<16x1024xf32, #tpu.memory_space<vmem>>, vector<16xf32>,
            %sub3A_185 = arith.subf %get3A_181, %get3A_184 : vector<16xf32>
            %mul3A_186 = arith.mulf %sub3A_185, %sub3A_185 : vector<16xf32>
            %add3A_187 = arith.addf %scan3A_157, %mul3A_186 : vector<16xf32>
            %mul3A_188 = arith.constant 8 : i32
            %mul3A_189 = arith.muli %scan3A_155, %mul3A_188 : i32
            %add3A_190 = arith.constant 2 : i32
            %add3A_191 = arith.addi %mul3A_189, %add3A_190 : i32
            %mul3A_192 = arith.constant 16 : i32
            %mul3A_193 = arith.muli %add3A_191, %mul3A_192 : i32
            %get3A_194 = arith.index_cast %while3A_146 : i32 to index
            %get3A_195 = arith.index_cast %mul3A_193 : i32 to index
            %get3A_196 = tpu.vector_load %arg13[%get3A_194, %get3A_195] {strides = array<i32>} : memref<16x1024xf32, #tpu.memory_space<vmem>>, vector<16xf32>,
            %get3A_197 = arith.index_cast %while3A_146 : i32 to index
            %get3A_198 = arith.index_cast %mul3A_193 : i32 to index
            %get3A_199 = tpu.vector_load %arg12[%get3A_197, %get3A_198] {strides = array<i32>} : memref<16x1024xf32, #tpu.memory_space<vmem>>, vector<16xf32>,
            %sub3A_200 = arith.subf %get3A_196, %get3A_199 : vector<16xf32>
            %mul3A_201 = arith.mulf %sub3A_200, %sub3A_200 : vector<16xf32>
            %add3A_202 = arith.addf %add3A_172, %mul3A_201 : vector<16xf32>
            %mul3A_203 = arith.constant 8 : i32
            %mul3A_204 = arith.muli %scan3A_155, %mul3A_203 : i32
            %add3A_205 = arith.constant 3 : i32
            %add3A_206 = arith.addi %mul3A_204, %add3A_205 : i32
            %mul3A_207 = arith.constant 16 : i32
            %mul3A_208 = arith.muli %add3A_206, %mul3A_207 : i32
            %get3A_209 = arith.index_cast %while3A_146 : i32 to index
            %get3A_210 = arith.index_cast %mul3A_208 : i32 to index
            %get3A_211 = tpu.vector_load %arg13[%get3A_209, %get3A_210] {strides = array<i32>} : memref<16x1024xf32, #tpu.memory_space<vmem>>, vector<16xf32>,
            %get3A_212 = arith.index_cast %while3A_146 : i32 to index
            %get3A_213 = arith.index_cast %mul3A_208 : i32 to index
            %get3A_214 = tpu.vector_load %arg12[%get3A_212, %get3A_213] {strides = array<i32>} : memref<16x1024xf32, #tpu.memory_space<vmem>>, vector<16xf32>,
            %sub3A_215 = arith.subf %get3A_211, %get3A_214 : vector<16xf32>
            %mul3A_216 = arith.mulf %sub3A_215, %sub3A_215 : vector<16xf32>
            %add3A_217 = arith.addf %add3A_187, %mul3A_216 : vector<16xf32>
            %mul3A_218 = arith.constant 8 : i32
            %mul3A_219 = arith.muli %scan3A_155, %mul3A_218 : i32
            %add3A_220 = arith.constant 4 : i32
            %add3A_221 = arith.addi %mul3A_219, %add3A_220 : i32
            %mul3A_222 = arith.constant 16 : i32
            %mul3A_223 = arith.muli %add3A_221, %mul3A_222 : i32
            %get3A_224 = arith.index_cast %while3A_146 : i32 to index
            %get3A_225 = arith.index_cast %mul3A_223 : i32 to index
            %get3A_226 = tpu.vector_load %arg13[%get3A_224, %get3A_225] {strides = array<i32>} : memref<16x1024xf32, #tpu.memory_space<vmem>>, vector<16xf32>,
            %get3A_227 = arith.index_cast %while3A_146 : i32 to index
            %get3A_228 = arith.index_cast %mul3A_223 : i32 to index
            %get3A_229 = tpu.vector_load %arg12[%get3A_227, %get3A_228] {strides = array<i32>} : memref<16x1024xf32, #tpu.memory_space<vmem>>, vector<16xf32>,
            %sub3A_230 = arith.subf %get3A_226, %get3A_229 : vector<16xf32>
            %mul3A_231 = arith.mulf %sub3A_230, %sub3A_230 : vector<16xf32>
            %add3A_232 = arith.addf %add3A_202, %mul3A_231 : vector<16xf32>
            %mul3A_233 = arith.constant 8 : i32
            %mul3A_234 = arith.muli %scan3A_155, %mul3A_233 : i32
            %add3A_235 = arith.constant 5 : i32
            %add3A_236 = arith.addi %mul3A_234, %add3A_235 : i32
            %mul3A_237 = arith.constant 16 : i32
            %mul3A_238 = arith.muli %add3A_236, %mul3A_237 : i32
            %get3A_239 = arith.index_cast %while3A_146 : i32 to index
            %get3A_240 = arith.index_cast %mul3A_238 : i32 to index
            %get3A_241 = tpu.vector_load %arg13[%get3A_239, %get3A_240] {strides = array<i32>} : memref<16x1024xf32, #tpu.memory_space<vmem>>, vector<16xf32>,
            %get3A_242 = arith.index_cast %while3A_146 : i32 to index
            %get3A_243 = arith.index_cast %mul3A_238 : i32 to index
            %get3A_244 = tpu.vector_load %arg12[%get3A_242, %get3A_243] {strides = array<i32>} : memref<16x1024xf32, #tpu.memory_space<vmem>>, vector<16xf32>,
            %sub3A_245 = arith.subf %get3A_241, %get3A_244 : vector<16xf32>
            %mul3A_246 = arith.mulf %sub3A_245, %sub3A_245 : vector<16xf32>
            %add3A_247 = arith.addf %add3A_217, %mul3A_246 : vector<16xf32>
            %mul3A_248 = arith.constant 8 : i32
            %mul3A_249 = arith.muli %scan3A_155, %mul3A_248 : i32
            %add3A_250 = arith.constant 6 : i32
            %add3A_251 = arith.addi %mul3A_249, %add3A_250 : i32
            %mul3A_252 = arith.constant 16 : i32
            %mul3A_253 = arith.muli %add3A_251, %mul3A_252 : i32
            %get3A_254 = arith.index_cast %while3A_146 : i32 to index
            %get3A_255 = arith.index_cast %mul3A_253 : i32 to index
            %get3A_256 = tpu.vector_load %arg13[%get3A_254, %get3A_255] {strides = array<i32>} : memref<16x1024xf32, #tpu.memory_space<vmem>>, vector<16xf32>,
            %get3A_257 = arith.index_cast %while3A_146 : i32 to index
            %get3A_258 = arith.index_cast %mul3A_253 : i32 to index
            %get3A_259 = tpu.vector_load %arg12[%get3A_257, %get3A_258] {strides = array<i32>} : memref<16x1024xf32, #tpu.memory_space<vmem>>, vector<16xf32>,
            %sub3A_260 = arith.subf %get3A_256, %get3A_259 : vector<16xf32>
            %mul3A_261 = arith.mulf %sub3A_260, %sub3A_260 : vector<16xf32>
            %add3A_262 = arith.addf %add3A_232, %mul3A_261 : vector<16xf32>
            %mul3A_263 = arith.constant 8 : i32
            %mul3A_264 = arith.muli %scan3A_155, %mul3A_263 : i32
            %add3A_265 = arith.constant 7 : i32
            %add3A_266 = arith.addi %mul3A_264, %add3A_265 : i32
            %mul3A_267 = arith.constant 16 : i32
            %mul3A_268 = arith.muli %add3A_266, %mul3A_267 : i32
            %get3A_269 = arith.index_cast %while3A_146 : i32 to index
            %get3A_270 = arith.index_cast %mul3A_268 : i32 to index
            %get3A_271 = tpu.vector_load %arg13[%get3A_269, %get3A_270] {strides = array<i32>} : memref<16x1024xf32, #tpu.memory_space<vmem>>, vector<16xf32>,
            %get3A_272 = arith.index_cast %while3A_146 : i32 to index
            %get3A_273 = arith.index_cast %mul3A_268 : i32 to index
            %get3A_274 = tpu.vector_load %arg12[%get3A_272, %get3A_273] {strides = array<i32>} : memref<16x1024xf32, #tpu.memory_space<vmem>>, vector<16xf32>,
            %sub3A_275 = arith.subf %get3A_271, %get3A_274 : vector<16xf32>
            %mul3A_276 = arith.mulf %sub3A_275, %sub3A_275 : vector<16xf32>
            %add3A_277 = arith.addf %add3A_247, %mul3A_276 : vector<16xf32>
            scf.yield %add3A_262, %add3A_277 : vector<16xf32>, vector<16xf32>
          }
          %scan3A_154 = arith.constant 8 : i32
          scf.yield %scan3A_153#0, %scan3A_153#1 : vector<16xf32>, vector<16xf32>
        }
        %get3A = arith.constant 0 : index
        %get3A_133 = tpu.vector_load %arg14[%get3A] {strides = array<i32>} : memref<16xf32, #tpu.memory_space<vmem>>, vector<16xf32>,
        %add3A_134 = arith.addf %get3A_133, %while3A_132#0 : vector<16xf32>
        %add3A_135 = arith.addf %add3A_134, %while3A_132#1 : vector<16xf32>
        %swap3A_136 = arith.constant 0 : index
        %swap3A_137 = tpu.vector_load %arg14[%swap3A_136] {strides = array<i32>} : memref<16xf32, #tpu.memory_space<vmem>>, vector<16xf32>,
        tpu.vector_store %arg14[%swap3A_136], %add3A_135 {strides = array<i32>} : memref<16xf32, #tpu.memory_space<vmem>>, vector<16xf32>,
        %add3A_138 = arith.constant 2 : i32
        %add3A_139 = arith.addi %mul3A_85, %add3A_138 : i32
        %add3A_140 = arith.constant 3 : i32
        %add3A_141 = arith.addi %add3A_139, %add3A_140 : i32
        %lt3A_142 = arith.cmpi slt, %add3A_141, %select_n3A : i32
        %convert_element_type3A_143 = arith.extui %lt3A_142 : i1 to i32
        %cond3A_144 = arith.constant 0 : i32
        %cond3A_145 = arith.cmpi ne, %convert_element_type3A_143, %cond3A_144 : i32
        scf.if %cond3A_145 {
          %add3A_146 = arith.constant 2 : i32
          %add3A_147 = arith.addi %mul3A_85, %add3A_146 : i32
          %add3A_148 = arith.constant 3 : i32
          %add3A_149 = arith.addi %add3A_147, %add3A_148 : i32
          %mul3A_150 = arith.constant 16 : i32
          %mul3A_151 = arith.muli %add3A_149, %mul3A_150 : i32
          %dma_start3A = tpu.memref_slice %arg7[%mul3A_151] : memref<416xi32, #tpu.memory_space<vmem>> -> memref<16xi32, #tpu.memory_space<vmem>>
          %dma_start3A_152 = arith.constant 0 : i32
          %dma_start3A_153 = arith.constant 0 : i32
          %dma_start3A_154 = tpu.memref_slice %arg2[%dma_start3A_152, %dma_start3A_153] : memref<16384x1024xf32, #tpu.memory_space<hbm>> -> memref<16384x1024xf32, #tpu.memory_space<hbm>>
          tpu.enqueue_indirect_dma source(%dma_start3A_154 : memref<16384x1024xf32, #tpu.memory_space<hbm>>) target(%arg12 : memref<16x1024xf32, #tpu.memory_space<vmem>>) offsets(%dma_start3A : memref<16xi32, #tpu.memory_space<vmem>>) semaphore(%arg17 : memref<!tpu.dma_semaphore, #tpu.memory_space<semaphore_mem>>)
          %dma_start3A_155 = tpu.memref_slice %arg7[%mul3A_151] : memref<416xi32, #tpu.memory_space<vmem>> -> memref<16xi32, #tpu.memory_space<vmem>>
          %dma_start3A_156 = arith.constant 0 : i32
          %dma_start3A_157 = arith.constant 0 : i32
          %dma_start3A_158 = tpu.memref_slice %arg3[%dma_start3A_156, %dma_start3A_157] : memref<16384x1024xf32, #tpu.memory_space<hbm>> -> memref<16384x1024xf32, #tpu.memory_space<hbm>>
          tpu.enqueue_indirect_dma source(%dma_start3A_158 : memref<16384x1024xf32, #tpu.memory_space<hbm>>) target(%arg13 : memref<16x1024xf32, #tpu.memory_space<vmem>>) offsets(%dma_start3A_155 : memref<16xi32, #tpu.memory_space<vmem>>) semaphore(%arg17 : memref<!tpu.dma_semaphore, #tpu.memory_space<semaphore_mem>>)
        } else {
        }
      } else {
      }
    }
    "tpu.region"() ({
      %run_scoped3A = tpu.sem_alloc : memref<!tpu.dma_semaphore, #tpu.memory_space<semaphore_mem>>
      %dma_start3A = arith.constant 0 : i32
      %dma_start3A_83 = tpu.memref_slice %arg5[%add3A, %dma_start3A] : memref<32x16xf32, #tpu.memory_space<hbm>> -> memref<1x16xf32, #tpu.memory_space<hbm>>
      %dma_start3A_84 = tpu.memref_squeeze %dma_start3A_83 : memref<1x16xf32, #tpu.memory_space<hbm>> -> memref<16xf32, #tpu.memory_space<hbm>>
      %dma_start3A_85 = arith.constant 0 : i32
      %dma_start3A_86 = tpu.memref_slice %arg5[%add3A, %dma_start3A_85] : memref<32x16xf32, #tpu.memory_space<hbm>> -> memref<1x16xf32, #tpu.memory_space<hbm>>
      %dma_start3A_87 = tpu.memref_squeeze %dma_start3A_86 : memref<1x16xf32, #tpu.memory_space<hbm>> -> memref<16xf32, #tpu.memory_space<hbm>>
      tpu.enqueue_dma source(%arg14 : memref<16xf32, #tpu.memory_space<vmem>>) target(%dma_start3A_87 : memref<16xf32, #tpu.memory_space<hbm>>) target_semaphore(%run_scoped3A : memref<!tpu.dma_semaphore, #tpu.memory_space<semaphore_mem>>)
      %dma_wait3A = arith.constant 0 : i32
      %dma_wait3A_88 = tpu.memref_slice %arg5[%add3A, %dma_wait3A] : memref<32x16xf32, #tpu.memory_space<hbm>> -> memref<1x16xf32, #tpu.memory_space<hbm>>
      %dma_wait3A_89 = tpu.memref_squeeze %dma_wait3A_88 : memref<1x16xf32, #tpu.memory_space<hbm>> -> memref<16xf32, #tpu.memory_space<hbm>>
      %dma_wait3A_90 = arith.constant 0 : i32
      %dma_wait3A_91 = tpu.memref_slice %arg5[%add3A, %dma_wait3A_90] : memref<32x16xf32, #tpu.memory_space<hbm>> -> memref<1x16xf32, #tpu.memory_space<hbm>>
      %dma_wait3A_92 = tpu.memref_squeeze %dma_wait3A_91 : memref<1x16xf32, #tpu.memory_space<hbm>> -> memref<16xf32, #tpu.memory_space<hbm>>
      tpu.wait_dma2 semaphore(%run_scoped3A : memref<!tpu.dma_semaphore, #tpu.memory_space<semaphore_mem>>) src(%arg14 : memref<16xf32, #tpu.memory_space<vmem>>) dst(%dma_wait3A_92 : memref<16xf32, #tpu.memory_space<hbm>>)
      tpu.yield
    }) : () -> ()
    return
  }
}

module attributes {stable_mosaic.version = 14 : i64} {
  func.func @_tc_block(%arg0: i32, %arg1: memref<512x1024xf32, #tpu.memory_space<vmem>>, %arg2: memref<512x1024xf32, #tpu.memory_space<vmem>>, %arg3: memref<1x1x512xf32, #tpu.memory_space<vmem>>, %arg4: memref<32x1x512xf32, #tpu.memory_space<vmem>>, %arg5: memref<1x1xf32, #tpu.memory_space<smem>>, %arg6: memref<1x1xf32, #tpu.memory_space<smem>>) attributes {dimension_semantics = [#tpu.dimension_semantics<arbitrary>], iteration_bounds = array<i64: 8>, scalar_prefetch = 0 : i64, scratch_operands = 0 : i64, tpu.core_type = #tpu.core_type<tc>, window_params = [{transform_indices = @transform_0, window_bounds = array<i64: 512, 1024>}, {transform_indices = @transform_1, window_bounds = array<i64: 512, 1024>}, {transform_indices = @transform_2, window_bounds = array<i64: 1, 1, 512>}, {pipeline_mode = #tpu.pipeline_mode<synchronous>, transform_indices = @transform_3, window_bounds = array<i64: 32, 1, 512>}, {transform_indices = @transform_4, window_bounds = array<i64: 1, 1>}, {transform_indices = @transform_5, window_bounds = array<i64: 1, 1>}]} {
    %eq3A = arith.constant 0 : i32
    %eq3A_0 = arith.cmpi eq, %arg0, %eq3A : i32
    %convert_element_type3A = arith.extui %eq3A_0 : i1 to i32
    %cond3A = arith.constant 0 : i32
    %cond3A_1 = arith.cmpi ne, %convert_element_type3A, %cond3A : i32
    scf.if %cond3A_1 {
      %swap3A_27 = arith.constant 0.000000e+00 : f32
      %swap3A_28 = arith.constant 0 : index
      %swap3A_29 = arith.constant 0 : index
      %swap3A_30 = memref.load %arg5[%swap3A_28, %swap3A_29] : memref<1x1xf32, #tpu.memory_space<smem>>
      memref.store %swap3A_27, %arg5[%swap3A_28, %swap3A_29] : memref<1x1xf32, #tpu.memory_space<smem>>
      %swap3A_31 = arith.constant 0.000000e+00 : f32
      %swap3A_32 = arith.constant 0 : index
      %swap3A_33 = arith.constant 0 : index
      %swap3A_34 = memref.load %arg6[%swap3A_32, %swap3A_33] : memref<1x1xf32, #tpu.memory_space<smem>>
      memref.store %swap3A_31, %arg6[%swap3A_32, %swap3A_33] : memref<1x1xf32, #tpu.memory_space<smem>>
    } else {
    }
    %get3A = arith.constant 0 : index
    %get3A_2 = arith.constant 0 : index
    %get3A_3 = arith.constant 0 : index
    %get3A_4 = vector.load %arg3[%get3A, %get3A_2, %get3A_3] : memref<1x1x512xf32, #tpu.memory_space<vmem>>, vector<1x1x512xf32>
    %get3A_5 = vector.shape_cast %get3A_4 : vector<1x1x512xf32> to vector<1x512xf32>
    %get3A_6 = arith.constant 0 : index
    %get3A_7 = arith.constant 0 : index
    %get3A_8 = vector.load %arg2[%get3A_6, %get3A_7] : memref<512x1024xf32, #tpu.memory_space<vmem>>, vector<512x1024xf32>
    %get3A_9 = arith.constant 0 : index
    %get3A_10 = arith.constant 0 : index
    %get3A_11 = vector.load %arg1[%get3A_9, %get3A_10] : memref<512x1024xf32, #tpu.memory_space<vmem>>, vector<512x1024xf32>
    %sub3A = arith.subf %get3A_8, %get3A_11 : vector<512x1024xf32>
    %mul3A = arith.mulf %sub3A, %sub3A : vector<512x1024xf32>
    %dot_general3A = arith.constant dense<0.000000e+00> : vector<1x1024xf32>
    %dot_general3A_12 = tpu.matmul %get3A_5, %mul3A, %dot_general3A {dimension_numbers = #tpu.dot_dimension_numbers<[1], [0], [0], [1], [0, 0, 1, 1], [], []>, transpose_lhs_hint = false} : vector<1x512xf32>, vector<512x1024xf32>, vector<1x1024xf32> -> vector<1x1024xf32>
    %get3A_13 = arith.constant 0 : index
    %get3A_14 = arith.constant 0 : index
    %get3A_15 = memref.load %arg5[%get3A_13, %get3A_14] : memref<1x1xf32, #tpu.memory_space<smem>>
    %reduce_sum3A = vector.shape_cast %dot_general3A_12 : vector<1x1024xf32> to vector<1x1x1024xf32>
    %reduce_sum3A_16 = arith.constant dense<0.000000e+00> : vector<1xf32>
    %reduce_sum3A_17 = vector.multi_reduction <add>, %reduce_sum3A, %reduce_sum3A_16 [1, 2] : vector<1x1x1024xf32> to vector<1xf32>
    %reduce_sum3A_18 = vector.shape_cast %reduce_sum3A_17 : vector<1xf32> to vector<1x1x1xf32>
    %reduce_sum3A_19 = vector.extract %reduce_sum3A_18[0, 0, 0] : f32 from vector<1x1x1xf32>
    %add3A = arith.addf %get3A_15, %reduce_sum3A_19 : f32
    %swap3A = arith.constant 0 : index
    %swap3A_20 = arith.constant 0 : index
    %swap3A_21 = memref.load %arg5[%swap3A, %swap3A_20] : memref<1x1xf32, #tpu.memory_space<smem>>
    memref.store %add3A, %arg5[%swap3A, %swap3A_20] : memref<1x1xf32, #tpu.memory_space<smem>>
    %eq3A_22 = arith.constant 0 : i32
    %eq3A_23 = arith.cmpi eq, %arg0, %eq3A_22 : i32
    %convert_element_type3A_24 = arith.extui %eq3A_23 : i1 to i32
    %cond3A_25 = arith.constant 0 : i32
    %cond3A_26 = arith.cmpi ne, %convert_element_type3A_24, %cond3A_25 : i32
    scf.if %cond3A_26 {
      %get3A_27 = arith.constant 0 : index
      %get3A_28 = arith.constant 0 : index
      %get3A_29 = memref.load %arg6[%get3A_27, %get3A_28] : memref<1x1xf32, #tpu.memory_space<smem>>
      %get3A_30 = arith.constant 0 : index
      %get3A_31 = arith.constant 0 : index
      %get3A_32 = arith.constant 0 : index
      %get3A_33 = vector.load %arg4[%get3A_30, %get3A_31, %get3A_32] : memref<32x1x512xf32, #tpu.memory_space<vmem>>, vector<32x1x512xf32>
      %reduce_sum3A_34 = vector.shape_cast %get3A_33 : vector<32x1x512xf32> to vector<1x32x1x512xf32>
      %reduce_sum3A_35 = arith.constant dense<0.000000e+00> : vector<1xf32>
      %reduce_sum3A_36 = vector.multi_reduction <add>, %reduce_sum3A_34, %reduce_sum3A_35 [1, 2, 3] : vector<1x32x1x512xf32> to vector<1xf32>
      %reduce_sum3A_37 = vector.shape_cast %reduce_sum3A_36 : vector<1xf32> to vector<1x1x1x1xf32>
      %reduce_sum3A_38 = vector.extract %reduce_sum3A_37[0, 0, 0, 0] : f32 from vector<1x1x1x1xf32>
      %add3A_39 = arith.addf %get3A_29, %reduce_sum3A_38 : f32
      %swap3A_40 = arith.constant 0 : index
      %swap3A_41 = arith.constant 0 : index
      %swap3A_42 = memref.load %arg6[%swap3A_40, %swap3A_41] : memref<1x1xf32, #tpu.memory_space<smem>>
      memref.store %add3A_39, %arg6[%swap3A_40, %swap3A_41] : memref<1x1xf32, #tpu.memory_space<smem>>
    } else {
    }
    return
  }
  func.func @transform_0(%arg0: i32) -> (i32, i32) {
    %c0_i32 = arith.constant 0 : i32
    %c0_i32_0 = arith.constant 0 : i32
    return %arg0, %c0_i32 : i32, i32
  }
  func.func @transform_1(%arg0: i32) -> (i32, i32) {
    %c0_i32 = arith.constant 0 : i32
    %c0_i32_0 = arith.constant 0 : i32
    return %arg0, %c0_i32 : i32, i32
  }
  func.func @transform_2(%arg0: i32) -> (i32, i32, i32) {
    %c0_i32 = arith.constant 0 : i32
    %c0_i32_0 = arith.constant 0 : i32
    %c0_i32_1 = arith.constant 0 : i32
    return %arg0, %c0_i32, %c0_i32_0 : i32, i32, i32
  }
  func.func @transform_3(%arg0: i32) -> (i32, i32, i32) {
    %c0_i32 = arith.constant 0 : i32
    %c0_i32_0 = arith.constant 0 : i32
    %c0_i32_1 = arith.constant 0 : i32
    %c0_i32_2 = arith.constant 0 : i32
    return %c0_i32, %c0_i32_0, %c0_i32_1 : i32, i32, i32
  }
  func.func @transform_4(%arg0: i32) -> (i32, i32) {
    %c0_i32 = arith.constant 0 : i32
    %c0_i32_0 = arith.constant 0 : i32
    %c0_i32_1 = arith.constant 0 : i32
    return %c0_i32, %c0_i32_0 : i32, i32
  }
  func.func @transform_5(%arg0: i32) -> (i32, i32) {
    %c0_i32 = arith.constant 0 : i32
    %c0_i32_0 = arith.constant 0 : i32
    %c0_i32_1 = arith.constant 0 : i32
    return %c0_i32, %c0_i32_0 : i32, i32
  }
}

</mosaic_0001>

<sc_bundles>
// kernel: _masked_mse.4.cloned.1.call-start
scs
__scs_entry_jumppad:
0x0: {  	(pc) =	sbr.rel $0x88, $3  }
0x1: {  	(tag) =	ssettag $0x0;
	lr =	simm.s32 $0x1  }
0x2: {  	[smem:$0x3F9E] =	sst lr;
	_ =	strace $0xD0000000  }
0x3: {  	_ = 	snop  }
0x4: {  	_ = 	snop  }
0x5: {  	_ = 	snop  }
0x6: {  	_ = 	snop  }
0x7: {  	_ = 	snop  }
__scs_overlays_trampoline_lowered:
0x8: {  	[smem:$0x3FAD] =	sst s0  }
0x9: {  	[smem:$0x3FAE] =	sst s1  }
0xa: {  	[smem:$0x3FAF] =	sst s2  }
0xb: {  	[smem:$0x3FB0] =	sst s3  }
0xc: {  	[smem:$0x3FB1] =	sst s4  }
0xd: {  	[smem:$0x3FB2] =	sst s5  }
0xe: {  	[smem:$0x3FB3] =	sst s6  }
0xf: {  	[smem:$0x3FB4] =	sst s7  }
0x10: {  	[smem:$0x3FB5] =	sst s8  }
0x11: {  	[smem:$0x3FB6] =	sst s9;
	s0 =	simm.s32 @!p0 $0x0  }
0x12: {  	s1 =	sld [smem:$0x3F9C];
	s0 =	simm.s32 @p0 $0x1  }
0x13: {  	[smem:$0x3FB7] =	sst s0;
	s0 =	simm.s32 @!p1 $0x0  }
0x14: {  	s2 =	sld [smem:$0x3F9B];
	s0 =	simm.s32 @p1 $0x1  }
0x15: {  	[smem:$0x3FB8] =	sst s0;
	s0 =	simm.s32 @!p2 $0x0  }
0x16: {  	s3 =	sld [smem:$0x3FDB];
	s0 =	simm.s32 @p2 $0x1  }
0x17: {  	s4 =	simm.s32 $0x1BF5;
	[smem:$0x3FBA] =	sst s0  }
0x18: {  	s0 =	sld [smem:$0x3F9D];
	_ =	swait.ge [sflag:s4], $0x0  }
0x19: {  	s7 =	sld [smem:$0x3F9E]  }
0x1a: {  	s8 =	sadd.s32 $0xFFFFE003, lr  }
0x1b: {  	s9 =	sadd.s32 $0xFFFFFEF7, lr;
	s5 =	simm.s32 $0xFFFFFFFF;
	p2 =	slt.u32 s8, $0xFFFFF086  }
0x1c: {  	p1 =	slt.u32 s9, $0xF7A;
	s5 =	simm.s32 @!p2 $0x0  }
0x1d: {  	s5 =	simm.s32 @p1 $0x1;
	p0 =	seq.s32 s7, s2  }
0x1e: {  	s7 =	smul.u32 @!p0 $0xF7A, s2;
	p2 =	seq.s32 @!p0 s5, $0x0  }
0x1f: {  	s9 =	smul.u32 $0xF7A, s1;
	s8 =	simm.s32 @!p0 $0x1BF5;
	p2 =	por !p2, p0  }
0x20: {  	[sflag:s8] =	ssyncset.s32 @!p0 $0xFFFFF086;
	s6 =	sadd.s32 @!p0 s3, s7;
	s7 =	simm.s32 @!p0 $0x108  }
0x21: {  	s3 =	sadd.s32 s3, s9;
	s6 =	sadd.s32 @!p0 $0x88, s6;
	s7 =	simm.s32 @p2 $0x1082  }
0x22: {  	[simem:s7], [sflag:s8] =	dma.local @!p0 [hbm:s6], $0xF7A  }
0x23: {  	s9 =	sor.u32 $0xD0000000, s2;
	s6 =	simm.s32 $0x108;
	_ =	swait.ge @!p0 [sflag:s8], $0x0  }
0x24: {  	s3 =	sadd.s32 $0x88, s3;
	s6 =	simm.s32 @!p1 $0x1082;
	[sflag:s4] =	ssyncset.s32 $0xFFFFF086  }
0x25: {  	[simem:s6], [sflag:s4] =	dma.local [hbm:s3], $0xF7A  }
0x26: {  	[smem:$0x3F9E] =	sst s1;
	(tag) =	ssettag s2;
	_ =	strace s9  }
0x27: {  	s1 =	sld [smem:$0x3FAE]  }
0x28: {  	s2 =	sld [smem:$0x3FAF]  }
0x29: {  	s4 =	sld [smem:$0x3FB1]  }
0x2a: {  	p0 =	seq.s32 s5, $0x0;
	s5 =	sld [smem:$0x3FB2]  }
0x2b: {  	s6 =	sld [smem:$0x3FB3]  }
0x2c: {  	s7 =	sld [smem:$0x3FB4]  }
0x2d: {  	s3 =	simm.s32 $0x108;
	s8 =	sld [smem:$0x3FB5]  }
0x2e: {  	s3 =	simm.s32 @!p0 $0x1082;
	s9 =	sld [smem:$0x3FB6]  }
0x2f: {  	lr =	sadd.s32 s0, s3;
	s0 =	sld [smem:$0x3FAD]  }
0x30: {  	s3 =	sld [smem:$0x3FB0]  }
0x31: {  	[smem:$0x3FB9] =	sst s10  }
0x32: {  	s10 =	sld [smem:$0x3FB7];
	_ =	sdelay $0x3  }
0x33: {  	p0 =	seq.s32 s10, $0x1;
	s10 =	sld [smem:$0x3FB9];
	_ =	sdelay $0x3  }
0x34: {  	[smem:$0x3FB9] =	sst s10  }
0x35: {  	s10 =	sld [smem:$0x3FB8];
	_ =	sdelay $0x3  }
0x36: {  	p1 =	seq.s32 s10, $0x1;
	s10 =	sld [smem:$0x3FB9];
	_ =	sdelay $0x3  }
0x37: {  	[smem:$0x3FB9] =	sst s10  }
0x38: {  	s10 =	sld [smem:$0x3FBA]  }
0x39: {  	_ = 	snop;
	(pc) =	sbr.ind lr, $3  }
0x3a: {  	_ = 	snop  }
0x3b: {  	_ = 	snop  }
0x3c: {  	p2 =	seq.s32 s10, $0x1;
	s10 =	sld [smem:$0x3FB9]  }
0x3d: {  	_ =	shalt  }
0x3e: {  	_ =	shalt  }
0x3f: {  	_ =	shalt  }
0x40: {  	_ =	shalt  }
0x41: {  	_ =	shalt  }
0x42: {  	_ =	shalt  }
0x43: {  	_ =	shalt  }
0x44: {  	_ =	shalt  }
0x45: {  	_ =	shalt  }
0x46: {  	_ =	shalt  }
0x47: {  	_ =	shalt  }
0x48: {  	_ =	shalt  }
0x49: {  	_ =	shalt  }
0x4a: {  	_ =	shalt  }
0x4b: {  	_ =	shalt  }
0x4c: {  	_ =	shalt  }
0x4d: {  	_ =	shalt  }
0x4e: {  	_ =	shalt  }
0x4f: {  	_ =	shalt  }
0x50: {  	_ =	shalt  }
0x51: {  	_ =	shalt  }
0x52: {  	_ =	shalt  }
0x53: {  	_ =	shalt  }
0x54: {  	_ =	shalt  }
0x55: {  	_ =	shalt  }
0x56: {  	_ =	shalt  }
0x57: {  	_ =	shalt  }
0x58: {  	_ =	shalt  }
0x59: {  	_ =	shalt  }
0x5a: {  	_ =	shalt  }
0x5b: {  	_ =	shalt  }
0x5c: {  	_ =	shalt  }
0x5d: {  	_ =	shalt  }
0x5e: {  	_ =	shalt  }
0x5f: {  	_ =	shalt  }
0x60: {  	_ =	shalt  }
0x61: {  	_ =	shalt  }
0x62: {  	_ =	shalt  }
0x63: {  	_ =	shalt  }
0x64: {  	_ =	shalt  }
0x65: {  	_ =	shalt  }
0x66: {  	_ =	shalt  }
0x67: {  	_ =	shalt  }
0x68: {  	_ =	shalt  }
0x69: {  	_ =	shalt  }
0x6a: {  	_ =	shalt  }
0x6b: {  	_ =	shalt  }
0x6c: {  	_ =	shalt  }
0x6d: {  	_ =	shalt  }
0x6e: {  	_ =	shalt  }
0x6f: {  	_ =	shalt  }
0x70: {  	_ =	shalt  }
0x71: {  	_ =	shalt  }
0x72: {  	_ =	shalt  }
0x73: {  	_ =	shalt  }
0x74: {  	_ =	shalt  }
0x75: {  	_ =	shalt  }
0x76: {  	_ =	shalt  }
0x77: {  	_ =	shalt  }
0x78: {  	_ =	shalt  }
0x79: {  	_ =	shalt  }
0x7a: {  	_ =	shalt  }
0x7b: {  	_ =	shalt  }
0x7c: {  	_ =	shalt  }
0x7d: {  	_ =	shalt  }
0x7e: {  	_ =	shalt  }
0x7f: {  	_ =	shalt  }
0x80: {  	_ =	shalt  }
0x81: {  	_ =	shalt  }
0x82: {  	_ =	shalt  }
0x83: {  	_ =	shalt  }
0x84: {  	_ =	shalt  }
0x85: {  	_ =	shalt  }
0x86: {  	_ =	shalt  }
0x87: {  	_ =	shalt  }
.Lfunc_end0:
.L_simem_size_0:
called_computation_lowered:
.L_overlay_start_0:
0x88: {  	s2 =	sld [smem:$0x3FD9]  }
0x89: {  	s3 =	sld [smem:$0x3FFE];
	_ =	sdelay $0x1  }
0x8a: {  	s1 =	srdreg.scid  }
0x8b: {  	s0 =	sand.u32 $0x1, s1  }
0x8c: {  	s17 =	sshll.u32 s0, $0xA;
	s2 =	sadd.s32 s3, s2  }
0x8d: {  	s2 =	sadd.s32 s2, s17  }
0x8e: {  	[smem:$0x3FC5] =	sst s2  }
0x8f: {  	_ = 	snop  }
0x90: {  	s2 =	sld [smem:$0x3FC9]  }
0x91: {  	s18 =	sld [smem:$0x3FC8];
	(tm) =	ssettm $0x1  }
0x92: {  	s4 =	sld [smem:$0x3FFB];
	_ =	sdelay $0x3  }
0x93: {  	_ =	strace s4  }
0x94: {  	s4 =	sld [smem:$0x3FFC];
	_ =	sdelay $0x3  }
0x95: {  	_ =	strace s4  }
0x96: {  	s4 =	sld [smem:$0x3FFD];
	_ =	sdelay $0x3  }
0x97: {  	_ =	strace s4  }
0x98: {  	_ =	strace $0x8FFFFFFF  }
0x99: {  	s19 =	sld [smem:$0x3FDB];
	_ =	sdelay $0x1  }
0x9a: {  	s5 =	simm.s32 $_scs_section_size  }
0x9b: {  	s6 =	simm.s32 $_size__tile_overlayer_lowered;
	s7 =	simm.s32 $_tile_overlayer_lowered  }
0x9c: {  	s22 =	simm.s32 $0x1BFF;
	s21 =	sshll.u32 s7, $0x1;
	s4 =	sadd.s32 s5, s19  }
0x9d: {  	s8 =	simm.s32 $0x0;
	s20 =	sshll.u32 s6, $0x1;
	s6 =	sadd.s32 s21, s4  }
0x9e: {  	[timem:s8], [sflag:s22] =	dma.local [hbm:s6], s20  }
0x9f: {  	_ =	swait.ge [sflag:s22], s20  }
0xa0: {  	s5 =	ssub.s32 $0x0, s20;
	[sflag:s22] =	ssyncset.done $0x0  }
0xa1: {  	[sflag:s22] =	ssyncadd.s32 s5;
	_ =	sdelay $0x1  }
0xa2: {  	s23 =	simm.s32 $0x1B8B  }
0xa3: {  	_ =	swait.ge [sflag:s23], $0x1  }
0xa4: {  	[sflag:s23] =	ssyncset.done $0x0  }
0xa5: {  	s25 =	simm.s32 $0x1B8E;
	s24 =	sld [smem:$0x3FFE];
	[sflag:s23] =	ssyncadd.s32 $0xFFFFFFFF  }
0xa6: {  	s26 =	simm.s32 $execute0_lowered;
	[smem:$0x3FD2] =	sst s25  }
0xa7: {  	s6 =	sshll.u32 s26, $0x1;
	_ =	strace $0x80000046;
	[dreg:$0x1] =	wrdreg $0xFFFFFFFF  }
0xa8: {  	s28 =	simm.s32 $_size_execute0_lowered;
	s4 =	sadd.s32 s4, s6;
	[dreg:$0x0] =	wrdreg $0x0  }
0xa9: {  	s6 =	sshll.u32 s28, $0x1;
	[dreg:$0x2] =	wrdreg s4  }
0xaa: {  	[dreg:$0x3] =	wrdreg s6  }
0xab: {  	[dreg:$0x4] =	wrdreg $0xC0  }
0xac: {  	_ =	task [dreg:s8], $0x5FFFF  }
0xad: {  	[dreg:$0x1] =	wrdreg $0xFFFFFFFF  }
0xae: {  	[dreg:$0x0] =	wrdreg $0x60  }
0xaf: {  	[dreg:$0x2] =	wrdreg s2  }
0xb0: {  	[dreg:$0x3] =	wrdreg s18  }
0xb1: {  	[dreg:$0x4] =	wrdreg s24  }
0xb2: {  	[dreg:$0x5] =	wrdreg $0x9  }
0xb3: {  	_ =	task.clear_ibuf [dreg:s8], $0x6FFFF;
	_ =	strace $0x90000046  }
0xb4: {  	s29 =	simm.s32 $0x9;
	_ =	strace $0x80000048  }
0xb5: {  	_ =	swait.ge [sflag:s29], $0x1  }
0xb6: {  	[sflag:s29] =	ssyncadd.s32 $0xFFFFFFFF  }
0xb7: {  	_ =	strace $0x90000048  }
0xb8: {  	_ =	sfence  }
0xb9: {  	s30 =	sld [smem:$0x0];
	_ =	sdelay $0x2  }
0xba: {  	s31 =	sshll.u32 s1, $0xD;
	s1 =	sshrl.u32 s1, $0x2  }
0xbb: {  	s3 =	sand.u32 $0x4000, s31;
	s1 =	sadd.s32 s1, s30  }
0xbc: {  	s0 =	sor.u32 s3, s0;
	s1 =	sshll.u32 s1, $0x11  }
0xbd: {  	s0 =	sor.u32 s1, s0  }
0xbe: {  	s0 =	sadd.s32 $0x8F2B, s0  }
0xbf: {  	[sflag:s0] =	ssyncadd.remote.s32 $0x1  }
0xc0: {  	_ =	sfence.sel $0xFFFF  }
0xc1: {  	[dreg:$0x0] =	wrdreg $0xFFFFFFFF;
	(pc) =	sbr.abs _section_cstart, $3  }
0xc2: {  	[dreg:$0x1] =	wrdreg $0xFFFFFFFF  }
0xc3: {  	_ =	task.clear_ibuf [dreg:s8], $0x2FFFF;
	_ =	strace $0x9FFFFFFF  }
0xc4: {  	(tm) =	ssettm $0x7FFFFFFF  }
0xc5: {  	_ =	shalt  }
tec
execute0_lowered:
.L_overlay_start_1:
0x0: {  	(tag) =	ssettag $0x1  }
0x1: {  	v0 =	vimm.s32 $0xEDCBA987  }
0x2: {  	s1 =	rddreg [dreg:$0x0];
	v0 =	vunpack.c.l.s4.s8 v0  }
0x3: {  	s0 =	srdreg.scid;
	s3 =	rddreg [dreg:$0x1];
	v1 =	vimm.s32 $0x65432100  }
0x4: {  	s9 =	stileid.u32;
	s5 =	rddreg [dreg:$0x2];
	v2 =	vimm.s32 $0xDCBA9876;
	v1 =	vunpack.c.l.s4.s8 v1;
	v0 =	vunpack.c.0.s8.s32 v0  }
0x5: {  	s4 =	simm.s32 $0x0;
	s15 =	simm.s32 $0x4;
	s16 =	simm.s32 $0x180;
	v2 =	vunpack.c.l.s4.s8 v2  }
0x6: {  	s17 =	simm.s32 $0x1;
	s18 =	simm.s32 $0x2;
	s19 =	simm.s32 $0x3;
	v1 =	vunpack.c.0.s8.s32 v1;
	v3 =	vand.u32 $0xF, v0;
	v0 =	vimm.s32 $0x54321000  }
0x7: {  	v5 =	vimm.s32 $0xE40000;
	s25 =	simm.s32 $0x0;
	s0 =	sand.u32 $0x1, s0;
	s2 =	sshll.u32 s9, $0x1;
	v2 =	vunpack.c.0.s8.s32 v2;
	v4 =	vunpack.c.l.s4.s8 v0  }
0x8: {  	v6 =	vimm.s32 $0x32100000;
	[smem:$0x7FF] =	sst s4;
	s14 =	smul.u32 $0x300, s9;
	s9 =	sadd.s32 $0x100, s3;
	v1 =	vcombine.low v1, v3;
	v3 =	vunpack.c.l.s2.s4 v5  }
0x9: {  	s10 =	sadd.s32 $0x200, s3;
	s11 =	sadd.s32 $0x300, s3;
	s2 =	sor.u32 s0, s2;
	v5 =	vand.u32 $0xF, v2;
	v2 =	vimm.s32 $0xBA987654;
	v4 =	vunpack.c.0.s8.s32 v4  }
0xa: {  	vm0 =	vmmov $0x3;
	_ =	strace $0x80000047;
	s29 =	ssub.s32 $0x2, s0;
	s6 =	smul.u32 $0x180, s2;
	v7 =	vunpack.c.l.s4.s8 v2;
	v8 =	vunpack.c.l.s4.s8 v3  }
0xb: {  	vm2 =	vcmask $0x3F30;
	s0 =	smul.u32 $0x180, s0;
	s2 =	sshll.u32 s2, $0x4;
	s8 =	sshrl.u32 s29, $0x1;
	v3 =	vcombine.low v4, v5;
	v4 =	vunpack.c.l.s4.s8 v6  }
.Ltmp0:
0xc: {  	s2 =	sadd.s32 s2, s5;
	s12 =	sadd.s32 $0x1000, s6;
	v5 =	vunpack.c.0.s8.s32 v7;
	v6 =	vimm.s32 $0x7060504;
	v7 =	vunpack.c.0.s8.s32 v8;
	(pc) =	sbr.rel .LBB2_1-.Ltmp0, $4  }
0xd: {  	vm1 =	vmmov $0xf;
	s30 =	ssub.s32 s29, s8;
	s8 =	sadd.s32 $0x300, s1;
	s7 =	sshrl.u32 s12, $0x3;
	v6 =	vunpack.c.0.s8.s32 v6;
	v4 =	vunpack.c.0.s8.s32 v4  }
0xe: {  	s0 =	sadd.s32 s0, s14;
	s6 =	sadd.s32 $0x100, s1;
	v0 =	vmov s12;
	s7 =	sadd.s32 s7, s5;
	v5 =	vand.u32 $0xF, v5;
	v7 =	vand.u32 $0x3, v7  }
0xf: {  	s13 =	smax.u32 s30, $0x1;
	s14 =	sadd.s32 $0x1000, s0;
	v2 =	vlaneseq.u32;
	s31 =	sadd.s32 $0x400, s7;
	v4 =	vcombine.low v4, v5;
	v5 =	vsel vm2, v6, v7  }
0x10: {  	s12 =	sadd.s32 $0xC00, s2;
	s7 =	sadd.s32 $0x200, s1;
	[dreg:$0x4] =	wrdreg s31;
	vm2 =	vmmov $0xff;
	v6 =	vor.u32 $0x190, v2;
	v7 =	vimm.f32 $0.0e+00  }
.LBB2_32:
0x11: {  	s25 =	sadd.s32 $0x1, s25  }
0x12: {  	p0 =	sne.s32 s25, s13  }
.Ltmp1:
0x13: {  	s0 =	simm.s32 $0x18380;
	(pc) =	sbr.rel @!p0 .LBB2_33-.Ltmp1, $4  }
0x14: {  	[hbm4b:s12+s4] =	stream.linear.scatter [tilespmem:s0], [sflag:$0x4], $0x80, $0x38;
	[tilespmem:$0x18400] =	vst v63  }
0x15: {  	_ =	swait.ge [sflag:s15], $0x80  }
0x16: {  	[sflag:s15] =	ssyncset.done $0x0  }
0x17: {  	[sflag:s15] =	ssyncadd.s32 $0xFFFFFF80  }
.LBB2_1:
0x18: {  	s0 =	rddreg [dreg:$0x4]  }
0x19: {  	[tilespmem:s4], [sflag:$0x4] =	stream.linear.gather [hbm4b:s0+s4], $0x180, $0x38;
	[tilespmem:$0x18400] =	vst v63  }
0x1a: {  	_ =	swait.ge [sflag:s15], $0x180  }
0x1b: {  	[sflag:s15] =	ssyncset.done $0x0  }
0x1c: {  	s31 =	simm.s32 $0x0;
	[sflag:s15] =	ssyncadd.s32 $0xFFFFFE80  }
0x1d: {  	v8 =	vld [tilespmem:s31+$0x0];
	_ =	sdelay $0x4  }
0x1e: {  	v9 =	vperm.xlane v8, v1  }
0x1f: {  	vm3 =	veq.s32 v2, $0x0  }
0x20: {  	v9 =	vsel vm3, $0x0, v9  }
0x21: {  	v9 =	vadd.s32 v8, v9  }
0x22: {  	v10 =	vperm.xlane v9, v3;
	_ =	sdelay $0x1  }
0x23: {  	v10 =	vsel vm0, $0x0, v10  }
0x24: {  	v9 =	vadd.s32 v10, v9  }
0x25: {  	v10 =	vperm.xlane v9, v4;
	_ =	sdelay $0x1  }
0x26: {  	v10 =	vsel vm1, $0x0, v10  }
0x27: {  	v9 =	vadd.s32 v10, v9  }
0x28: {  	v10 =	vperm.xlane v9, v5;
	_ =	sdelay $0x1  }
0x29: {  	v10 =	vsel vm2, $0x0, v10  }
0x2a: {  	v62 =	vsub.s32 s4, v8;
	v9 =	vadd.s32 v10, v9  }
0x2b: {  	vm4 =	vgt.s32 v8, $0x0;
	v8 =	vadd.s32 v9, v62;
	(v2sf) =	vpush v9, $0xF  }
0x2c: {  	v8 =	vsel vm4, v8, v6;
	_ =	sdelay $0x3  }
0x2d: {  	v63 =	vor.u32 s14, v2;
	s5 =	simm.s32 $0x10  }
0x2e: {  	s2 =	simm.s32 $0x80;
	s20 =	smov.u32 s14;
	s0 =	simm.s32 $0x0;
	[tilespmem:v8+s16+$0x0] =	vst.idx.msk $0xffff, v63  }
.LBB2_2:
0x2f: {  	p0 =	sne.s32 s2, $0x5C0;
	v8 =	vld [tilespmem:s5+$0x0];
	_ =	sdelay $0x4  }
0x30: {  	v9 =	vperm.xlane v8, v1;
	vm4 =	vgt.s32 v8, $0x0;
	_ =	sdelay $0x1  }
0x31: {  	v9 =	vsel vm3, $0x0, v9  }
0x32: {  	v9 =	vadd.s32 v8, v9;
	s5 =	spop (v2sf)  }
0x33: {  	v10 =	vperm.xlane v9, v3;
	s0 =	sadd.s32 s0, s5  }
0x34: {  	v8 =	vsub.s32 s0, v8  }
0x35: {  	v10 =	vsel vm0, $0x0, v10  }
0x36: {  	v9 =	vadd.s32 v10, v9  }
0x37: {  	v10 =	vperm.xlane v9, v4;
	_ =	sdelay $0x1  }
0x38: {  	v10 =	vsel vm1, $0x0, v10  }
0x39: {  	v9 =	vadd.s32 v10, v9  }
0x3a: {  	v10 =	vperm.xlane v9, v5;
	_ =	sdelay $0x1  }
0x3b: {  	v10 =	vsel vm2, $0x0, v10  }
0x3c: {  	v9 =	vadd.s32 v10, v9  }
0x3d: {  	v8 =	vadd.s32 v9, v8;
	(v2sf) =	vpush v9, $0xF  }
0x3e: {  	v8 =	vsel vm4, v8, v6  }
.Ltmp2:
0x3f: {  	(pc) =	sbr.rel @p0 .LBB2_2-.Ltmp2, $4  }
0x40: {  	_ = 	snop  }
0x41: {  	s20 =	sadd.s32 $0x10, s20  }
0x42: {  	v9 =	vor.u32 s20, v2  }
0x43: {  	s5 =	sshra.s32 s2, $0x2;
	s2 =	sadd.s32 $0x40, s2;
	[tilespmem:v8+s16+$0x0] =	vst.idx.msk $0xffff, v9  }
0x44: {  	v8 =	vld [tilespmem:s5+$0x0];
	_ =	sdelay $0x4  }
0x45: {  	v9 =	vperm.xlane v8, v1  }
0x46: {  	vm3 =	veq.s32 v2, $0x0  }
0x47: {  	v9 =	vsel vm3, $0x0, v9  }
0x48: {  	v9 =	vadd.s32 v8, v9  }
0x49: {  	v10 =	vperm.xlane v9, v3;
	_ =	sdelay $0x1  }
0x4a: {  	v10 =	vsel vm0, $0x0, v10  }
0x4b: {  	v9 =	vadd.s32 v10, v9  }
0x4c: {  	v10 =	vperm.xlane v9, v4;
	_ =	sdelay $0x1  }
0x4d: {  	v10 =	vsel vm1, $0x0, v10  }
0x4e: {  	v9 =	vadd.s32 v10, v9  }
0x4f: {  	v10 =	vperm.xlane v9, v5;
	_ =	sdelay $0x1  }
0x50: {  	v10 =	vsel vm2, $0x0, v10  }
0x51: {  	v9 =	vadd.s32 v10, v9  }
0x52: {  	(v2sf) =	vpush v9, $0xF;
	_ =	sdelay $0xd  }
0x53: {  	s2 =	spop (v2sf)  }
0x54: {  	s2 =	sadd.s32 s0, s2;
	s21 =	spop (v2sf)  }
0x55: {  	v62 =	vsub.s32 s2, v8;
	s0 =	sadd.s32 s2, s21  }
0x56: {  	vm3 =	vgt.s32 v8, $0x0;
	v8 =	vadd.s32 v9, v62;
	s30 =	sadd.s32 $0xF, s0  }
0x57: {  	v8 =	vsel vm3, v8, v6;
	s22 =	sand.u32 $0xF, s30  }
0x58: {  	s31 =	sshra.s32 s30, $0x1F;
	p1 =	slt.s32 s30, $0x1;
	p0 =	sne.s32 s22, $0x0  }
0x59: {  	s20 =	sadd.s32 $0x10, s20;
	s22 =	sshrl.u32 s31, $0x1C;
	p0 =	por !p1, !p0  }
0x5a: {  	s5 =	sadd.s32 s22, s30;
	s22 =	simm.s32 $0x1;
	p0 =	por !p0, !p0  }
0x5b: {  	v63 =	vor.u32 s20, v2;
	s5 =	sshra.s32 s5, $0x4;
	s22 =	simm.s32 @!p0 $0x0  }
0x5c: {  	[tilespmem:v8+s16+$0x0] =	vst.idx.msk $0xffff, v63;
	s28 =	ssub.s32 s5, s22  }
0x5d: {  	[tilespmem:s0+$0x180] =	vst v0;
	p0 =	slt.s32 s28, $0x1  }
0x5e: {  	v8 =	vld @!p0 [tilespmem:$0x180];
	_ =	sdelay $0x4  }
0x5f: {  	v9 =	vshll.u32 @!p0 v8, $0x3  }
0x60: {  	v10 =	vlaneseq.u32 @!p0;
	v8 =	vand.u32 @!p0 $0x7, v8;
	v9 =	vand.u32 @!p0 $0xFFFFFFC0, v9  }
0x61: {  	v11 =	vshrl.u32 @!p0 v10, $0x3;
	v8 =	vor.u32 @!p0 v8, v9;
	v9 =	vand.u32 @!p0 $0x7, v10  }
0x62: {  	v11 =	vmul.u32 @!p0 $0x8, v11;
	v12 =	vperm.xlane @!p0 v8, v9;
	_ =	sdelay $0x1  }
0x63: {  	v12 =	vadd.s32 @!p0 v11, v12;
	_ =	sdelay $0x3  }
0x64: {  	[tilespmem:$0x18380] =	vst v7;
	vm3 =	vmmov @!p0 $0xffff;
	s5 =	simm.s32 @!p0 $0x0;
	s20 =	simm.s32 @!p0 $0x380  }
0x65: {  	v10 =	vor.u32 @!p0 $0x8, v10;
	[tilespmem:s20], [sflag:$0x1] =	stream.indirect_vreg.gather @!p0 [hbm4b:s1+s5], $0x80, v12, vm3, $0xb8;
	[tilespmem:$0x18400] =	vst v63  }
0x66: {  	v8 =	vperm.xlane @!p0 v8, v10;
	s20 =	simm.s32 @!p0 $0xB80  }
0x67: {  	[tilespmem:s20], [sflag:$0x1] =	stream.indirect_vreg.gather @!p0 [hbm4b:s6+s5], $0x80, v12, vm3, $0xb8;
	[tilespmem:$0x18400] =	vst v63  }
0x68: {  	v8 =	vadd.s32 @!p0 v11, v8;
	s20 =	simm.s32 @!p0 $0x1380  }
0x69: {  	[tilespmem:s20], [sflag:$0x1] =	stream.indirect_vreg.gather @!p0 [hbm4b:s7+s5], $0x80, v12, vm3, $0xb8;
	[tilespmem:$0x18400] =	vst v63  }
0x6a: {  	s20 =	simm.s32 @!p0 $0x1B80  }
0x6b: {  	[tilespmem:s20], [sflag:$0x1] =	stream.indirect_vreg.gather @!p0 [hbm4b:s8+s5], $0x80, v12, vm3, $0xb8;
	[tilespmem:$0x18400] =	vst v63  }
0x6c: {  	s20 =	simm.s32 @!p0 $0x2380  }
0x6d: {  	[tilespmem:s20], [sflag:$0x1] =	stream.indirect_vreg.gather @!p0 [hbm4b:s1+s5], $0x80, v8, vm3, $0xb8;
	[tilespmem:$0x18400] =	vst v63  }
0x6e: {  	s20 =	simm.s32 @!p0 $0x2B80  }
0x6f: {  	[tilespmem:s20], [sflag:$0x1] =	stream.indirect_vreg.gather @!p0 [hbm4b:s6+s5], $0x80, v8, vm3, $0xb8;
	[tilespmem:$0x18400] =	vst v63  }
0x70: {  	s20 =	simm.s32 @!p0 $0x3380  }
0x71: {  	[tilespmem:s20], [sflag:$0x1] =	stream.indirect_vreg.gather @!p0 [hbm4b:s7+s5], $0x80, v8, vm3, $0xb8;
	[tilespmem:$0x18400] =	vst v63  }
0x72: {  	s20 =	simm.s32 @!p0 $0x3B80  }
0x73: {  	[tilespmem:s20], [sflag:$0x1] =	stream.indirect_vreg.gather @!p0 [hbm4b:s8+s5], $0x80, v8, vm3, $0xb8;
	[tilespmem:$0x18400] =	vst v63  }
0x74: {  	v8 =	vld @!p0 [tilespmem:$0x180];
	_ =	sdelay $0x4  }
0x75: {  	v12 =	vshll.u32 @!p0 v8, $0x3  }
0x76: {  	v8 =	vand.u32 @!p0 $0x7, v8;
	v12 =	vand.u32 @!p0 $0xFFFFFFC0, v12  }
0x77: {  	v8 =	vor.u32 @!p0 v8, v12  }
0x78: {  	v9 =	vperm.xlane @!p0 v8, v9;
	_ =	sdelay $0x1  }
0x79: {  	v9 =	vadd.s32 @!p0 v11, v9;
	_ =	sdelay $0x3  }
0x7a: {  	s20 =	simm.s32 @!p0 $0x4380  }
0x7b: {  	[tilespmem:s20], [sflag:$0x1] =	stream.indirect_vreg.gather @!p0 [hbm4b:s3+s5], $0x80, v9, vm3, $0xb8;
	[tilespmem:$0x18400] =	vst v63  }
0x7c: {  	v8 =	vperm.xlane @!p0 v8, v10;
	s20 =	simm.s32 @!p0 $0x4B80  }
0x7d: {  	[tilespmem:s20], [sflag:$0x1] =	stream.indirect_vreg.gather @!p0 [hbm4b:s9+s5], $0x80, v9, vm3, $0xb8;
	[tilespmem:$0x18400] =	vst v63  }
0x7e: {  	v8 =	vadd.s32 @!p0 v11, v8;
	s20 =	simm.s32 @!p0 $0x5380  }
0x7f: {  	[tilespmem:s20], [sflag:$0x1] =	stream.indirect_vreg.gather @!p0 [hbm4b:s10+s5], $0x80, v9, vm3, $0xb8;
	[tilespmem:$0x18400] =	vst v63  }
0x80: {  	s20 =	simm.s32 @!p0 $0x5B80  }
0x81: {  	[tilespmem:s20], [sflag:$0x1] =	stream.indirect_vreg.gather @!p0 [hbm4b:s11+s5], $0x80, v9, vm3, $0xb8;
	[tilespmem:$0x18400] =	vst v63  }
0x82: {  	s20 =	simm.s32 @!p0 $0x6380  }
0x83: {  	[tilespmem:s20], [sflag:$0x1] =	stream.indirect_vreg.gather @!p0 [hbm4b:s3+s5], $0x80, v8, vm3, $0xb8;
	[tilespmem:$0x18400] =	vst v63  }
0x84: {  	s20 =	simm.s32 @!p0 $0x6B80  }
0x85: {  	[tilespmem:s20], [sflag:$0x1] =	stream.indirect_vreg.gather @!p0 [hbm4b:s9+s5], $0x80, v8, vm3, $0xb8;
	[tilespmem:$0x18400] =	vst v63  }
0x86: {  	s20 =	simm.s32 @!p0 $0x7380  }
0x87: {  	[tilespmem:s20], [sflag:$0x1] =	stream.indirect_vreg.gather @!p0 [hbm4b:s10+s5], $0x80, v8, vm3, $0xb8;
	[tilespmem:$0x18400] =	vst v63  }
0x88: {  	p1 =	seq.s32 @!p0 s28, $0x1;
	s20 =	simm.s32 @!p0 $0x7B80  }
0x89: {  	[tilespmem:s20], [sflag:$0x1] =	stream.indirect_vreg.gather @!p0 [hbm4b:s11+s5], $0x80, v8, vm3, $0xb8;
	[tilespmem:$0x18400] =	vst v63  }
0x8a: {  	p0 =	por p0, p1  }
.Ltmp3:
0x8b: {  	_ = 	snop;
	(pc) =	sbr.rel @p0 .LBB2_5-.Ltmp3, $1  }
0x8c: {  	_ =	sdelay $0x3  }
0x8d: {  	v8 =	vld [tilespmem:$0x190];
	_ =	sdelay $0x4  }
0x8e: {  	v9 =	vshll.u32 v8, $0x3  }
0x8f: {  	v8 =	vand.u32 $0x7, v8;
	v9 =	vand.u32 $0xFFFFFFC0, v9  }
0x90: {  	v62 =	vand.u32 $0x7, v2;
	v10 =	vshrl.u32 v2, $0x3;
	v8 =	vor.u32 v8, v9  }
0x91: {  	v10 =	vmul.u32 $0x8, v10;
	v11 =	vperm.xlane v8, v62;
	_ =	sdelay $0x1  }
0x92: {  	v11 =	vadd.s32 v10, v11;
	_ =	sdelay $0x3  }
0x93: {  	vm3 =	vmmov $0xffff;
	s5 =	simm.s32 $0x8380  }
0x94: {  	v12 =	vor.u32 $0x8, v2;
	[tilespmem:s5], [sflag:$0x2] =	stream.indirect_vreg.gather [hbm4b:s1+s4], $0x80, v11, vm3, $0xb8;
	[tilespmem:$0x18400] =	vst v63  }
0x95: {  	s22 =	simm.s32 $0x8B80;
	v8 =	vperm.xlane v8, v12  }
0x96: {  	[tilespmem:s22], [sflag:$0x2] =	stream.indirect_vreg.gather [hbm4b:s6+s4], $0x80, v11, vm3, $0xb8;
	[tilespmem:$0x18400] =	vst v63  }
0x97: {  	s23 =	simm.s32 $0x9380;
	v8 =	vadd.s32 v10, v8  }
0x98: {  	[tilespmem:s23], [sflag:$0x2] =	stream.indirect_vreg.gather [hbm4b:s7+s4], $0x80, v11, vm3, $0xb8;
	[tilespmem:$0x18400] =	vst v63  }
0x99: {  	s24 =	simm.s32 $0x9B80  }
0x9a: {  	[tilespmem:s24], [sflag:$0x2] =	stream.indirect_vreg.gather [hbm4b:s8+s4], $0x80, v11, vm3, $0xb8;
	[tilespmem:$0x18400] =	vst v63  }
0x9b: {  	s26 =	simm.s32 $0xA380  }
0x9c: {  	[tilespmem:s26], [sflag:$0x2] =	stream.indirect_vreg.gather [hbm4b:s1+s4], $0x80, v8, vm3, $0xb8;
	[tilespmem:$0x18400] =	vst v63  }
0x9d: {  	s29 =	simm.s32 $0xAB80  }
0x9e: {  	[tilespmem:s29], [sflag:$0x2] =	stream.indirect_vreg.gather [hbm4b:s6+s4], $0x80, v8, vm3, $0xb8;
	[tilespmem:$0x18400] =	vst v63  }
0x9f: {  	s30 =	simm.s32 $0xB380  }
0xa0: {  	[tilespmem:s30], [sflag:$0x2] =	stream.indirect_vreg.gather [hbm4b:s7+s4], $0x80, v8, vm3, $0xb8;
	[tilespmem:$0x18400] =	vst v63  }
0xa1: {  	s31 =	simm.s32 $0xBB80  }
0xa2: {  	[tilespmem:s31], [sflag:$0x2] =	stream.indirect_vreg.gather [hbm4b:s8+s4], $0x80, v8, vm3, $0xb8;
	[tilespmem:$0x18400] =	vst v63  }
0xa3: {  	v8 =	vld [tilespmem:$0x190];
	_ =	sdelay $0x4  }
0xa4: {  	v63 =	vshll.u32 v8, $0x3  }
0xa5: {  	v8 =	vand.u32 $0x7, v8;
	v11 =	vand.u32 $0xFFFFFFC0, v63  }
0xa6: {  	v8 =	vor.u32 v8, v11  }
0xa7: {  	v9 =	vperm.xlane v8, v62;
	_ =	sdelay $0x1  }
0xa8: {  	v9 =	vadd.s32 v10, v9;
	_ =	sdelay $0x3  }
0xa9: {  	s20 =	simm.s32 $0xC380  }
0xaa: {  	[tilespmem:s20], [sflag:$0x2] =	stream.indirect_vreg.gather [hbm4b:s3+s4], $0x80, v9, vm3, $0xb8;
	[tilespmem:$0x18400] =	vst v63  }
0xab: {  	s22 =	simm.s32 $0xCB80;
	v8 =	vperm.xlane v8, v12  }
0xac: {  	[tilespmem:s22], [sflag:$0x2] =	stream.indirect_vreg.gather [hbm4b:s9+s4], $0x80, v9, vm3, $0xb8;
	[tilespmem:$0x18400] =	vst v63  }
0xad: {  	s23 =	simm.s32 $0xD380;
	v8 =	vadd.s32 v10, v8  }
0xae: {  	[tilespmem:s23], [sflag:$0x2] =	stream.indirect_vreg.gather [hbm4b:s10+s4], $0x80, v9, vm3, $0xb8;
	[tilespmem:$0x18400] =	vst v63  }
0xaf: {  	s24 =	simm.s32 $0xDB80  }
0xb0: {  	[tilespmem:s24], [sflag:$0x2] =	stream.indirect_vreg.gather [hbm4b:s11+s4], $0x80, v9, vm3, $0xb8;
	[tilespmem:$0x18400] =	vst v63  }
0xb1: {  	s26 =	simm.s32 $0xE380  }
0xb2: {  	[tilespmem:s26], [sflag:$0x2] =	stream.indirect_vreg.gather [hbm4b:s3+s4], $0x80, v8, vm3, $0xb8;
	[tilespmem:$0x18400] =	vst v63  }
0xb3: {  	s29 =	simm.s32 $0xEB80  }
0xb4: {  	[tilespmem:s29], [sflag:$0x2] =	stream.indirect_vreg.gather [hbm4b:s9+s4], $0x80, v8, vm3, $0xb8;
	[tilespmem:$0x18400] =	vst v63  }
0xb5: {  	s30 =	simm.s32 $0xF380  }
0xb6: {  	[tilespmem:s30], [sflag:$0x2] =	stream.indirect_vreg.gather [hbm4b:s10+s4], $0x80, v8, vm3, $0xb8;
	[tilespmem:$0x18400] =	vst v63  }
0xb7: {  	p0 =	slt.u32 s28, $0x3;
	s31 =	simm.s32 $0xFB80  }
0xb8: {  	[tilespmem:s31], [sflag:$0x2] =	stream.indirect_vreg.gather [hbm4b:s11+s4], $0x80, v8, vm3, $0xb8;
	[tilespmem:$0x18400] =	vst v63  }
0xb9: {  	v8 =	vld @!p0 [tilespmem:$0x1A0];
	_ =	sdelay $0x4  }
0xba: {  	v9 =	vshll.u32 @!p0 v8, $0x3  }
0xbb: {  	v10 =	vlaneseq.u32 @!p0;
	v8 =	vand.u32 @!p0 $0x7, v8;
	v9 =	vand.u32 @!p0 $0xFFFFFFC0, v9  }
0xbc: {  	v11 =	vshrl.u32 @!p0 v10, $0x3;
	v8 =	vor.u32 @!p0 v8, v9;
	v9 =	vand.u32 @!p0 $0x7, v10  }
0xbd: {  	v11 =	vmul.u32 @!p0 $0x8, v11;
	v12 =	vperm.xlane @!p0 v8, v9;
	_ =	sdelay $0x1  }
0xbe: {  	v12 =	vadd.s32 @!p0 v11, v12;
	_ =	sdelay $0x3  }
0xbf: {  	s5 =	simm.s32 @!p0 $0x0;
	s20 =	simm.s32 @!p0 $0x10380;
	vm3 =	vmmov @!p0 $0xffff  }
0xc0: {  	v10 =	vor.u32 @!p0 $0x8, v10;
	[tilespmem:s20], [sflag:$0x3] =	stream.indirect_vreg.gather @!p0 [hbm4b:s1+s5], $0x80, v12, vm3, $0xb8;
	[tilespmem:$0x18400] =	vst v63  }
0xc1: {  	v8 =	vperm.xlane @!p0 v8, v10;
	s20 =	simm.s32 @!p0 $0x10B80  }
0xc2: {  	[tilespmem:s20], [sflag:$0x3] =	stream.indirect_vreg.gather @!p0 [hbm4b:s6+s5], $0x80, v12, vm3, $0xb8;
	[tilespmem:$0x18400] =	vst v63  }
0xc3: {  	v8 =	vadd.s32 @!p0 v11, v8;
	s20 =	simm.s32 @!p0 $0x11380  }
0xc4: {  	[tilespmem:s20], [sflag:$0x3] =	stream.indirect_vreg.gather @!p0 [hbm4b:s7+s5], $0x80, v12, vm3, $0xb8;
	[tilespmem:$0x18400] =	vst v63  }
0xc5: {  	s20 =	simm.s32 @!p0 $0x11B80  }
0xc6: {  	[tilespmem:s20], [sflag:$0x3] =	stream.indirect_vreg.gather @!p0 [hbm4b:s8+s5], $0x80, v12, vm3, $0xb8;
	[tilespmem:$0x18400] =	vst v63  }
0xc7: {  	s20 =	simm.s32 @!p0 $0x12380  }
0xc8: {  	[tilespmem:s20], [sflag:$0x3] =	stream.indirect_vreg.gather @!p0 [hbm4b:s1+s5], $0x80, v8, vm3, $0xb8;
	[tilespmem:$0x18400] =	vst v63  }
0xc9: {  	s20 =	simm.s32 @!p0 $0x12B80  }
0xca: {  	[tilespmem:s20], [sflag:$0x3] =	stream.indirect_vreg.gather @!p0 [hbm4b:s6+s5], $0x80, v8, vm3, $0xb8;
	[tilespmem:$0x18400] =	vst v63  }
0xcb: {  	s20 =	simm.s32 @!p0 $0x13380  }
0xcc: {  	[tilespmem:s20], [sflag:$0x3] =	stream.indirect_vreg.gather @!p0 [hbm4b:s7+s5], $0x80, v8, vm3, $0xb8;
	[tilespmem:$0x18400] =	vst v63  }
0xcd: {  	s20 =	simm.s32 @!p0 $0x13B80  }
0xce: {  	[tilespmem:s20], [sflag:$0x3] =	stream.indirect_vreg.gather @!p0 [hbm4b:s8+s5], $0x80, v8, vm3, $0xb8;
	[tilespmem:$0x18400] =	vst v63  }
0xcf: {  	v8 =	vld @!p0 [tilespmem:$0x1A0];
	_ =	sdelay $0x4  }
0xd0: {  	v12 =	vshll.u32 @!p0 v8, $0x3  }
0xd1: {  	v8 =	vand.u32 @!p0 $0x7, v8;
	v12 =	vand.u32 @!p0 $0xFFFFFFC0, v12  }
0xd2: {  	v8 =	vor.u32 @!p0 v8, v12  }
0xd3: {  	v9 =	vperm.xlane @!p0 v8, v9;
	_ =	sdelay $0x1  }
0xd4: {  	v9 =	vadd.s32 @!p0 v11, v9;
	_ =	sdelay $0x3  }
0xd5: {  	s20 =	simm.s32 @!p0 $0x14380  }
0xd6: {  	[tilespmem:s20], [sflag:$0x3] =	stream.indirect_vreg.gather @!p0 [hbm4b:s3+s5], $0x80, v9, vm3, $0xb8;
	[tilespmem:$0x18400] =	vst v63  }
0xd7: {  	v8 =	vperm.xlane @!p0 v8, v10;
	s20 =	simm.s32 @!p0 $0x14B80  }
0xd8: {  	[tilespmem:s20], [sflag:$0x3] =	stream.indirect_vreg.gather @!p0 [hbm4b:s9+s5], $0x80, v9, vm3, $0xb8;
	[tilespmem:$0x18400] =	vst v63  }
0xd9: {  	v8 =	vadd.s32 @!p0 v11, v8;
	s20 =	simm.s32 @!p0 $0x15380  }
0xda: {  	[tilespmem:s20], [sflag:$0x3] =	stream.indirect_vreg.gather @!p0 [hbm4b:s10+s5], $0x80, v9, vm3, $0xb8;
	[tilespmem:$0x18400] =	vst v63  }
0xdb: {  	s20 =	simm.s32 @!p0 $0x15B80  }
0xdc: {  	[tilespmem:s20], [sflag:$0x3] =	stream.indirect_vreg.gather @!p0 [hbm4b:s11+s5], $0x80, v9, vm3, $0xb8;
	[tilespmem:$0x18400] =	vst v63  }
0xdd: {  	s20 =	simm.s32 @!p0 $0x16380  }
0xde: {  	[tilespmem:s20], [sflag:$0x3] =	stream.indirect_vreg.gather @!p0 [hbm4b:s3+s5], $0x80, v8, vm3, $0xb8;
	[tilespmem:$0x18400] =	vst v63  }
0xdf: {  	s20 =	simm.s32 @!p0 $0x16B80  }
0xe0: {  	[tilespmem:s20], [sflag:$0x3] =	stream.indirect_vreg.gather @!p0 [hbm4b:s9+s5], $0x80, v8, vm3, $0xb8;
	[tilespmem:$0x18400] =	vst v63  }
0xe1: {  	s20 =	simm.s32 @!p0 $0x17380  }
0xe2: {  	[tilespmem:s20], [sflag:$0x3] =	stream.indirect_vreg.gather @!p0 [hbm4b:s10+s5], $0x80, v8, vm3, $0xb8;
	[tilespmem:$0x18400] =	vst v63  }
0xe3: {  	s20 =	simm.s32 @!p0 $0x17B80  }
0xe4: {  	[tilespmem:s20], [sflag:$0x3] =	stream.indirect_vreg.gather @!p0 [hbm4b:s11+s5], $0x80, v8, vm3, $0xb8;
	[tilespmem:$0x18400] =	vst v63  }
.LBB2_5:
0xe5: {  	s5 =	sadd.s32 $0x2, s28  }
0xe6: {  	s20 =	smulhi.u32 $0x55555556, s5;
	s5 =	sshra.s32 s5, $0x1F  }
0xe7: {  	s5 =	smul.u32 $0x55555556, s5;
	_ =	sdelay $0x1  }
0xe8: {  	s5 =	sadd.s32 s5, s20  }
0xe9: {  	s20 =	sshrl.u32 s5, $0x1F  }
0xea: {  	s5 =	sadd.s32 s20, s5  }
0xeb: {  	s20 =	smul.u32 $0xFFFFFFFD, s5  }
0xec: {  	s22 =	ssub.s32 $0xFFFFFFFE, s28  }
0xed: {  	p0 =	slt.s32 s28, $0xFFFFFFFF;
	p1 =	sne.s32 s20, s22  }
0xee: {  	p0 =	por !p0, !p1  }
0xef: {  	s20 =	simm.s32 $0x1;
	p0 =	por !p0, !p0  }
0xf0: {  	s20 =	simm.s32 @!p0 $0x0  }
0xf1: {  	s29 =	ssub.s32 s5, s20  }
0xf2: {  	p0 =	slt.s32 s29, $0x1  }
.Ltmp4:
0xf3: {  	_ = 	snop;
	(pc) =	sbr.rel @p0 .LBB2_32-.Ltmp4, $1  }
0xf4: {  	_ =	sdelay $0x3  }
.Ltmp5:
0xf5: {  	(pc) =	sbr.rel .LBB2_7-.Ltmp5, $3  }
0xf6: {  	_ =	sdelay $0x1  }
0xf7: {  	s2 =	sadd.s32 s2, s21;
	s26 =	smov.u32 s0  }
0xf8: {  	s30 =	sadd.s32 $0xFFFFFFF0, s2;
	s31 =	sadd.s32 $0xFFFFFFE0, s2;
	s2 =	simm.s32 $0x0  }
.LBB2_25:
0xf9: {  	v16 =	vimm.f32 $0.0e+00  }
.LBB2_30:
0xfa: {  	v8 =	vld [tilespmem:$0x18380];
	_ =	sdelay $0x4  }
0xfb: {  	v8 =	vadd.f32 v8, v16  }
0xfc: {  	s5 =	sadd.s32 $0x5, s21  }
0xfd: {  	p0 =	sge.s32 s5, s28;
	v8 =	vadd.f32 v8, v15  }
0xfe: {  	s5 =	sshll.u32 @!p0 s5, $0x6  }
0xff: {  	s5 =	sshra.s32 @!p0 s5, $0x2;
	[tilespmem:$0x18380] =	vst v8  }
0x100: {  	v8 =	vld @!p0 [tilespmem:s5+$0x180];
	_ =	sdelay $0x4  }
0x101: {  	v9 =	vshll.u32 @!p0 v8, $0x3  }
0x102: {  	v10 =	vlaneseq.u32 @!p0;
	v8 =	vand.u32 @!p0 $0x7, v8;
	v9 =	vand.u32 @!p0 $0xFFFFFFC0, v9  }
0x103: {  	v11 =	vshrl.u32 @!p0 v10, $0x3;
	v8 =	vor.u32 @!p0 v8, v9;
	v9 =	vand.u32 @!p0 $0x7, v10  }
0x104: {  	v11 =	vmul.u32 @!p0 $0x8, v11;
	v12 =	vperm.xlane @!p0 v8, v9;
	_ =	sdelay $0x1  }
0x105: {  	v12 =	vadd.s32 @!p0 v11, v12;
	_ =	sdelay $0x3  }
0x106: {  	vm3 =	vmmov @!p0 $0xffff;
	s20 =	simm.s32 @!p0 $0x0;
	s21 =	simm.s32 @!p0 $0x10380  }
0x107: {  	v10 =	vor.u32 @!p0 $0x8, v10;
	[tilespmem:s21], [sflag:$0x3] =	stream.indirect_vreg.gather @!p0 [hbm4b:s1+s20], $0x80, v12, vm3, $0xb8;
	[tilespmem:$0x18400] =	vst v63  }
0x108: {  	v8 =	vperm.xlane @!p0 v8, v10;
	s21 =	simm.s32 @!p0 $0x10B80  }
0x109: {  	[tilespmem:s21], [sflag:$0x3] =	stream.indirect_vreg.gather @!p0 [hbm4b:s6+s20], $0x80, v12, vm3, $0xb8;
	[tilespmem:$0x18400] =	vst v63  }
0x10a: {  	v8 =	vadd.s32 @!p0 v11, v8;
	s21 =	simm.s32 @!p0 $0x11380  }
0x10b: {  	[tilespmem:s21], [sflag:$0x3] =	stream.indirect_vreg.gather @!p0 [hbm4b:s7+s20], $0x80, v12, vm3, $0xb8;
	[tilespmem:$0x18400] =	vst v63  }
0x10c: {  	s21 =	simm.s32 @!p0 $0x11B80  }
0x10d: {  	[tilespmem:s21], [sflag:$0x3] =	stream.indirect_vreg.gather @!p0 [hbm4b:s8+s20], $0x80, v12, vm3, $0xb8;
	[tilespmem:$0x18400] =	vst v63  }
0x10e: {  	s21 =	simm.s32 @!p0 $0x12380  }
0x10f: {  	[tilespmem:s21], [sflag:$0x3] =	stream.indirect_vreg.gather @!p0 [hbm4b:s1+s20], $0x80, v8, vm3, $0xb8;
	[tilespmem:$0x18400] =	vst v63  }
0x110: {  	s21 =	simm.s32 @!p0 $0x12B80  }
0x111: {  	[tilespmem:s21], [sflag:$0x3] =	stream.indirect_vreg.gather @!p0 [hbm4b:s6+s20], $0x80, v8, vm3, $0xb8;
	[tilespmem:$0x18400] =	vst v63  }
0x112: {  	s21 =	simm.s32 @!p0 $0x13380  }
0x113: {  	[tilespmem:s21], [sflag:$0x3] =	stream.indirect_vreg.gather @!p0 [hbm4b:s7+s20], $0x80, v8, vm3, $0xb8;
	[tilespmem:$0x18400] =	vst v63  }
0x114: {  	s21 =	simm.s32 @!p0 $0x13B80  }
0x115: {  	[tilespmem:s21], [sflag:$0x3] =	stream.indirect_vreg.gather @!p0 [hbm4b:s8+s20], $0x80, v8, vm3, $0xb8;
	[tilespmem:$0x18400] =	vst v63  }
0x116: {  	v8 =	vld @!p0 [tilespmem:s5+$0x180];
	_ =	sdelay $0x4  }
0x117: {  	v12 =	vshll.u32 @!p0 v8, $0x3  }
0x118: {  	v8 =	vand.u32 @!p0 $0x7, v8;
	v12 =	vand.u32 @!p0 $0xFFFFFFC0, v12  }
0x119: {  	v8 =	vor.u32 @!p0 v8, v12  }
0x11a: {  	v9 =	vperm.xlane @!p0 v8, v9;
	_ =	sdelay $0x1  }
0x11b: {  	v9 =	vadd.s32 @!p0 v11, v9;
	_ =	sdelay $0x3  }
0x11c: {  	s5 =	simm.s32 @!p0 $0x14380  }
0x11d: {  	[tilespmem:s5], [sflag:$0x3] =	stream.indirect_vreg.gather @!p0 [hbm4b:s3+s20], $0x80, v9, vm3, $0xb8;
	[tilespmem:$0x18400] =	vst v63  }
0x11e: {  	v8 =	vperm.xlane @!p0 v8, v10;
	s5 =	simm.s32 @!p0 $0x14B80  }
0x11f: {  	[tilespmem:s5], [sflag:$0x3] =	stream.indirect_vreg.gather @!p0 [hbm4b:s9+s20], $0x80, v9, vm3, $0xb8;
	[tilespmem:$0x18400] =	vst v63  }
0x120: {  	v8 =	vadd.s32 @!p0 v11, v8;
	s5 =	simm.s32 @!p0 $0x15380  }
0x121: {  	[tilespmem:s5], [sflag:$0x3] =	stream.indirect_vreg.gather @!p0 [hbm4b:s10+s20], $0x80, v9, vm3, $0xb8;
	[tilespmem:$0x18400] =	vst v63  }
0x122: {  	s5 =	simm.s32 @!p0 $0x15B80  }
0x123: {  	[tilespmem:s5], [sflag:$0x3] =	stream.indirect_vreg.gather @!p0 [hbm4b:s11+s20], $0x80, v9, vm3, $0xb8;
	[tilespmem:$0x18400] =	vst v63  }
0x124: {  	s5 =	simm.s32 @!p0 $0x16380  }
0x125: {  	[tilespmem:s5], [sflag:$0x3] =	stream.indirect_vreg.gather @!p0 [hbm4b:s3+s20], $0x80, v8, vm3, $0xb8;
	[tilespmem:$0x18400] =	vst v63  }
0x126: {  	s5 =	simm.s32 @!p0 $0x16B80  }
0x127: {  	[tilespmem:s5], [sflag:$0x3] =	stream.indirect_vreg.gather @!p0 [hbm4b:s9+s20], $0x80, v8, vm3, $0xb8;
	[tilespmem:$0x18400] =	vst v63  }
0x128: {  	s5 =	simm.s32 @!p0 $0x17380  }
0x129: {  	[tilespmem:s5], [sflag:$0x3] =	stream.indirect_vreg.gather @!p0 [hbm4b:s10+s20], $0x80, v8, vm3, $0xb8;
	[tilespmem:$0x18400] =	vst v63  }
0x12a: {  	s5 =	simm.s32 @!p0 $0x17B80  }
0x12b: {  	[tilespmem:s5], [sflag:$0x3] =	stream.indirect_vreg.gather @!p0 [hbm4b:s11+s20], $0x80, v8, vm3, $0xb8;
	[tilespmem:$0x18400] =	vst v63  }
.LBB2_31:
0x12c: {  	s2 =	sadd.s32 $0x1, s2  }
0x12d: {  	p0 =	sne.s32 s2, s29  }
.Ltmp6:
0x12e: {  	_ = 	snop;
	(pc) =	sbr.rel @!p0 .LBB2_32-.Ltmp6, $2  }
0x12f: {  	_ =	sdelay $0x2  }
0x130: {  	s26 =	sadd.s32 $0xFFFFFFD0, s26;
	s30 =	sadd.s32 $0xFFFFFFD0, s30;
	s31 =	sadd.s32 $0xFFFFFFD0, s31  }
.LBB2_7:
0x131: {  	s21 =	smul.u32 $0x3, s2;
	_ =	sdelay $0x1  }
0x132: {  	p0 =	sge.s32 s21, s28  }
.Ltmp7:
0x133: {  	_ = 	snop;
	(pc) =	sbr.rel @p0 .LBB2_15-.Ltmp7, $1  }
0x134: {  	_ =	sdelay $0x3  }
0x135: {  	s5 =	smul.u32 $0xFFFFFFD0, s2;
	_ =	sdelay $0x1  }
0x136: {  	s5 =	sadd.s32 s0, s5  }
0x137: {  	_ =	swait.ge [sflag:s17], $0x4000;
	p0 =	slt.s32 s5, $0x1  }
.Ltmp8:
0x138: {  	[sflag:s17] =	ssyncset.done $0x0;
	(pc) =	sbr.rel @p0 .LBB2_9-.Ltmp8, $4  }
0x139: {  	[sflag:s17] =	ssyncadd.s32 $0xFFFFC000  }
0x13a: {  	_ =	swait.ge [sflag:s17], $0x4000  }
0x13b: {  	[sflag:s17] =	ssyncset.done $0x0  }
0x13c: {  	v15 =	vimm.f32 $0.0e+00;
	[sflag:s17] =	ssyncadd.s32 $0xFFFFC000  }
0x13d: {  	p0 =	sgt.s32 s26, $0x1;
	s5 =	smov.u32 s26  }
0x13e: {  	s5 =	simm.s32 @!p0 $0x1  }
0x13f: {  	s23 =	simm.s32 $0x0;
	v16 =	vimm.f32 $0.0e+00;
	s24 =	simm.s32 $0x0;
	s22 =	smin.u32 s5, $0x10  }
.LBB2_11:
0x140: {  	s5 =	sshll.u32 s24, $0xC;
	s20 =	sand.u32 $0x7, s23  }
0x141: {  	s5 =	sand.u32 $0xFFFF8000, s5;
	s20 =	sshll.u32 s20, $0x9  }
0x142: {  	s5 =	sor.u32 s20, s5  }
0x143: {  	s5 =	sshrl.u32 s5, $0x2  }
0x144: {  	s20 =	sadd.s32 $0x43C0, s5  }
0x145: {  	s5 =	sadd.s32 $0x3F0, s5;
	v9 =	vmov s20  }
0x146: {  	v8 =	vmov s5;
	_ =	sdelay $0x2  }
0x147: {  	s5 =	simm.s32 $0x0  }
0x148: {  	v17 =	vld.idx.msk [tilespmem:v9+s5+$0x20 ss:$0x1], $0xffff  }
0x149: {  	v18 =	vld.idx.msk [tilespmem:v8+s5+$0xFFFFFFF0 ss:$0x1], $0xffff  }
0x14a: {  	v13 =	vld.idx.msk [tilespmem:v9+s5+$0x0 ss:$0x1], $0xffff  }
0x14b: {  	v19 =	vld.idx.msk [tilespmem:v8+s5+$0xFFFFFFD0 ss:$0x1], $0xffff  }
0x14c: {  	v20 =	vld.idx.msk [tilespmem:v9+s5+$0x10 ss:$0x1], $0xffff  }
0x14d: {  	v12 =	vld.idx.msk [tilespmem:v9+s5+$0xFFFFFFE0 ss:$0x1], $0xffff  }
0x14e: {  	v14 =	vld.idx.msk [tilespmem:v8+s5+$0xFFFFFFB0 ss:$0x1], $0xffff  }
0x14f: {  	v11 =	vld.idx.msk [tilespmem:v9+s5+$0xFFFFFFC0 ss:$0x1], $0xffff  }
0x150: {  	v21 =	vld.idx.msk [tilespmem:v8+s5+$0xFFFFFF90 ss:$0x1], $0xffff  }
0x151: {  	v22 =	vld.idx.msk [tilespmem:v9+s5+$0xFFFFFFD0 ss:$0x1], $0xffff  }
0x152: {  	v23 =	vld.idx.msk [tilespmem:v8+s5+$0xFFFFFFA0 ss:$0x1], $0xffff  }
0x153: {  	v24 =	vld.idx.msk [tilespmem:v9+s5+$0xFFFFFFF0 ss:$0x1], $0xffff  }
0x154: {  	v25 =	vld.idx.msk [tilespmem:v8+s5+$0xFFFFFFC0 ss:$0x1], $0xffff  }
0x155: {  	v26 =	vld.idx.msk [tilespmem:v8+s5+$0xFFFFFFE0 ss:$0x1], $0xffff  }
0x156: {  	v27 =	vld.idx.msk [tilespmem:v9+s5+$0x30 ss:$0x1], $0xffff  }
0x157: {  	s20 =	simm.s32 $0x400;
	v28 =	vld.idx.msk [tilespmem:v8+s5+$0x0 ss:$0x1], $0xffff  }
0x158: {  	v10 =	vld.idx.msk [tilespmem:v9+s20+$0x20 ss:$0x1], $0xffff;
	v21 =	vsub.f32 v11, v21;
	v22 =	vsub.f32 v22, v23  }
0x159: {  	v11 =	vld.idx.msk [tilespmem:v8+s20+$0xFFFFFFF0 ss:$0x1], $0xffff;
	v23 =	vsub.f32 v12, v14;
	v24 =	vsub.f32 v24, v25  }
0x15a: {  	v14 =	vld.idx.msk [tilespmem:v9+s20+$0x0 ss:$0x1], $0xffff;
	v19 =	vsub.f32 v13, v19;
	v21 =	vmul.f32 v21, v21;
	v22 =	vmul.f32 v22, v22  }
0x15b: {  	v12 =	vld.idx.msk [tilespmem:v8+s20+$0xFFFFFFD0 ss:$0x1], $0xffff;
	v20 =	vsub.f32 v20, v26;
	v18 =	vsub.f32 v17, v18;
	v23 =	vmul.f32 v23, v23  }
0x15c: {  	v13 =	vld.idx.msk [tilespmem:v9+s20+$0x10 ss:$0x1], $0xffff;
	v24 =	vmul.f32 v24, v24;
	v21 =	vadd.f32 v21, v16;
	v22 =	vadd.f32 v22, v15  }
0x15d: {  	v62 =	vsub.f32 v27, v28;
	v17 =	vld.idx.msk [tilespmem:v9+s20+$0xFFFFFFC0 ss:$0x1], $0xffff;
	v19 =	vmul.f32 v19, v19;
	v63 =	vmul.f32 v20, v20  }
0x15e: {  	v20 =	vmul.f32 v18, v18;
	v18 =	vld.idx.msk [tilespmem:v8+s20+$0xFFFFFF90 ss:$0x1], $0xffff;
	v21 =	vadd.f32 v23, v21;
	v22 =	vadd.f32 v24, v22  }
0x15f: {  	v15 =	vld.idx.msk [tilespmem:v9+s20+$0xFFFFFFE0 ss:$0x1], $0xffff  }
0x160: {  	v16 =	vld.idx.msk [tilespmem:v8+s20+$0xFFFFFFB0 ss:$0x1], $0xffff;
	v23 =	vadd.f32 v19, v21;
	v21 =	vadd.f32 v63, v22;
	v22 =	vmul.f32 v62, v62  }
0x161: {  	s5 =	simm.s32 $0x2000;
	v19 =	vld.idx.msk [tilespmem:v9+s20+$0xFFFFFFD0 ss:$0x1], $0xffff  }
.LBB2_12:
0x162: {  	p0 =	sne.s32 s5, $0x7000;
	v24 =	vld.idx.msk [tilespmem:v8+s20+$0xFFFFFFA0 ss:$0x1], $0xffff;
	v20 =	vadd.f32 v20, v23;
	v21 =	vadd.f32 v22, v21  }
0x163: {  	v22 =	vld.idx.msk [tilespmem:v9+s20+$0xFFFFFFF0 ss:$0x1], $0xffff  }
0x164: {  	v23 =	vld.idx.msk [tilespmem:v8+s20+$0xFFFFFFC0 ss:$0x1], $0xffff  }
0x165: {  	v25 =	vld.idx.msk [tilespmem:v8+s20+$0xFFFFFFE0 ss:$0x1], $0xffff  }
0x166: {  	v26 =	vld.idx.msk [tilespmem:v9+s20+$0x30 ss:$0x1], $0xffff  }
0x167: {  	v27 =	vld.idx.msk [tilespmem:v8+s20+$0x0 ss:$0x1], $0xffff;
	s20 =	sshra.s32 s5, $0x2  }
0x168: {  	v17 =	vsub.f32 v17, v18;
	v18 =	vsub.f32 v19, v24;
	v28 =	vld.idx.msk [tilespmem:v9+s20+$0x20 ss:$0x1], $0xffff  }
0x169: {  	v15 =	vsub.f32 v15, v16;
	v19 =	vld.idx.msk [tilespmem:v8+s20+$0xFFFFFFF0 ss:$0x1], $0xffff  }
0x16a: {  	v16 =	vmul.f32 v17, v17;
	v17 =	vmul.f32 v18, v18;
	v18 =	vsub.f32 v22, v23;
	v24 =	vld.idx.msk [tilespmem:v9+s20+$0x0 ss:$0x1], $0xffff  }
0x16b: {  	v14 =	vsub.f32 v14, v12;
	v22 =	vmul.f32 v15, v15;
	v23 =	vsub.f32 v13, v25;
	v12 =	vld.idx.msk [tilespmem:v8+s20+$0xFFFFFFD0 ss:$0x1], $0xffff  }
0x16c: {  	v20 =	vadd.f32 v16, v20;
	v17 =	vadd.f32 v17, v21;
	v18 =	vmul.f32 v18, v18;
	v13 =	vld.idx.msk [tilespmem:v9+s20+$0x10 ss:$0x1], $0xffff  }
.Ltmp9:
0x16d: {  	v29 =	vsub.f32 v10, v11;
	v14 =	vmul.f32 v14, v14;
	v25 =	vsub.f32 v26, v27;
	v15 =	vld.idx.msk [tilespmem:v9+s20+$0xFFFFFFE0 ss:$0x1], $0xffff;
	(pc) =	sbr.rel @p0 .LBB2_12-.Ltmp9, $4  }
0x16e: {  	v21 =	vadd.f32 v22, v20;
	v26 =	vmul.f32 v23, v23;
	v22 =	vadd.f32 v18, v17;
	v16 =	vld.idx.msk [tilespmem:v8+s20+$0xFFFFFFB0 ss:$0x1], $0xffff  }
0x16f: {  	v20 =	vmul.f32 v29, v29;
	v10 =	vmov v28;
	v11 =	vmov v19;
	v17 =	vld.idx.msk [tilespmem:v9+s20+$0xFFFFFFC0 ss:$0x1], $0xffff  }
0x170: {  	v23 =	vadd.f32 v14, v21;
	v21 =	vadd.f32 v26, v22;
	v22 =	vmul.f32 v25, v25;
	v18 =	vld.idx.msk [tilespmem:v8+s20+$0xFFFFFF90 ss:$0x1], $0xffff  }
0x171: {  	s5 =	sadd.s32 $0x1000, s5;
	v14 =	vmov v24;
	v19 =	vld.idx.msk [tilespmem:v9+s20+$0xFFFFFFD0 ss:$0x1], $0xffff  }
0x172: {  	_ =	sdelay $0x3  }
0x173: {  	v24 =	vld.idx.msk [tilespmem:v8+s20+$0xFFFFFFA0 ss:$0x1], $0xffff  }
0x174: {  	v25 =	vld.idx.msk [tilespmem:v9+s20+$0xFFFFFFF0 ss:$0x1], $0xffff  }
0x175: {  	v26 =	vld.idx.msk [tilespmem:v8+s20+$0xFFFFFFC0 ss:$0x1], $0xffff  }
0x176: {  	v27 =	vld.idx.msk [tilespmem:v8+s20+$0xFFFFFFE0 ss:$0x1], $0xffff  }
0x177: {  	v20 =	vadd.f32 v20, v23;
	v61 =	vld.idx.msk [tilespmem:v9+s20+$0x30 ss:$0x1], $0xffff  }
0x178: {  	v8 =	vld.idx.msk [tilespmem:v8+s20+$0x0 ss:$0x1], $0xffff;
	v17 =	vsub.f32 v17, v18;
	v18 =	vsub.f32 v19, v24  }
0x179: {  	v15 =	vsub.f32 v15, v16;
	v19 =	vadd.f32 v22, v21  }
0x17a: {  	v16 =	vmul.f32 v17, v17;
	v17 =	vmul.f32 v18, v18;
	v18 =	vsub.f32 v25, v26  }
0x17b: {  	v12 =	vsub.f32 v14, v12;
	v15 =	vmul.f32 v15, v15;
	v13 =	vsub.f32 v13, v27  }
0x17c: {  	s24 =	sadd.s32 $0x1, s24;
	v14 =	vadd.f32 v16, v20;
	v16 =	vadd.f32 v17, v19;
	v17 =	vmul.f32 v18, v18  }
0x17d: {  	v10 =	vsub.f32 v10, v11;
	p0 =	sne.s32 s24, s22;
	v12 =	vmul.f32 v12, v12;
	v8 =	vsub.f32 v61, v8  }
.Ltmp10:
0x17e: {  	v13 =	vmul.f32 v13, v13;
	v62 =	vadd.f32 v15, v14;
	v63 =	vadd.f32 v17, v16;
	(pc) =	sbr.rel @p0 .LBB2_11-.Ltmp10, $4  }
.Ltmp11:
0x17f: {  	v10 =	vmul.f32 v10, v10;
	(pc) =	sbr.rel @!p0 .LBB2_14-.Ltmp11, $4  }
0x180: {  	v8 =	vmul.f32 v8, v8;
	v9 =	vadd.f32 v12, v62;
	v11 =	vadd.f32 v13, v63  }
0x181: {  	_ = 	snop  }
0x182: {  	s23 =	sadd.s32 $0x1, s23;
	v16 =	vadd.f32 v10, v9;
	v15 =	vadd.f32 v8, v11  }
0x183: {  	_ = 	snop  }
.LBB2_9:
0x184: {  	v16 =	vimm.f32 $0.0e+00  }
.LBB2_14:
0x185: {  	v8 =	vld [tilespmem:$0x18380];
	_ =	sdelay $0x4  }
0x186: {  	v8 =	vadd.f32 v8, v16  }
0x187: {  	s5 =	sadd.s32 $0x3, s21  }
0x188: {  	p0 =	sge.s32 s5, s28;
	v8 =	vadd.f32 v8, v15  }
0x189: {  	s5 =	sshll.u32 @!p0 s5, $0x6  }
0x18a: {  	s5 =	sshra.s32 @!p0 s5, $0x2;
	[tilespmem:$0x18380] =	vst v8  }
0x18b: {  	v8 =	vld @!p0 [tilespmem:s5+$0x180];
	_ =	sdelay $0x4  }
0x18c: {  	v9 =	vshll.u32 @!p0 v8, $0x3  }
0x18d: {  	v10 =	vlaneseq.u32 @!p0;
	v8 =	vand.u32 @!p0 $0x7, v8;
	v9 =	vand.u32 @!p0 $0xFFFFFFC0, v9  }
0x18e: {  	v11 =	vshrl.u32 @!p0 v10, $0x3;
	v8 =	vor.u32 @!p0 v8, v9;
	v9 =	vand.u32 @!p0 $0x7, v10  }
0x18f: {  	v11 =	vmul.u32 @!p0 $0x8, v11;
	v12 =	vperm.xlane @!p0 v8, v9;
	_ =	sdelay $0x1  }
0x190: {  	v12 =	vadd.s32 @!p0 v11, v12;
	_ =	sdelay $0x3  }
0x191: {  	vm3 =	vmmov @!p0 $0xffff;
	s20 =	simm.s32 @!p0 $0x0;
	s22 =	simm.s32 @!p0 $0x380  }
0x192: {  	v10 =	vor.u32 @!p0 $0x8, v10;
	[tilespmem:s22], [sflag:$0x1] =	stream.indirect_vreg.gather @!p0 [hbm4b:s1+s20], $0x80, v12, vm3, $0xb8;
	[tilespmem:$0x18400] =	vst v63  }
0x193: {  	v8 =	vperm.xlane @!p0 v8, v10;
	s22 =	simm.s32 @!p0 $0xB80  }
0x194: {  	[tilespmem:s22], [sflag:$0x1] =	stream.indirect_vreg.gather @!p0 [hbm4b:s6+s20], $0x80, v12, vm3, $0xb8;
	[tilespmem:$0x18400] =	vst v63  }
0x195: {  	v8 =	vadd.s32 @!p0 v11, v8;
	s22 =	simm.s32 @!p0 $0x1380  }
0x196: {  	[tilespmem:s22], [sflag:$0x1] =	stream.indirect_vreg.gather @!p0 [hbm4b:s7+s20], $0x80, v12, vm3, $0xb8;
	[tilespmem:$0x18400] =	vst v63  }
0x197: {  	s22 =	simm.s32 @!p0 $0x1B80  }
0x198: {  	[tilespmem:s22], [sflag:$0x1] =	stream.indirect_vreg.gather @!p0 [hbm4b:s8+s20], $0x80, v12, vm3, $0xb8;
	[tilespmem:$0x18400] =	vst v63  }
0x199: {  	s22 =	simm.s32 @!p0 $0x2380  }
0x19a: {  	[tilespmem:s22], [sflag:$0x1] =	stream.indirect_vreg.gather @!p0 [hbm4b:s1+s20], $0x80, v8, vm3, $0xb8;
	[tilespmem:$0x18400] =	vst v63  }
0x19b: {  	s22 =	simm.s32 @!p0 $0x2B80  }
0x19c: {  	[tilespmem:s22], [sflag:$0x1] =	stream.indirect_vreg.gather @!p0 [hbm4b:s6+s20], $0x80, v8, vm3, $0xb8;
	[tilespmem:$0x18400] =	vst v63  }
0x19d: {  	s22 =	simm.s32 @!p0 $0x3380  }
0x19e: {  	[tilespmem:s22], [sflag:$0x1] =	stream.indirect_vreg.gather @!p0 [hbm4b:s7+s20], $0x80, v8, vm3, $0xb8;
	[tilespmem:$0x18400] =	vst v63  }
0x19f: {  	s22 =	simm.s32 @!p0 $0x3B80  }
0x1a0: {  	[tilespmem:s22], [sflag:$0x1] =	stream.indirect_vreg.gather @!p0 [hbm4b:s8+s20], $0x80, v8, vm3, $0xb8;
	[tilespmem:$0x18400] =	vst v63  }
0x1a1: {  	v8 =	vld @!p0 [tilespmem:s5+$0x180];
	_ =	sdelay $0x4  }
0x1a2: {  	v12 =	vshll.u32 @!p0 v8, $0x3  }
0x1a3: {  	v8 =	vand.u32 @!p0 $0x7, v8;
	v12 =	vand.u32 @!p0 $0xFFFFFFC0, v12  }
0x1a4: {  	v8 =	vor.u32 @!p0 v8, v12  }
0x1a5: {  	v9 =	vperm.xlane @!p0 v8, v9;
	_ =	sdelay $0x1  }
0x1a6: {  	v9 =	vadd.s32 @!p0 v11, v9;
	_ =	sdelay $0x3  }
0x1a7: {  	s5 =	simm.s32 @!p0 $0x4380  }
0x1a8: {  	[tilespmem:s5], [sflag:$0x1] =	stream.indirect_vreg.gather @!p0 [hbm4b:s3+s20], $0x80, v9, vm3, $0xb8;
	[tilespmem:$0x18400] =	vst v63  }
0x1a9: {  	v8 =	vperm.xlane @!p0 v8, v10;
	s5 =	simm.s32 @!p0 $0x4B80  }
0x1aa: {  	[tilespmem:s5], [sflag:$0x1] =	stream.indirect_vreg.gather @!p0 [hbm4b:s9+s20], $0x80, v9, vm3, $0xb8;
	[tilespmem:$0x18400] =	vst v63  }
0x1ab: {  	v8 =	vadd.s32 @!p0 v11, v8;
	s5 =	simm.s32 @!p0 $0x5380  }
0x1ac: {  	[tilespmem:s5], [sflag:$0x1] =	stream.indirect_vreg.gather @!p0 [hbm4b:s10+s20], $0x80, v9, vm3, $0xb8;
	[tilespmem:$0x18400] =	vst v63  }
0x1ad: {  	s5 =	simm.s32 @!p0 $0x5B80  }
0x1ae: {  	[tilespmem:s5], [sflag:$0x1] =	stream.indirect_vreg.gather @!p0 [hbm4b:s11+s20], $0x80, v9, vm3, $0xb8;
	[tilespmem:$0x18400] =	vst v63  }
0x1af: {  	s5 =	simm.s32 @!p0 $0x6380  }
0x1b0: {  	[tilespmem:s5], [sflag:$0x1] =	stream.indirect_vreg.gather @!p0 [hbm4b:s3+s20], $0x80, v8, vm3, $0xb8;
	[tilespmem:$0x18400] =	vst v63  }
0x1b1: {  	s5 =	simm.s32 @!p0 $0x6B80  }
0x1b2: {  	[tilespmem:s5], [sflag:$0x1] =	stream.indirect_vreg.gather @!p0 [hbm4b:s9+s20], $0x80, v8, vm3, $0xb8;
	[tilespmem:$0x18400] =	vst v63  }
0x1b3: {  	s5 =	simm.s32 @!p0 $0x7380  }
0x1b4: {  	[tilespmem:s5], [sflag:$0x1] =	stream.indirect_vreg.gather @!p0 [hbm4b:s10+s20], $0x80, v8, vm3, $0xb8;
	[tilespmem:$0x18400] =	vst v63  }
0x1b5: {  	s5 =	simm.s32 @!p0 $0x7B80  }
0x1b6: {  	[tilespmem:s5], [sflag:$0x1] =	stream.indirect_vreg.gather @!p0 [hbm4b:s11+s20], $0x80, v8, vm3, $0xb8;
	[tilespmem:$0x18400] =	vst v63  }
.LBB2_15:
0x1b7: {  	s5 =	sadd.s32 $0x1, s21  }
0x1b8: {  	p0 =	sge.s32 s5, s28  }
.Ltmp12:
0x1b9: {  	_ = 	snop;
	(pc) =	sbr.rel @p0 .LBB2_23-.Ltmp12, $1  }
0x1ba: {  	_ =	sdelay $0x3  }
0x1bb: {  	s5 =	sshll.u32 s5, $0x4  }
0x1bc: {  	s5 =	ssub.s32 s0, s5  }
0x1bd: {  	_ =	swait.ge [sflag:s18], $0x4000;
	p0 =	slt.s32 s5, $0x1  }
.Ltmp13:
0x1be: {  	[sflag:s18] =	ssyncset.done $0x0;
	(pc) =	sbr.rel @p0 .LBB2_17-.Ltmp13, $4  }
0x1bf: {  	[sflag:s18] =	ssyncadd.s32 $0xFFFFC000  }
0x1c0: {  	_ =	swait.ge [sflag:s18], $0x4000  }
0x1c1: {  	[sflag:s18] =	ssyncset.done $0x0  }
0x1c2: {  	v15 =	vimm.f32 $0.0e+00;
	[sflag:s18] =	ssyncadd.s32 $0xFFFFC000  }
0x1c3: {  	p0 =	sgt.s32 s30, $0x1;
	s5 =	smov.u32 s30  }
0x1c4: {  	s5 =	simm.s32 @!p0 $0x1  }
0x1c5: {  	s23 =	simm.s32 $0x0;
	v16 =	vimm.f32 $0.0e+00;
	s24 =	simm.s32 $0x0;
	s22 =	smin.u32 s5, $0x10  }
.LBB2_19:
0x1c6: {  	s5 =	sshll.u32 s24, $0xC;
	s20 =	sand.u32 $0x7, s23  }
0x1c7: {  	s5 =	sand.u32 $0xFFFF8000, s5;
	s20 =	sshll.u32 s20, $0x9  }
0x1c8: {  	s5 =	sor.u32 s20, s5  }
0x1c9: {  	s5 =	sshrl.u32 s5, $0x2  }
0x1ca: {  	s20 =	sadd.s32 $0xC3C0, s5  }
0x1cb: {  	s5 =	sadd.s32 $0x83F0, s5;
	v9 =	vmov s20  }
0x1cc: {  	v8 =	vmov s5;
	_ =	sdelay $0x2  }
0x1cd: {  	s5 =	simm.s32 $0x0  }
0x1ce: {  	v17 =	vld.idx.msk [tilespmem:v9+s5+$0x20 ss:$0x1], $0xffff  }
0x1cf: {  	v18 =	vld.idx.msk [tilespmem:v8+s5+$0xFFFFFFF0 ss:$0x1], $0xffff  }
0x1d0: {  	v13 =	vld.idx.msk [tilespmem:v9+s5+$0x0 ss:$0x1], $0xffff  }
0x1d1: {  	v19 =	vld.idx.msk [tilespmem:v8+s5+$0xFFFFFFD0 ss:$0x1], $0xffff  }
0x1d2: {  	v20 =	vld.idx.msk [tilespmem:v9+s5+$0x10 ss:$0x1], $0xffff  }
0x1d3: {  	v12 =	vld.idx.msk [tilespmem:v9+s5+$0xFFFFFFE0 ss:$0x1], $0xffff  }
0x1d4: {  	v14 =	vld.idx.msk [tilespmem:v8+s5+$0xFFFFFFB0 ss:$0x1], $0xffff  }
0x1d5: {  	v11 =	vld.idx.msk [tilespmem:v9+s5+$0xFFFFFFC0 ss:$0x1], $0xffff  }
0x1d6: {  	v21 =	vld.idx.msk [tilespmem:v8+s5+$0xFFFFFF90 ss:$0x1], $0xffff  }
0x1d7: {  	v22 =	vld.idx.msk [tilespmem:v9+s5+$0xFFFFFFD0 ss:$0x1], $0xffff  }
0x1d8: {  	v23 =	vld.idx.msk [tilespmem:v8+s5+$0xFFFFFFA0 ss:$0x1], $0xffff  }
0x1d9: {  	v24 =	vld.idx.msk [tilespmem:v9+s5+$0xFFFFFFF0 ss:$0x1], $0xffff  }
0x1da: {  	v25 =	vld.idx.msk [tilespmem:v8+s5+$0xFFFFFFC0 ss:$0x1], $0xffff  }
0x1db: {  	v26 =	vld.idx.msk [tilespmem:v8+s5+$0xFFFFFFE0 ss:$0x1], $0xffff  }
0x1dc: {  	v27 =	vld.idx.msk [tilespmem:v9+s5+$0x30 ss:$0x1], $0xffff  }
0x1dd: {  	s20 =	simm.s32 $0x400;
	v28 =	vld.idx.msk [tilespmem:v8+s5+$0x0 ss:$0x1], $0xffff  }
0x1de: {  	v10 =	vld.idx.msk [tilespmem:v9+s20+$0x20 ss:$0x1], $0xffff;
	v21 =	vsub.f32 v11, v21;
	v22 =	vsub.f32 v22, v23  }
0x1df: {  	v11 =	vld.idx.msk [tilespmem:v8+s20+$0xFFFFFFF0 ss:$0x1], $0xffff;
	v23 =	vsub.f32 v12, v14;
	v24 =	vsub.f32 v24, v25  }
0x1e0: {  	v14 =	vld.idx.msk [tilespmem:v9+s20+$0x0 ss:$0x1], $0xffff;
	v19 =	vsub.f32 v13, v19;
	v21 =	vmul.f32 v21, v21;
	v22 =	vmul.f32 v22, v22  }
0x1e1: {  	v12 =	vld.idx.msk [tilespmem:v8+s20+$0xFFFFFFD0 ss:$0x1], $0xffff;
	v20 =	vsub.f32 v20, v26;
	v18 =	vsub.f32 v17, v18;
	v23 =	vmul.f32 v23, v23  }
0x1e2: {  	v13 =	vld.idx.msk [tilespmem:v9+s20+$0x10 ss:$0x1], $0xffff;
	v24 =	vmul.f32 v24, v24;
	v21 =	vadd.f32 v21, v16;
	v22 =	vadd.f32 v22, v15  }
0x1e3: {  	v62 =	vsub.f32 v27, v28;
	v17 =	vld.idx.msk [tilespmem:v9+s20+$0xFFFFFFC0 ss:$0x1], $0xffff;
	v19 =	vmul.f32 v19, v19;
	v63 =	vmul.f32 v20, v20  }
0x1e4: {  	v20 =	vmul.f32 v18, v18;
	v18 =	vld.idx.msk [tilespmem:v8+s20+$0xFFFFFF90 ss:$0x1], $0xffff;
	v21 =	vadd.f32 v23, v21;
	v22 =	vadd.f32 v24, v22  }
0x1e5: {  	v15 =	vld.idx.msk [tilespmem:v9+s20+$0xFFFFFFE0 ss:$0x1], $0xffff  }
0x1e6: {  	v16 =	vld.idx.msk [tilespmem:v8+s20+$0xFFFFFFB0 ss:$0x1], $0xffff;
	v23 =	vadd.f32 v19, v21;
	v21 =	vadd.f32 v63, v22;
	v22 =	vmul.f32 v62, v62  }
0x1e7: {  	s5 =	simm.s32 $0x2000;
	v19 =	vld.idx.msk [tilespmem:v9+s20+$0xFFFFFFD0 ss:$0x1], $0xffff  }
.LBB2_20:
0x1e8: {  	p0 =	sne.s32 s5, $0x7000;
	v24 =	vld.idx.msk [tilespmem:v8+s20+$0xFFFFFFA0 ss:$0x1], $0xffff;
	v20 =	vadd.f32 v20, v23;
	v21 =	vadd.f32 v22, v21  }
0x1e9: {  	v22 =	vld.idx.msk [tilespmem:v9+s20+$0xFFFFFFF0 ss:$0x1], $0xffff  }
0x1ea: {  	v23 =	vld.idx.msk [tilespmem:v8+s20+$0xFFFFFFC0 ss:$0x1], $0xffff  }
0x1eb: {  	v25 =	vld.idx.msk [tilespmem:v8+s20+$0xFFFFFFE0 ss:$0x1], $0xffff  }
0x1ec: {  	v26 =	vld.idx.msk [tilespmem:v9+s20+$0x30 ss:$0x1], $0xffff  }
0x1ed: {  	v27 =	vld.idx.msk [tilespmem:v8+s20+$0x0 ss:$0x1], $0xffff;
	s20 =	sshra.s32 s5, $0x2  }
0x1ee: {  	v17 =	vsub.f32 v17, v18;
	v18 =	vsub.f32 v19, v24;
	v28 =	vld.idx.msk [tilespmem:v9+s20+$0x20 ss:$0x1], $0xffff  }
0x1ef: {  	v15 =	vsub.f32 v15, v16;
	v19 =	vld.idx.msk [tilespmem:v8+s20+$0xFFFFFFF0 ss:$0x1], $0xffff  }
0x1f0: {  	v16 =	vmul.f32 v17, v17;
	v17 =	vmul.f32 v18, v18;
	v18 =	vsub.f32 v22, v23;
	v24 =	vld.idx.msk [tilespmem:v9+s20+$0x0 ss:$0x1], $0xffff  }
0x1f1: {  	v14 =	vsub.f32 v14, v12;
	v22 =	vmul.f32 v15, v15;
	v23 =	vsub.f32 v13, v25;
	v12 =	vld.idx.msk [tilespmem:v8+s20+$0xFFFFFFD0 ss:$0x1], $0xffff  }
0x1f2: {  	v20 =	vadd.f32 v16, v20;
	v17 =	vadd.f32 v17, v21;
	v18 =	vmul.f32 v18, v18;
	v13 =	vld.idx.msk [tilespmem:v9+s20+$0x10 ss:$0x1], $0xffff  }
.Ltmp14:
0x1f3: {  	v29 =	vsub.f32 v10, v11;
	v14 =	vmul.f32 v14, v14;
	v25 =	vsub.f32 v26, v27;
	v15 =	vld.idx.msk [tilespmem:v9+s20+$0xFFFFFFE0 ss:$0x1], $0xffff;
	(pc) =	sbr.rel @p0 .LBB2_20-.Ltmp14, $4  }
0x1f4: {  	v21 =	vadd.f32 v22, v20;
	v26 =	vmul.f32 v23, v23;
	v22 =	vadd.f32 v18, v17;
	v16 =	vld.idx.msk [tilespmem:v8+s20+$0xFFFFFFB0 ss:$0x1], $0xffff  }
0x1f5: {  	v20 =	vmul.f32 v29, v29;
	v10 =	vmov v28;
	v11 =	vmov v19;
	v17 =	vld.idx.msk [tilespmem:v9+s20+$0xFFFFFFC0 ss:$0x1], $0xffff  }
0x1f6: {  	v23 =	vadd.f32 v14, v21;
	v21 =	vadd.f32 v26, v22;
	v22 =	vmul.f32 v25, v25;
	v18 =	vld.idx.msk [tilespmem:v8+s20+$0xFFFFFF90 ss:$0x1], $0xffff  }
0x1f7: {  	s5 =	sadd.s32 $0x1000, s5;
	v14 =	vmov v24;
	v19 =	vld.idx.msk [tilespmem:v9+s20+$0xFFFFFFD0 ss:$0x1], $0xffff  }
0x1f8: {  	_ =	sdelay $0x3  }
0x1f9: {  	v24 =	vld.idx.msk [tilespmem:v8+s20+$0xFFFFFFA0 ss:$0x1], $0xffff  }
0x1fa: {  	v25 =	vld.idx.msk [tilespmem:v9+s20+$0xFFFFFFF0 ss:$0x1], $0xffff  }
0x1fb: {  	v26 =	vld.idx.msk [tilespmem:v8+s20+$0xFFFFFFC0 ss:$0x1], $0xffff  }
0x1fc: {  	v27 =	vld.idx.msk [tilespmem:v8+s20+$0xFFFFFFE0 ss:$0x1], $0xffff  }
0x1fd: {  	v20 =	vadd.f32 v20, v23;
	v61 =	vld.idx.msk [tilespmem:v9+s20+$0x30 ss:$0x1], $0xffff  }
0x1fe: {  	v8 =	vld.idx.msk [tilespmem:v8+s20+$0x0 ss:$0x1], $0xffff;
	v17 =	vsub.f32 v17, v18;
	v18 =	vsub.f32 v19, v24  }
0x1ff: {  	v15 =	vsub.f32 v15, v16;
	v19 =	vadd.f32 v22, v21  }
0x200: {  	v16 =	vmul.f32 v17, v17;
	v17 =	vmul.f32 v18, v18;
	v18 =	vsub.f32 v25, v26  }
0x201: {  	v12 =	vsub.f32 v14, v12;
	v15 =	vmul.f32 v15, v15;
	v13 =	vsub.f32 v13, v27  }
0x202: {  	s24 =	sadd.s32 $0x1, s24;
	v14 =	vadd.f32 v16, v20;
	v16 =	vadd.f32 v17, v19;
	v17 =	vmul.f32 v18, v18  }
0x203: {  	v10 =	vsub.f32 v10, v11;
	p0 =	sne.s32 s24, s22;
	v12 =	vmul.f32 v12, v12;
	v8 =	vsub.f32 v61, v8  }
.Ltmp15:
0x204: {  	v13 =	vmul.f32 v13, v13;
	v62 =	vadd.f32 v15, v14;
	v63 =	vadd.f32 v17, v16;
	(pc) =	sbr.rel @p0 .LBB2_19-.Ltmp15, $4  }
.Ltmp16:
0x205: {  	v10 =	vmul.f32 v10, v10;
	(pc) =	sbr.rel @!p0 .LBB2_22-.Ltmp16, $4  }
0x206: {  	v8 =	vmul.f32 v8, v8;
	v9 =	vadd.f32 v12, v62;
	v11 =	vadd.f32 v13, v63  }
0x207: {  	_ = 	snop  }
0x208: {  	s23 =	sadd.s32 $0x1, s23;
	v16 =	vadd.f32 v10, v9;
	v15 =	vadd.f32 v8, v11  }
0x209: {  	_ = 	snop  }
.LBB2_17:
0x20a: {  	v16 =	vimm.f32 $0.0e+00  }
.LBB2_22:
0x20b: {  	v8 =	vld [tilespmem:$0x18380];
	_ =	sdelay $0x4  }
0x20c: {  	v8 =	vadd.f32 v8, v16  }
0x20d: {  	s5 =	sadd.s32 $0x4, s21  }
0x20e: {  	p0 =	sge.s32 s5, s28;
	v8 =	vadd.f32 v8, v15  }
0x20f: {  	s5 =	sshll.u32 @!p0 s5, $0x6  }
0x210: {  	s5 =	sshra.s32 @!p0 s5, $0x2;
	[tilespmem:$0x18380] =	vst v8  }
0x211: {  	v8 =	vld @!p0 [tilespmem:s5+$0x180];
	_ =	sdelay $0x4  }
0x212: {  	v9 =	vshll.u32 @!p0 v8, $0x3  }
0x213: {  	v10 =	vlaneseq.u32 @!p0;
	v8 =	vand.u32 @!p0 $0x7, v8;
	v9 =	vand.u32 @!p0 $0xFFFFFFC0, v9  }
0x214: {  	v11 =	vshrl.u32 @!p0 v10, $0x3;
	v8 =	vor.u32 @!p0 v8, v9;
	v9 =	vand.u32 @!p0 $0x7, v10  }
0x215: {  	v11 =	vmul.u32 @!p0 $0x8, v11;
	v12 =	vperm.xlane @!p0 v8, v9;
	_ =	sdelay $0x1  }
0x216: {  	v12 =	vadd.s32 @!p0 v11, v12;
	_ =	sdelay $0x3  }
0x217: {  	vm3 =	vmmov @!p0 $0xffff;
	s20 =	simm.s32 @!p0 $0x0;
	s22 =	simm.s32 @!p0 $0x8380  }
0x218: {  	v10 =	vor.u32 @!p0 $0x8, v10;
	[tilespmem:s22], [sflag:$0x2] =	stream.indirect_vreg.gather @!p0 [hbm4b:s1+s20], $0x80, v12, vm3, $0xb8;
	[tilespmem:$0x18400] =	vst v63  }
0x219: {  	v8 =	vperm.xlane @!p0 v8, v10;
	s22 =	simm.s32 @!p0 $0x8B80  }
0x21a: {  	[tilespmem:s22], [sflag:$0x2] =	stream.indirect_vreg.gather @!p0 [hbm4b:s6+s20], $0x80, v12, vm3, $0xb8;
	[tilespmem:$0x18400] =	vst v63  }
0x21b: {  	v8 =	vadd.s32 @!p0 v11, v8;
	s22 =	simm.s32 @!p0 $0x9380  }
0x21c: {  	[tilespmem:s22], [sflag:$0x2] =	stream.indirect_vreg.gather @!p0 [hbm4b:s7+s20], $0x80, v12, vm3, $0xb8;
	[tilespmem:$0x18400] =	vst v63  }
0x21d: {  	s22 =	simm.s32 @!p0 $0x9B80  }
0x21e: {  	[tilespmem:s22], [sflag:$0x2] =	stream.indirect_vreg.gather @!p0 [hbm4b:s8+s20], $0x80, v12, vm3, $0xb8;
	[tilespmem:$0x18400] =	vst v63  }
0x21f: {  	s22 =	simm.s32 @!p0 $0xA380  }
0x220: {  	[tilespmem:s22], [sflag:$0x2] =	stream.indirect_vreg.gather @!p0 [hbm4b:s1+s20], $0x80, v8, vm3, $0xb8;
	[tilespmem:$0x18400] =	vst v63  }
0x221: {  	s22 =	simm.s32 @!p0 $0xAB80  }
0x222: {  	[tilespmem:s22], [sflag:$0x2] =	stream.indirect_vreg.gather @!p0 [hbm4b:s6+s20], $0x80, v8, vm3, $0xb8;
	[tilespmem:$0x18400] =	vst v63  }
0x223: {  	s22 =	simm.s32 @!p0 $0xB380  }
0x224: {  	[tilespmem:s22], [sflag:$0x2] =	stream.indirect_vreg.gather @!p0 [hbm4b:s7+s20], $0x80, v8, vm3, $0xb8;
	[tilespmem:$0x18400] =	vst v63  }
0x225: {  	s22 =	simm.s32 @!p0 $0xBB80  }
0x226: {  	[tilespmem:s22], [sflag:$0x2] =	stream.indirect_vreg.gather @!p0 [hbm4b:s8+s20], $0x80, v8, vm3, $0xb8;
	[tilespmem:$0x18400] =	vst v63  }
0x227: {  	v8 =	vld @!p0 [tilespmem:s5+$0x180];
	_ =	sdelay $0x4  }
0x228: {  	v12 =	vshll.u32 @!p0 v8, $0x3  }
0x229: {  	v8 =	vand.u32 @!p0 $0x7, v8;
	v12 =	vand.u32 @!p0 $0xFFFFFFC0, v12  }
0x22a: {  	v8 =	vor.u32 @!p0 v8, v12  }
0x22b: {  	v9 =	vperm.xlane @!p0 v8, v9;
	_ =	sdelay $0x1  }
0x22c: {  	v9 =	vadd.s32 @!p0 v11, v9;
	_ =	sdelay $0x3  }
0x22d: {  	s5 =	simm.s32 @!p0 $0xC380  }
0x22e: {  	[tilespmem:s5], [sflag:$0x2] =	stream.indirect_vreg.gather @!p0 [hbm4b:s3+s20], $0x80, v9, vm3, $0xb8;
	[tilespmem:$0x18400] =	vst v63  }
0x22f: {  	v8 =	vperm.xlane @!p0 v8, v10;
	s5 =	simm.s32 @!p0 $0xCB80  }
0x230: {  	[tilespmem:s5], [sflag:$0x2] =	stream.indirect_vreg.gather @!p0 [hbm4b:s9+s20], $0x80, v9, vm3, $0xb8;
	[tilespmem:$0x18400] =	vst v63  }
0x231: {  	v8 =	vadd.s32 @!p0 v11, v8;
	s5 =	simm.s32 @!p0 $0xD380  }
0x232: {  	[tilespmem:s5], [sflag:$0x2] =	stream.indirect_vreg.gather @!p0 [hbm4b:s10+s20], $0x80, v9, vm3, $0xb8;
	[tilespmem:$0x18400] =	vst v63  }
0x233: {  	s5 =	simm.s32 @!p0 $0xDB80  }
0x234: {  	[tilespmem:s5], [sflag:$0x2] =	stream.indirect_vreg.gather @!p0 [hbm4b:s11+s20], $0x80, v9, vm3, $0xb8;
	[tilespmem:$0x18400] =	vst v63  }
0x235: {  	s5 =	simm.s32 @!p0 $0xE380  }
0x236: {  	[tilespmem:s5], [sflag:$0x2] =	stream.indirect_vreg.gather @!p0 [hbm4b:s3+s20], $0x80, v8, vm3, $0xb8;
	[tilespmem:$0x18400] =	vst v63  }
0x237: {  	s5 =	simm.s32 @!p0 $0xEB80  }
0x238: {  	[tilespmem:s5], [sflag:$0x2] =	stream.indirect_vreg.gather @!p0 [hbm4b:s9+s20], $0x80, v8, vm3, $0xb8;
	[tilespmem:$0x18400] =	vst v63  }
0x239: {  	s5 =	simm.s32 @!p0 $0xF380  }
0x23a: {  	[tilespmem:s5], [sflag:$0x2] =	stream.indirect_vreg.gather @!p0 [hbm4b:s10+s20], $0x80, v8, vm3, $0xb8;
	[tilespmem:$0x18400] =	vst v63  }
0x23b: {  	s5 =	simm.s32 @!p0 $0xFB80  }
0x23c: {  	[tilespmem:s5], [sflag:$0x2] =	stream.indirect_vreg.gather @!p0 [hbm4b:s11+s20], $0x80, v8, vm3, $0xb8;
	[tilespmem:$0x18400] =	vst v63  }
.LBB2_23:
0x23d: {  	s5 =	sadd.s32 $0x2, s21  }
0x23e: {  	p0 =	sge.s32 s5, s28  }
.Ltmp17:
0x23f: {  	_ = 	snop;
	(pc) =	sbr.rel @p0 .LBB2_31-.Ltmp17, $1  }
0x240: {  	_ =	sdelay $0x3  }
0x241: {  	s5 =	sshll.u32 s5, $0x4  }
0x242: {  	s5 =	ssub.s32 s0, s5  }
0x243: {  	_ =	swait.ge [sflag:s19], $0x4000;
	p0 =	slt.s32 s5, $0x1  }
.Ltmp18:
0x244: {  	[sflag:s19] =	ssyncset.done $0x0;
	(pc) =	sbr.rel @p0 .LBB2_25-.Ltmp18, $4  }
0x245: {  	[sflag:s19] =	ssyncadd.s32 $0xFFFFC000  }
0x246: {  	_ =	swait.ge [sflag:s19], $0x4000  }
0x247: {  	[sflag:s19] =	ssyncset.done $0x0  }
0x248: {  	v15 =	vimm.f32 $0.0e+00;
	[sflag:s19] =	ssyncadd.s32 $0xFFFFC000  }
0x249: {  	p0 =	sgt.s32 s31, $0x1;
	s5 =	smov.u32 s31  }
0x24a: {  	s5 =	simm.s32 @!p0 $0x1  }
0x24b: {  	s23 =	simm.s32 $0x0;
	v16 =	vimm.f32 $0.0e+00;
	s24 =	simm.s32 $0x0;
	s22 =	smin.u32 s5, $0x10  }
.LBB2_27:
0x24c: {  	s5 =	sshll.u32 s24, $0xC;
	s20 =	sand.u32 $0x7, s23  }
0x24d: {  	s5 =	sand.u32 $0xFFFF8000, s5;
	s20 =	sshll.u32 s20, $0x9  }
0x24e: {  	s5 =	sor.u32 s20, s5  }
0x24f: {  	s5 =	sshrl.u32 s5, $0x2  }
0x250: {  	s20 =	sadd.s32 $0x143C0, s5  }
0x251: {  	s5 =	sadd.s32 $0x103F0, s5;
	v9 =	vmov s20  }
0x252: {  	v8 =	vmov s5;
	_ =	sdelay $0x2  }
0x253: {  	s5 =	simm.s32 $0x0  }
0x254: {  	v17 =	vld.idx.msk [tilespmem:v9+s5+$0x20 ss:$0x1], $0xffff  }
0x255: {  	v18 =	vld.idx.msk [tilespmem:v8+s5+$0xFFFFFFF0 ss:$0x1], $0xffff  }
0x256: {  	v13 =	vld.idx.msk [tilespmem:v9+s5+$0x0 ss:$0x1], $0xffff  }
0x257: {  	v19 =	vld.idx.msk [tilespmem:v8+s5+$0xFFFFFFD0 ss:$0x1], $0xffff  }
0x258: {  	v20 =	vld.idx.msk [tilespmem:v9+s5+$0x10 ss:$0x1], $0xffff  }
0x259: {  	v12 =	vld.idx.msk [tilespmem:v9+s5+$0xFFFFFFE0 ss:$0x1], $0xffff  }
0x25a: {  	v14 =	vld.idx.msk [tilespmem:v8+s5+$0xFFFFFFB0 ss:$0x1], $0xffff  }
0x25b: {  	v11 =	vld.idx.msk [tilespmem:v9+s5+$0xFFFFFFC0 ss:$0x1], $0xffff  }
0x25c: {  	v21 =	vld.idx.msk [tilespmem:v8+s5+$0xFFFFFF90 ss:$0x1], $0xffff  }
0x25d: {  	v22 =	vld.idx.msk [tilespmem:v9+s5+$0xFFFFFFD0 ss:$0x1], $0xffff  }
0x25e: {  	v23 =	vld.idx.msk [tilespmem:v8+s5+$0xFFFFFFA0 ss:$0x1], $0xffff  }
0x25f: {  	v24 =	vld.idx.msk [tilespmem:v9+s5+$0xFFFFFFF0 ss:$0x1], $0xffff  }
0x260: {  	v25 =	vld.idx.msk [tilespmem:v8+s5+$0xFFFFFFC0 ss:$0x1], $0xffff  }
0x261: {  	v26 =	vld.idx.msk [tilespmem:v8+s5+$0xFFFFFFE0 ss:$0x1], $0xffff  }
0x262: {  	v27 =	vld.idx.msk [tilespmem:v9+s5+$0x30 ss:$0x1], $0xffff  }
0x263: {  	s20 =	simm.s32 $0x400;
	v28 =	vld.idx.msk [tilespmem:v8+s5+$0x0 ss:$0x1], $0xffff  }
0x264: {  	v10 =	vld.idx.msk [tilespmem:v9+s20+$0x20 ss:$0x1], $0xffff;
	v21 =	vsub.f32 v11, v21;
	v22 =	vsub.f32 v22, v23  }
0x265: {  	v11 =	vld.idx.msk [tilespmem:v8+s20+$0xFFFFFFF0 ss:$0x1], $0xffff;
	v23 =	vsub.f32 v12, v14;
	v24 =	vsub.f32 v24, v25  }
0x266: {  	v14 =	vld.idx.msk [tilespmem:v9+s20+$0x0 ss:$0x1], $0xffff;
	v19 =	vsub.f32 v13, v19;
	v21 =	vmul.f32 v21, v21;
	v22 =	vmul.f32 v22, v22  }
0x267: {  	v12 =	vld.idx.msk [tilespmem:v8+s20+$0xFFFFFFD0 ss:$0x1], $0xffff;
	v20 =	vsub.f32 v20, v26;
	v18 =	vsub.f32 v17, v18;
	v23 =	vmul.f32 v23, v23  }
0x268: {  	v13 =	vld.idx.msk [tilespmem:v9+s20+$0x10 ss:$0x1], $0xffff;
	v24 =	vmul.f32 v24, v24;
	v21 =	vadd.f32 v21, v16;
	v22 =	vadd.f32 v22, v15  }
0x269: {  	v62 =	vsub.f32 v27, v28;
	v17 =	vld.idx.msk [tilespmem:v9+s20+$0xFFFFFFC0 ss:$0x1], $0xffff;
	v19 =	vmul.f32 v19, v19;
	v63 =	vmul.f32 v20, v20  }
0x26a: {  	v20 =	vmul.f32 v18, v18;
	v18 =	vld.idx.msk [tilespmem:v8+s20+$0xFFFFFF90 ss:$0x1], $0xffff;
	v21 =	vadd.f32 v23, v21;
	v22 =	vadd.f32 v24, v22  }
0x26b: {  	v15 =	vld.idx.msk [tilespmem:v9+s20+$0xFFFFFFE0 ss:$0x1], $0xffff  }
0x26c: {  	v16 =	vld.idx.msk [tilespmem:v8+s20+$0xFFFFFFB0 ss:$0x1], $0xffff;
	v23 =	vadd.f32 v19, v21;
	v21 =	vadd.f32 v63, v22;
	v22 =	vmul.f32 v62, v62  }
0x26d: {  	s5 =	simm.s32 $0x2000;
	v19 =	vld.idx.msk [tilespmem:v9+s20+$0xFFFFFFD0 ss:$0x1], $0xffff  }
.LBB2_28:
0x26e: {  	p0 =	sne.s32 s5, $0x7000;
	v24 =	vld.idx.msk [tilespmem:v8+s20+$0xFFFFFFA0 ss:$0x1], $0xffff;
	v20 =	vadd.f32 v20, v23;
	v21 =	vadd.f32 v22, v21  }
0x26f: {  	v22 =	vld.idx.msk [tilespmem:v9+s20+$0xFFFFFFF0 ss:$0x1], $0xffff  }
0x270: {  	v23 =	vld.idx.msk [tilespmem:v8+s20+$0xFFFFFFC0 ss:$0x1], $0xffff  }
0x271: {  	v25 =	vld.idx.msk [tilespmem:v8+s20+$0xFFFFFFE0 ss:$0x1], $0xffff  }
0x272: {  	v26 =	vld.idx.msk [tilespmem:v9+s20+$0x30 ss:$0x1], $0xffff  }
0x273: {  	v27 =	vld.idx.msk [tilespmem:v8+s20+$0x0 ss:$0x1], $0xffff;
	s20 =	sshra.s32 s5, $0x2  }
0x274: {  	v17 =	vsub.f32 v17, v18;
	v18 =	vsub.f32 v19, v24;
	v28 =	vld.idx.msk [tilespmem:v9+s20+$0x20 ss:$0x1], $0xffff  }
0x275: {  	v15 =	vsub.f32 v15, v16;
	v19 =	vld.idx.msk [tilespmem:v8+s20+$0xFFFFFFF0 ss:$0x1], $0xffff  }
0x276: {  	v16 =	vmul.f32 v17, v17;
	v17 =	vmul.f32 v18, v18;
	v18 =	vsub.f32 v22, v23;
	v24 =	vld.idx.msk [tilespmem:v9+s20+$0x0 ss:$0x1], $0xffff  }
0x277: {  	v14 =	vsub.f32 v14, v12;
	v22 =	vmul.f32 v15, v15;
	v23 =	vsub.f32 v13, v25;
	v12 =	vld.idx.msk [tilespmem:v8+s20+$0xFFFFFFD0 ss:$0x1], $0xffff  }
0x278: {  	v20 =	vadd.f32 v16, v20;
	v17 =	vadd.f32 v17, v21;
	v18 =	vmul.f32 v18, v18;
	v13 =	vld.idx.msk [tilespmem:v9+s20+$0x10 ss:$0x1], $0xffff  }
.Ltmp19:
0x279: {  	v29 =	vsub.f32 v10, v11;
	v14 =	vmul.f32 v14, v14;
	v25 =	vsub.f32 v26, v27;
	v15 =	vld.idx.msk [tilespmem:v9+s20+$0xFFFFFFE0 ss:$0x1], $0xffff;
	(pc) =	sbr.rel @p0 .LBB2_28-.Ltmp19, $4  }
0x27a: {  	v21 =	vadd.f32 v22, v20;
	v26 =	vmul.f32 v23, v23;
	v22 =	vadd.f32 v18, v17;
	v16 =	vld.idx.msk [tilespmem:v8+s20+$0xFFFFFFB0 ss:$0x1], $0xffff  }
0x27b: {  	v20 =	vmul.f32 v29, v29;
	v10 =	vmov v28;
	v11 =	vmov v19;
	v17 =	vld.idx.msk [tilespmem:v9+s20+$0xFFFFFFC0 ss:$0x1], $0xffff  }
0x27c: {  	v23 =	vadd.f32 v14, v21;
	v21 =	vadd.f32 v26, v22;
	v22 =	vmul.f32 v25, v25;
	v18 =	vld.idx.msk [tilespmem:v8+s20+$0xFFFFFF90 ss:$0x1], $0xffff  }
0x27d: {  	s5 =	sadd.s32 $0x1000, s5;
	v14 =	vmov v24;
	v19 =	vld.idx.msk [tilespmem:v9+s20+$0xFFFFFFD0 ss:$0x1], $0xffff  }
0x27e: {  	_ =	sdelay $0x3  }
0x27f: {  	v24 =	vld.idx.msk [tilespmem:v8+s20+$0xFFFFFFA0 ss:$0x1], $0xffff  }
0x280: {  	v25 =	vld.idx.msk [tilespmem:v9+s20+$0xFFFFFFF0 ss:$0x1], $0xffff  }
0x281: {  	v26 =	vld.idx.msk [tilespmem:v8+s20+$0xFFFFFFC0 ss:$0x1], $0xffff  }
0x282: {  	v27 =	vld.idx.msk [tilespmem:v8+s20+$0xFFFFFFE0 ss:$0x1], $0xffff  }
0x283: {  	v20 =	vadd.f32 v20, v23;
	v61 =	vld.idx.msk [tilespmem:v9+s20+$0x30 ss:$0x1], $0xffff  }
0x284: {  	v8 =	vld.idx.msk [tilespmem:v8+s20+$0x0 ss:$0x1], $0xffff;
	v17 =	vsub.f32 v17, v18;
	v18 =	vsub.f32 v19, v24  }
0x285: {  	v15 =	vsub.f32 v15, v16;
	v19 =	vadd.f32 v22, v21  }
0x286: {  	v16 =	vmul.f32 v17, v17;
	v17 =	vmul.f32 v18, v18;
	v18 =	vsub.f32 v25, v26  }
0x287: {  	v12 =	vsub.f32 v14, v12;
	v15 =	vmul.f32 v15, v15;
	v13 =	vsub.f32 v13, v27  }
0x288: {  	s24 =	sadd.s32 $0x1, s24;
	v14 =	vadd.f32 v16, v20;
	v16 =	vadd.f32 v17, v19;
	v17 =	vmul.f32 v18, v18  }
0x289: {  	v10 =	vsub.f32 v10, v11;
	p0 =	sne.s32 s24, s22;
	v12 =	vmul.f32 v12, v12;
	v8 =	vsub.f32 v61, v8  }
.Ltmp20:
0x28a: {  	v13 =	vmul.f32 v13, v13;
	v62 =	vadd.f32 v15, v14;
	v63 =	vadd.f32 v17, v16;
	(pc) =	sbr.rel @p0 .LBB2_27-.Ltmp20, $4  }
.Ltmp21:
0x28b: {  	v10 =	vmul.f32 v10, v10;
	(pc) =	sbr.rel @!p0 .LBB2_30-.Ltmp21, $4  }
0x28c: {  	v8 =	vmul.f32 v8, v8;
	v9 =	vadd.f32 v12, v62;
	v11 =	vadd.f32 v13, v63  }
0x28d: {  	_ = 	snop  }
0x28e: {  	s23 =	sadd.s32 $0x1, s23;
	v16 =	vadd.f32 v10, v9;
	v15 =	vadd.f32 v8, v11  }
0x28f: {  	_ = 	snop  }
.LBB2_33:
0x290: {  	_ =	sfence.sel $0x180000  }
0x291: {  	[bflag:$0x0] =	sbarrier.arrive $0xFFFF  }
0x292: {  	_ =	strace $0x90000047  }
0x293: {  	s0 =	stileid.u32;
	[bflag:$0x2] =	sbarrier.arrive $0xFFFF  }
0x294: {  	p0 =	sne.s32 s0, $0x0;
	s0 =	rddreg [dreg:$0x3]  }
0x295: {  	s0 =	sadd.s32 @!p0 $0x100000, s0  }
0x296: {  	[sflag:s0] =	ssyncadd.tile.s32 @!p0 $0x1;
	_ =	shalt  }
.Lfunc_end2:
_tile_overlayer_lowered:
.L_overlay_start_2:
0x297: {  	(tag) =	ssettag $0x2  }
0x298: {  	s0 =	rddreg [dreg:$0x0];
	s2 =	stileid.u32  }
0x299: {  	s1 =	rddreg [dreg:$0x1];
	p0 =	sne.s32 s2, $0x0  }
0x29a: {  	s3 =	rddreg [dreg:$0x2];
	[bflag:$0x3] =	sbarrier.arrive $0xFFFF;
	s2 =	simm.s32 @!p0 $0x1C04  }
0x29b: {  	[timem:s3], [sflag:s2] =	dma.local @!p0 [hbm:s0], s1  }
0x29c: {  	s0 =	simm.s32 @!p0 $0x4  }
0x29d: {  	_ =	swait.ge @!p0 [sflag:s0], s1  }
0x29e: {  	s1 =	ssub.s32 @!p0 $0x0, s1;
	[sflag:s0] =	ssyncset.done @!p0 $0x0  }
0x29f: {  	[sflag:s0] =	ssyncadd.s32 @!p0 s1  }
0x2a0: {  	[bflag:$0x3] =	sbarrier.arrive $0xFFFF  }
0x2a1: {  	_ =	shalt  }

</sc_bundles>
